<compile_context>
chip_gen: v7x
topology: tpu7x:2x2x1
jax: 0.10.2.dev20260603
libtpu: 0.0.44.dev20260713+nightly
codegen_flags: <defaults>
</compile_context>

<pallas_src>
import functools

import jax
import jax.numpy as jnp
from jax import lax
from jax.experimental import pallas as pl
from jax.experimental.pallas import tpu as pltpu
from jax.experimental.pallas import tpu_sc as plsc

N_NODES = 10000
N_PAD = 10240
N_EDGES = 320000
NC, NS = 2, 16
NW = NC * NS
AGG_C = 200
AGG_NCH = 50
EPWP = AGG_C * AGG_NCH
E_PAD = NW * EPWP - N_EDGES
RPT = N_PAD // NS
ROWBLK = 400
NBLK = N_NODES // ROWBLK


def _sc_mesh():
    return plsc.VectorSubcoreMesh(
        core_axis_name="c", subcore_axis_name="s", num_cores=NC, num_subcores=NS
    )


def _make_agg(F):
    C, NCH = AGG_C, AGG_NCH
    n_pairs = NCH // 2

    @functools.partial(
        pl.kernel,
        out_type=jax.ShapeDtypeStruct((NC, N_PAD, F), jnp.float32),
        mesh=_sc_mesh(),
        scratch_types=[
            pltpu.VMEM((C,), jnp.int32),
            pltpu.VMEM((C,), jnp.int32),
            pltpu.VMEM((C,), jnp.int32),
            pltpu.VMEM((C,), jnp.int32),
            pltpu.VMEM((C, F), jnp.float32),
            pltpu.VMEM_SHARED((N_PAD, F), jnp.float32),
            pltpu.SemaphoreType.DMA,
            pltpu.SemaphoreType.DMA,
            pltpu.SemaphoreType.DMA,
        ],
    )
    def agg(table_hbm, src_hbm, dst_hbm, zeros_hbm, out_hbm,
            sv0, dv0, sv1, dv1, rb, acc, si0, si1, sg):
        c = lax.axis_index("c")
        s = lax.axis_index("s")
        wid = c * NS + s
        base = wid * EPWP
        pltpu.sync_copy(zeros_hbm.at[pl.ds(s * RPT, RPT)],
                        acc.at[pl.ds(s * RPT, RPT)])
        plsc.subcore_barrier()

        def fire_idx(k, sv, dv, sem):
            pltpu.async_copy(src_hbm.at[pl.ds(base + k * C, C)], sv, sem)
            pltpu.async_copy(dst_hbm.at[pl.ds(base + k * C, C)], dv, sem)

        def wait_idx(k, sv, dv, sem):
            pltpu.make_async_copy(src_hbm.at[pl.ds(base + k * C, C)], sv,
                                  sem).wait()
            pltpu.make_async_copy(dst_hbm.at[pl.ds(base + k * C, C)], dv,
                                  sem).wait()

        def do_chunk(sv, dv):
            pltpu.async_copy(table_hbm.at[sv], rb, sg).wait()
            pltpu.sync_copy(rb, acc.at[dv], add=True)

        fire_idx(0, sv0, dv0, si0)

        def body(j, carry):
            k0 = 2 * j
            k1 = k0 + 1
            fire_idx(k1, sv1, dv1, si1)
            wait_idx(k0, sv0, dv0, si0)
            do_chunk(sv0, dv0)

            @pl.when(k0 + 2 < NCH)
            def _():
                fire_idx(k0 + 2, sv0, dv0, si0)

            wait_idx(k1, sv1, dv1, si1)
            do_chunk(sv1, dv1)
            return carry

        lax.fori_loop(0, n_pairs, body, 0)
        plsc.subcore_barrier()
        pltpu.sync_copy(acc.at[pl.ds(s * RPT, RPT)],
                        out_hbm.at[c, pl.ds(s * RPT, RPT)])

    return agg


_agg128 = _make_agg(128)


DEGW = 128


@functools.partial(
    pl.kernel,
    out_type=jax.ShapeDtypeStruct((NC, N_PAD, DEGW), jnp.float32),
    mesh=_sc_mesh(),
    scratch_types=[
        pltpu.VMEM((AGG_C,), jnp.int32),
        pltpu.VMEM((AGG_C,), jnp.int32),
        pltpu.VMEM((AGG_C, DEGW), jnp.float32),
        pltpu.VMEM_SHARED((N_PAD, DEGW), jnp.float32),
        pltpu.SemaphoreType.DMA,
        pltpu.SemaphoreType.DMA,
    ],
)
def _sc_deg(dst_hbm, ones_hbm, zeros_hbm, out_hbm, dv0, dv1, ones_v, acc,
            si0, si1):
    c = lax.axis_index("c")
    s = lax.axis_index("s")
    wid = c * NS + s
    base = wid * EPWP
    C, NCH = AGG_C, AGG_NCH
    pltpu.sync_copy(ones_hbm, ones_v)
    pltpu.sync_copy(zeros_hbm.at[pl.ds(s * RPT, RPT)],
                    acc.at[pl.ds(s * RPT, RPT)])
    plsc.subcore_barrier()

    def fire_idx(k, dv, sem):
        pltpu.async_copy(dst_hbm.at[pl.ds(base + k * C, C)], dv, sem)

    def wait_idx(k, dv, sem):
        pltpu.make_async_copy(dst_hbm.at[pl.ds(base + k * C, C)], dv,
                              sem).wait()

    fire_idx(0, dv0, si0)

    def body(j, carry):
        k0 = 2 * j
        k1 = k0 + 1
        fire_idx(k1, dv1, si1)
        wait_idx(k0, dv0, si0)
        pltpu.sync_copy(ones_v, acc.at[dv0], add=True)

        @pl.when(k0 + 2 < NCH)
        def _():
            fire_idx(k0 + 2, dv0, si0)

        wait_idx(k1, dv1, si1)
        pltpu.sync_copy(ones_v, acc.at[dv1], add=True)
        return carry

    lax.fori_loop(0, NCH // 2, body, 0)
    plsc.subcore_barrier()
    pltpu.sync_copy(acc.at[pl.ds(s * RPT, RPT)],
                    out_hbm.at[c, pl.ds(s * RPT, RPT)])


def _rowspec(F):
    return pl.BlockSpec((ROWBLK, F), lambda i: (i, 0))


def _partspec(F):
    return pl.BlockSpec((NC, ROWBLK, F), lambda i: (0, i, 0))


def _fullspec(shape):
    nd = len(shape)
    return pl.BlockSpec(shape, lambda i: (0,) * nd)


def _pre_body(degp_ref, x_ref, dis_ref, s0_ref):
    deg = degp_ref[0] + degp_ref[1] + 1.0
    dis = lax.rsqrt(deg)
    dis_ref[...] = dis
    s0_ref[...] = dis * x_ref[...]


_tc_pre = pl.pallas_call(
    _pre_body,
    grid=(NBLK,),
    in_specs=[_partspec(1), _rowspec(128)],
    out_specs=[_rowspec(1), _rowspec(128)],
    out_shape=[
        jax.ShapeDtypeStruct((N_NODES, 1), jnp.float32),
        jax.ShapeDtypeStruct((N_NODES, 128), jnp.float32),
    ],
)


def _mm12_body(p1_ref, s0_ref, dis_ref, w1_ref, b1_ref, w2_ref, zs2_ref):
    dis = dis_ref[...]
    t = dis * (p1_ref[0] + p1_ref[1] + s0_ref[...])
    h1 = jnp.maximum(
        jnp.dot(t.astype(jnp.bfloat16), w1_ref[...].astype(jnp.bfloat16),
                preferred_element_type=jnp.float32)
        + b1_ref[...], 0.0)
    z = dis * jnp.dot(h1.astype(jnp.bfloat16),
                      w2_ref[...].astype(jnp.bfloat16),
                      preferred_element_type=jnp.float32)
    zs2_ref[0] = z[:, :128]
    zs2_ref[1] = z[:, 128:]


_tc_mm12 = pl.pallas_call(
    _mm12_body,
    grid=(NBLK,),
    in_specs=[
        _partspec(128), _rowspec(128), _rowspec(1),
        _fullspec((128, 256)), _fullspec((1, 256)), _fullspec((256, 256)),
    ],
    out_specs=_partspec(128),
    out_shape=jax.ShapeDtypeStruct((2, N_NODES, 128), jnp.float32),
)


def _post2mm3_body(p2a_ref, p2b_ref, zs2_ref, dis_ref, b2_ref, w3_ref,
                   zs3_ref):
    dis = dis_ref[...]
    h2lo = jnp.maximum(dis * (p2a_ref[0] + p2a_ref[1] + zs2_ref[0])
                       + b2_ref[0], 0.0)
    h2hi = jnp.maximum(dis * (p2b_ref[0] + p2b_ref[1] + zs2_ref[1])
                       + b2_ref[1], 0.0)
    h2 = jnp.concatenate([h2lo, h2hi], axis=1)
    zs3_ref[...] = dis * jnp.dot(h2.astype(jnp.bfloat16),
                                 w3_ref[...].astype(jnp.bfloat16),
                                 preferred_element_type=jnp.float32)


_tc_post2mm3 = pl.pallas_call(
    _post2mm3_body,
    grid=(NBLK,),
    in_specs=[
        _partspec(128), _partspec(128), _partspec(128), _rowspec(1),
        _fullspec((2, 1, 128)), _fullspec((256, 128)),
    ],
    out_specs=_rowspec(128),
    out_shape=jax.ShapeDtypeStruct((N_NODES, 128), jnp.float32),
)


def _post3_body(p3_ref, zs3_ref, dis_ref, b3_ref, out_ref):
    out_ref[...] = (dis_ref[...] * (p3_ref[0] + p3_ref[1] + zs3_ref[...])
                    + b3_ref[...])


_tc_post3 = pl.pallas_call(
    _post3_body,
    grid=(NBLK,),
    in_specs=[_partspec(128), _rowspec(128), _rowspec(1), _fullspec((1, 128))],
    out_specs=_rowspec(128),
    out_shape=jax.ShapeDtypeStruct((N_NODES, 128), jnp.float32),
)


def kernel(x, edge_index, W1, b1, W2, b2, W3, b3):
    src = edge_index[0].astype(jnp.int32)
    dst = edge_index[1].astype(jnp.int32)

    zeros128 = jnp.zeros((N_PAD, 128), jnp.float32)
    zerosw = jnp.zeros((N_PAD, DEGW), jnp.float32)
    onesw = jnp.ones((AGG_C, DEGW), jnp.float32)

    degp = _sc_deg(dst, onesw, zerosw)
    dis, s0 = _tc_pre(degp[:, :N_NODES, 0:1], x)

    def agg(t, F):
        return _agg128(t, src, dst, zeros128)[:, :N_NODES]

    P1 = agg(s0, 128)
    zs2 = _tc_mm12(P1, s0, dis, W1, b1.reshape(1, 256), W2)

    P2a = agg(zs2[0], 128)
    P2b = agg(zs2[1], 128)
    W3p = jnp.pad(W3, ((0, 0), (0, 88)))
    zs3 = _tc_post2mm3(P2a, P2b, zs2, dis, b2.reshape(2, 1, 128), W3p)

    P3 = agg(zs3, 128)
    b3p = jnp.pad(b3, (0, 88)).reshape(1, 128)
    out = _tc_post3(P3, zs3, dis, b3p)
    return out[:, :40]

# --- scband reference (transcript-rebuilt; emitter-appended) ---
"""Pipeline reference for scband-gcnmodel-87050397155626 (READ-ONLY COPY).

The authoritative reference and input builder live on the scoring server;
editing this copy changes nothing except your own understanding.
"""

import jax, jax.numpy as jnp
import numpy as np

N_NODES = 10000
N_EDGES = 320000
NUM_FEATURES = 128
HIDDEN_DIM = 256
NUM_CLASSES = 40


def _glorot(key, shape):
    fan_in, fan_out = shape[0], shape[1]
    limit = jnp.sqrt(6.0 / (fan_in + fan_out))
    return jax.random.uniform(key, shape, minval=-limit, maxval=limit, dtype=jnp.float32)


def setup_inputs(seed: int = 0) -> dict:
    key = jax.random.key(seed)
    k_x, k_e, k1, k2, k3 = jax.random.split(key, 5)
    x = jax.random.normal(k_x, (N_NODES, NUM_FEATURES), dtype=jnp.float32)
    edge_index = jax.random.randint(k_e, (2, N_EDGES), 0, N_NODES, dtype=jnp.int64)
    W1 = _glorot(k1, (NUM_FEATURES, HIDDEN_DIM))
    b1 = jnp.zeros((HIDDEN_DIM,), dtype=jnp.float32)
    W2 = _glorot(k2, (HIDDEN_DIM, HIDDEN_DIM))
    b2 = jnp.zeros((HIDDEN_DIM,), dtype=jnp.float32)
    W3 = _glorot(k3, (HIDDEN_DIM, NUM_CLASSES))
    b3 = jnp.zeros((NUM_CLASSES,), dtype=jnp.float32)
    return {"x": x, "edge_index": edge_index, "W1": W1, "b1": b1, "W2": W2, "b2": b2, "W3": W3, "b3": b3}


def _gcn_conv(x, src, dst, num_nodes, W, b):
    # PyG GCNConv with add_self_loops=True, normalize=True (sym norm), eval mode.
    loop = jnp.arange(num_nodes, dtype=src.dtype)
    src_f = jnp.concatenate([src, loop])
    dst_f = jnp.concatenate([dst, loop])
    # degree computed on destination (col) with unit edge weights
    deg = jnp.zeros((num_nodes,), dtype=x.dtype).at[dst_f].add(1.0)
    deg_inv_sqrt = jnp.where(deg > 0, deg ** -0.5, 0.0)
    norm = deg_inv_sqrt[src_f] * deg_inv_sqrt[dst_f]
    h = x @ W
    msg = h[src_f] * norm[:, None]
    out = jnp.zeros((num_nodes, h.shape[1]), dtype=h.dtype).at[dst_f].add(msg)
    return out + b


def reference(x, edge_index, W1, b1, W2, b2, W3, b3):
    src, dst = edge_index[0], edge_index[1]
    n = x.shape[0]
    h = _gcn_conv(x, src, dst, n, W1, b1)
    h = jax.nn.relu(h)  # dropout is identity in eval
    h = _gcn_conv(h, src, dst, n, W2, b2)
    h = jax.nn.relu(h)
    h = _gcn_conv(h, src, dst, n, W3, b3)
    return h

if __name__ == "__main__":
    import jax
    _d = setup_inputs()
    print(jax.jit(kernel)(*tuple(_d.values())))

</pallas_src>

<mosaic_0001>
#map = affine_map<(d0, d1) -> (0, 0)>
#map1 = affine_map<(d0, d1) -> (0)>
#map2 = affine_map<(d0, d1) -> (0, 0, 0)>
module attributes {stable_mosaic.version = 14 : i64} {
  func.func @agg(%arg0: i32, %arg1: i32, %arg2: memref<10000x128xf32, #tpu.memory_space<hbm>>, %arg3: memref<320000xi32, #tpu.memory_space<hbm>>, %arg4: memref<320000xi32, #tpu.memory_space<hbm>>, %arg5: memref<10240x128xf32, #tpu.memory_space<hbm>>, %arg6: memref<2x10240x128xf32, #tpu.memory_space<hbm>>, %arg7: memref<200xi32, #tpu.memory_space<vmem>>, %arg8: memref<200xi32, #tpu.memory_space<vmem>>, %arg9: memref<200xi32, #tpu.memory_space<vmem>>, %arg10: memref<200xi32, #tpu.memory_space<vmem>>, %arg11: memref<200x128xf32, #tpu.memory_space<vmem>>, %arg12: memref<10240x128xf32, #tpu.memory_space<vmem_shared>>, %arg13: memref<!tpu.dma_semaphore, #tpu.memory_space<semaphore_mem>>, %arg14: memref<!tpu.dma_semaphore, #tpu.memory_space<semaphore_mem>>, %arg15: memref<!tpu.dma_semaphore, #tpu.memory_space<semaphore_mem>>) attributes {dimension_semantics = [#tpu.dimension_semantics<core_parallel>, #tpu.dimension_semantics<subcore_parallel>], iteration_bounds = array<i64: 2, 16>, scalar_prefetch = 0 : i64, scratch_operands = 9 : i64, tpu.core_type = #tpu.core_type<sc_vector_subcore>, window_params = [{transform_indices = #map}, {transform_indices = #map1}, {transform_indices = #map1}, {transform_indices = #map}, {transform_indices = #map2}]} {
    %mul3A = arith.constant 16 : i32
    %mul3A_0 = arith.muli %arg0, %mul3A : i32
    %add3A = arith.addi %mul3A_0, %arg1 : i32
    %mul3A_1 = arith.constant 10000 : i32
    %mul3A_2 = arith.muli %add3A, %mul3A_1 : i32
    %mul3A_3 = arith.constant 640 : i32
    %mul3A_4 = arith.muli %arg1, %mul3A_3 : i32
    %mul3A_5 = arith.constant 640 : i32
    %mul3A_6 = arith.muli %arg1, %mul3A_5 : i32
    "tpu.region"() ({
      %run_scoped3A = tpu.sem_alloc : memref<!tpu.dma_semaphore, #tpu.memory_space<semaphore_mem>>
      %dma_start3A_24 = arith.constant 0 : i32
      %dma_start3A_25 = tpu.memref_slice %arg12[%mul3A_6, %dma_start3A_24] : memref<10240x128xf32, #tpu.memory_space<vmem_shared>> -> memref<640x128xf32, #tpu.memory_space<vmem_shared>>
      %dma_start3A_26 = arith.constant 0 : i32
      %dma_start3A_27 = tpu.memref_slice %arg5[%mul3A_4, %dma_start3A_26] : memref<10240x128xf32, #tpu.memory_space<hbm>> -> memref<640x128xf32, #tpu.memory_space<hbm>>
      tpu.enqueue_dma source(%dma_start3A_27 : memref<640x128xf32, #tpu.memory_space<hbm>>) target(%dma_start3A_25 : memref<640x128xf32, #tpu.memory_space<vmem_shared>>) target_semaphore(%run_scoped3A : memref<!tpu.dma_semaphore, #tpu.memory_space<semaphore_mem>>)
      %dma_wait3A = arith.constant 0 : i32
      %dma_wait3A_28 = tpu.memref_slice %arg12[%mul3A_6, %dma_wait3A] : memref<10240x128xf32, #tpu.memory_space<vmem_shared>> -> memref<640x128xf32, #tpu.memory_space<vmem_shared>>
      %dma_wait3A_29 = arith.constant 0 : i32
      %dma_wait3A_30 = tpu.memref_slice %arg5[%mul3A_4, %dma_wait3A_29] : memref<10240x128xf32, #tpu.memory_space<hbm>> -> memref<640x128xf32, #tpu.memory_space<hbm>>
      tpu.wait_dma2 semaphore(%run_scoped3A : memref<!tpu.dma_semaphore, #tpu.memory_space<semaphore_mem>>) src(%dma_wait3A_30 : memref<640x128xf32, #tpu.memory_space<hbm>>) dst(%dma_wait3A_28 : memref<640x128xf32, #tpu.memory_space<vmem_shared>>)
      tpu.yield
    }) : () -> ()
    %barrier3A = arith.constant 0 : index
    tpu.barrier barrier_id(%barrier3A)
    %add3A_7 = arith.constant 0 : i32
    %add3A_8 = arith.addi %mul3A_2, %add3A_7 : i32
    %dma_start3A = tpu.memref_slice %arg3[%add3A_8] : memref<320000xi32, #tpu.memory_space<hbm>> -> memref<200xi32, #tpu.memory_space<hbm>>
    %dma_start3A_9 = tpu.memref_slice %arg3[%add3A_8] : memref<320000xi32, #tpu.memory_space<hbm>> -> memref<200xi32, #tpu.memory_space<hbm>>
    tpu.enqueue_dma source(%dma_start3A_9 : memref<200xi32, #tpu.memory_space<hbm>>) target(%arg7 : memref<200xi32, #tpu.memory_space<vmem>>) target_semaphore(%arg13 : memref<!tpu.dma_semaphore, #tpu.memory_space<semaphore_mem>>)
    %add3A_10 = arith.constant 0 : i32
    %add3A_11 = arith.addi %mul3A_2, %add3A_10 : i32
    %dma_start3A_12 = tpu.memref_slice %arg4[%add3A_11] : memref<320000xi32, #tpu.memory_space<hbm>> -> memref<200xi32, #tpu.memory_space<hbm>>
    %dma_start3A_13 = tpu.memref_slice %arg4[%add3A_11] : memref<320000xi32, #tpu.memory_space<hbm>> -> memref<200xi32, #tpu.memory_space<hbm>>
    tpu.enqueue_dma source(%dma_start3A_13 : memref<200xi32, #tpu.memory_space<hbm>>) target(%arg8 : memref<200xi32, #tpu.memory_space<vmem>>) target_semaphore(%arg13 : memref<!tpu.dma_semaphore, #tpu.memory_space<semaphore_mem>>)
    %scan3A = arith.constant 0 : i32
    %scan3A_14 = arith.constant 0 : i32
    %scan3A_15 = arith.constant 25 : i32
    %scan3A_16 = arith.addi %scan3A_14, %scan3A_15 : i32
    %scan3A_17 = arith.constant 1 : i32
    scf.for %scan3A_24 = %scan3A_14 to %scan3A_16 step %scan3A_17  : i32 {
      %mul3A_25 = arith.constant 2 : i32
      %mul3A_26 = arith.muli %mul3A_25, %scan3A_24 : i32
      %add3A_27 = arith.constant 1 : i32
      %add3A_28 = arith.addi %mul3A_26, %add3A_27 : i32
      %mul3A_29 = arith.constant 200 : i32
      %mul3A_30 = arith.muli %add3A_28, %mul3A_29 : i32
      %add3A_31 = arith.addi %mul3A_2, %mul3A_30 : i32
      %dma_start3A_32 = tpu.memref_slice %arg3[%add3A_31] : memref<320000xi32, #tpu.memory_space<hbm>> -> memref<200xi32, #tpu.memory_space<hbm>>
      %dma_start3A_33 = tpu.memref_slice %arg3[%add3A_31] : memref<320000xi32, #tpu.memory_space<hbm>> -> memref<200xi32, #tpu.memory_space<hbm>>
      tpu.enqueue_dma source(%dma_start3A_33 : memref<200xi32, #tpu.memory_space<hbm>>) target(%arg9 : memref<200xi32, #tpu.memory_space<vmem>>) target_semaphore(%arg14 : memref<!tpu.dma_semaphore, #tpu.memory_space<semaphore_mem>>)
      %mul3A_34 = arith.constant 200 : i32
      %mul3A_35 = arith.muli %add3A_28, %mul3A_34 : i32
      %add3A_36 = arith.addi %mul3A_2, %mul3A_35 : i32
      %dma_start3A_37 = tpu.memref_slice %arg4[%add3A_36] : memref<320000xi32, #tpu.memory_space<hbm>> -> memref<200xi32, #tpu.memory_space<hbm>>
      %dma_start3A_38 = tpu.memref_slice %arg4[%add3A_36] : memref<320000xi32, #tpu.memory_space<hbm>> -> memref<200xi32, #tpu.memory_space<hbm>>
      tpu.enqueue_dma source(%dma_start3A_38 : memref<200xi32, #tpu.memory_space<hbm>>) target(%arg10 : memref<200xi32, #tpu.memory_space<vmem>>) target_semaphore(%arg14 : memref<!tpu.dma_semaphore, #tpu.memory_space<semaphore_mem>>)
      %mul3A_39 = arith.constant 200 : i32
      %mul3A_40 = arith.muli %mul3A_26, %mul3A_39 : i32
      %add3A_41 = arith.addi %mul3A_2, %mul3A_40 : i32
      %dma_wait3A = tpu.memref_slice %arg3[%add3A_41] : memref<320000xi32, #tpu.memory_space<hbm>> -> memref<200xi32, #tpu.memory_space<hbm>>
      %dma_wait3A_42 = tpu.memref_slice %arg3[%add3A_41] : memref<320000xi32, #tpu.memory_space<hbm>> -> memref<200xi32, #tpu.memory_space<hbm>>
      tpu.wait_dma2 semaphore(%arg13 : memref<!tpu.dma_semaphore, #tpu.memory_space<semaphore_mem>>) src(%dma_wait3A_42 : memref<200xi32, #tpu.memory_space<hbm>>) dst(%arg7 : memref<200xi32, #tpu.memory_space<vmem>>)
      %mul3A_43 = arith.constant 200 : i32
      %mul3A_44 = arith.muli %mul3A_26, %mul3A_43 : i32
      %add3A_45 = arith.addi %mul3A_2, %mul3A_44 : i32
      %dma_wait3A_46 = tpu.memref_slice %arg4[%add3A_45] : memref<320000xi32, #tpu.memory_space<hbm>> -> memref<200xi32, #tpu.memory_space<hbm>>
      %dma_wait3A_47 = tpu.memref_slice %arg4[%add3A_45] : memref<320000xi32, #tpu.memory_space<hbm>> -> memref<200xi32, #tpu.memory_space<hbm>>
      tpu.wait_dma2 semaphore(%arg13 : memref<!tpu.dma_semaphore, #tpu.memory_space<semaphore_mem>>) src(%dma_wait3A_47 : memref<200xi32, #tpu.memory_space<hbm>>) dst(%arg8 : memref<200xi32, #tpu.memory_space<vmem>>)
      %dma_start3A_48 = arith.constant 0 : i32
      %dma_start3A_49 = arith.constant 0 : i32
      %dma_start3A_50 = tpu.memref_slice %arg2[%dma_start3A_48, %dma_start3A_49] : memref<10000x128xf32, #tpu.memory_space<hbm>> -> memref<10000x128xf32, #tpu.memory_space<hbm>>
      tpu.enqueue_indirect_dma source(%dma_start3A_50 : memref<10000x128xf32, #tpu.memory_space<hbm>>) target(%arg11 : memref<200x128xf32, #tpu.memory_space<vmem>>) offsets(%arg7 : memref<200xi32, #tpu.memory_space<vmem>>) semaphore(%arg15 : memref<!tpu.dma_semaphore, #tpu.memory_space<semaphore_mem>>)
      %dma_wait3A_51 = arith.constant 0 : i32
      %dma_wait3A_52 = arith.constant 0 : i32
      %dma_wait3A_53 = tpu.memref_slice %arg2[%dma_wait3A_51, %dma_wait3A_52] : memref<10000x128xf32, #tpu.memory_space<hbm>> -> memref<10000x128xf32, #tpu.memory_space<hbm>>
      tpu.wait_indirect_dma semaphore(%arg15 : memref<!tpu.dma_semaphore, #tpu.memory_space<semaphore_mem>>) src(%dma_wait3A_53 : memref<10000x128xf32, #tpu.memory_space<hbm>>) dst(%arg11 : memref<200x128xf32, #tpu.memory_space<vmem>>)
      "tpu.region"() ({
        %run_scoped3A = tpu.sem_alloc : memref<!tpu.dma_semaphore, #tpu.memory_space<semaphore_mem>>
        %dma_start3A_74 = arith.constant 0 : i32
        %dma_start3A_75 = arith.constant 0 : i32
        %dma_start3A_76 = tpu.memref_slice %arg12[%dma_start3A_74, %dma_start3A_75] : memref<10240x128xf32, #tpu.memory_space<vmem_shared>> -> memref<10240x128xf32, #tpu.memory_space<vmem_shared>>
        tpu.enqueue_indirect_dma source(%arg11 : memref<200x128xf32, #tpu.memory_space<vmem>>) target(%dma_start3A_76 : memref<10240x128xf32, #tpu.memory_space<vmem_shared>>) offsets(%arg8 : memref<200xi32, #tpu.memory_space<vmem>>) semaphore(%run_scoped3A : memref<!tpu.dma_semaphore, #tpu.memory_space<semaphore_mem>>) {add = true}
        %dma_wait3A_77 = arith.constant 0 : i32
        %dma_wait3A_78 = arith.constant 0 : i32
        %dma_wait3A_79 = tpu.memref_slice %arg12[%dma_wait3A_77, %dma_wait3A_78] : memref<10240x128xf32, #tpu.memory_space<vmem_shared>> -> memref<10240x128xf32, #tpu.memory_space<vmem_shared>>
        tpu.wait_indirect_dma semaphore(%run_scoped3A : memref<!tpu.dma_semaphore, #tpu.memory_space<semaphore_mem>>) src(%arg11 : memref<200x128xf32, #tpu.memory_space<vmem>>) dst(%dma_wait3A_79 : memref<10240x128xf32, #tpu.memory_space<vmem_shared>>)
        tpu.yield
      }) : () -> ()
      %add3A_54 = arith.constant 2 : i32
      %add3A_55 = arith.addi %mul3A_26, %add3A_54 : i32
      %lt3A = arith.constant 50 : i32
      %lt3A_56 = arith.cmpi slt, %add3A_55, %lt3A : i32
      %convert_element_type3A = arith.extui %lt3A_56 : i1 to i32
      %cond3A = arith.constant 0 : i32
      %cond3A_57 = arith.cmpi ne, %convert_element_type3A, %cond3A : i32
      scf.if %cond3A_57 {
        %add3A_74 = arith.constant 2 : i32
        %add3A_75 = arith.addi %mul3A_26, %add3A_74 : i32
        %mul3A_76 = arith.constant 200 : i32
        %mul3A_77 = arith.muli %add3A_75, %mul3A_76 : i32
        %add3A_78 = arith.addi %mul3A_2, %mul3A_77 : i32
        %dma_start3A_79 = tpu.memref_slice %arg3[%add3A_78] : memref<320000xi32, #tpu.memory_space<hbm>> -> memref<200xi32, #tpu.memory_space<hbm>>
        %dma_start3A_80 = tpu.memref_slice %arg3[%add3A_78] : memref<320000xi32, #tpu.memory_space<hbm>> -> memref<200xi32, #tpu.memory_space<hbm>>
        tpu.enqueue_dma source(%dma_start3A_80 : memref<200xi32, #tpu.memory_space<hbm>>) target(%arg7 : memref<200xi32, #tpu.memory_space<vmem>>) target_semaphore(%arg13 : memref<!tpu.dma_semaphore, #tpu.memory_space<semaphore_mem>>)
        %mul3A_81 = arith.constant 200 : i32
        %mul3A_82 = arith.muli %add3A_75, %mul3A_81 : i32
        %add3A_83 = arith.addi %mul3A_2, %mul3A_82 : i32
        %dma_start3A_84 = tpu.memref_slice %arg4[%add3A_83] : memref<320000xi32, #tpu.memory_space<hbm>> -> memref<200xi32, #tpu.memory_space<hbm>>
        %dma_start3A_85 = tpu.memref_slice %arg4[%add3A_83] : memref<320000xi32, #tpu.memory_space<hbm>> -> memref<200xi32, #tpu.memory_space<hbm>>
        tpu.enqueue_dma source(%dma_start3A_85 : memref<200xi32, #tpu.memory_space<hbm>>) target(%arg8 : memref<200xi32, #tpu.memory_space<vmem>>) target_semaphore(%arg13 : memref<!tpu.dma_semaphore, #tpu.memory_space<semaphore_mem>>)
      } else {
      }
      %mul3A_58 = arith.constant 200 : i32
      %mul3A_59 = arith.muli %add3A_28, %mul3A_58 : i32
      %add3A_60 = arith.addi %mul3A_2, %mul3A_59 : i32
      %dma_wait3A_61 = tpu.memref_slice %arg3[%add3A_60] : memref<320000xi32, #tpu.memory_space<hbm>> -> memref<200xi32, #tpu.memory_space<hbm>>
      %dma_wait3A_62 = tpu.memref_slice %arg3[%add3A_60] : memref<320000xi32, #tpu.memory_space<hbm>> -> memref<200xi32, #tpu.memory_space<hbm>>
      tpu.wait_dma2 semaphore(%arg14 : memref<!tpu.dma_semaphore, #tpu.memory_space<semaphore_mem>>) src(%dma_wait3A_62 : memref<200xi32, #tpu.memory_space<hbm>>) dst(%arg9 : memref<200xi32, #tpu.memory_space<vmem>>)
      %mul3A_63 = arith.constant 200 : i32
      %mul3A_64 = arith.muli %add3A_28, %mul3A_63 : i32
      %add3A_65 = arith.addi %mul3A_2, %mul3A_64 : i32
      %dma_wait3A_66 = tpu.memref_slice %arg4[%add3A_65] : memref<320000xi32, #tpu.memory_space<hbm>> -> memref<200xi32, #tpu.memory_space<hbm>>
      %dma_wait3A_67 = tpu.memref_slice %arg4[%add3A_65] : memref<320000xi32, #tpu.memory_space<hbm>> -> memref<200xi32, #tpu.memory_space<hbm>>
      tpu.wait_dma2 semaphore(%arg14 : memref<!tpu.dma_semaphore, #tpu.memory_space<semaphore_mem>>) src(%dma_wait3A_67 : memref<200xi32, #tpu.memory_space<hbm>>) dst(%arg10 : memref<200xi32, #tpu.memory_space<vmem>>)
      %dma_start3A_68 = arith.constant 0 : i32
      %dma_start3A_69 = arith.constant 0 : i32
      %dma_start3A_70 = tpu.memref_slice %arg2[%dma_start3A_68, %dma_start3A_69] : memref<10000x128xf32, #tpu.memory_space<hbm>> -> memref<10000x128xf32, #tpu.memory_space<hbm>>
      tpu.enqueue_indirect_dma source(%dma_start3A_70 : memref<10000x128xf32, #tpu.memory_space<hbm>>) target(%arg11 : memref<200x128xf32, #tpu.memory_space<vmem>>) offsets(%arg9 : memref<200xi32, #tpu.memory_space<vmem>>) semaphore(%arg15 : memref<!tpu.dma_semaphore, #tpu.memory_space<semaphore_mem>>)
      %dma_wait3A_71 = arith.constant 0 : i32
      %dma_wait3A_72 = arith.constant 0 : i32
      %dma_wait3A_73 = tpu.memref_slice %arg2[%dma_wait3A_71, %dma_wait3A_72] : memref<10000x128xf32, #tpu.memory_space<hbm>> -> memref<10000x128xf32, #tpu.memory_space<hbm>>
      tpu.wait_indirect_dma semaphore(%arg15 : memref<!tpu.dma_semaphore, #tpu.memory_space<semaphore_mem>>) src(%dma_wait3A_73 : memref<10000x128xf32, #tpu.memory_space<hbm>>) dst(%arg11 : memref<200x128xf32, #tpu.memory_space<vmem>>)
      "tpu.region"() ({
        %run_scoped3A = tpu.sem_alloc : memref<!tpu.dma_semaphore, #tpu.memory_space<semaphore_mem>>
        %dma_start3A_74 = arith.constant 0 : i32
        %dma_start3A_75 = arith.constant 0 : i32
        %dma_start3A_76 = tpu.memref_slice %arg12[%dma_start3A_74, %dma_start3A_75] : memref<10240x128xf32, #tpu.memory_space<vmem_shared>> -> memref<10240x128xf32, #tpu.memory_space<vmem_shared>>
        tpu.enqueue_indirect_dma source(%arg11 : memref<200x128xf32, #tpu.memory_space<vmem>>) target(%dma_start3A_76 : memref<10240x128xf32, #tpu.memory_space<vmem_shared>>) offsets(%arg10 : memref<200xi32, #tpu.memory_space<vmem>>) semaphore(%run_scoped3A : memref<!tpu.dma_semaphore, #tpu.memory_space<semaphore_mem>>) {add = true}
        %dma_wait3A_77 = arith.constant 0 : i32
        %dma_wait3A_78 = arith.constant 0 : i32
        %dma_wait3A_79 = tpu.memref_slice %arg12[%dma_wait3A_77, %dma_wait3A_78] : memref<10240x128xf32, #tpu.memory_space<vmem_shared>> -> memref<10240x128xf32, #tpu.memory_space<vmem_shared>>
        tpu.wait_indirect_dma semaphore(%run_scoped3A : memref<!tpu.dma_semaphore, #tpu.memory_space<semaphore_mem>>) src(%arg11 : memref<200x128xf32, #tpu.memory_space<vmem>>) dst(%dma_wait3A_79 : memref<10240x128xf32, #tpu.memory_space<vmem_shared>>)
        tpu.yield
      }) : () -> ()
    }
    %scan3A_18 = arith.constant 25 : i32
    %barrier3A_19 = arith.constant 0 : index
    tpu.barrier barrier_id(%barrier3A_19)
    %mul3A_20 = arith.constant 640 : i32
    %mul3A_21 = arith.muli %arg1, %mul3A_20 : i32
    %mul3A_22 = arith.constant 640 : i32
    %mul3A_23 = arith.muli %arg1, %mul3A_22 : i32
    "tpu.region"() ({
      %run_scoped3A = tpu.sem_alloc : memref<!tpu.dma_semaphore, #tpu.memory_space<semaphore_mem>>
      %dma_start3A_24 = arith.constant 0 : i32
      %dma_start3A_25 = tpu.memref_slice %arg6[%arg0, %mul3A_23, %dma_start3A_24] : memref<2x10240x128xf32, #tpu.memory_space<hbm>> -> memref<1x640x128xf32, #tpu.memory_space<hbm>>
      %dma_start3A_26 = tpu.memref_squeeze %dma_start3A_25 : memref<1x640x128xf32, #tpu.memory_space<hbm>> -> memref<640x128xf32, #tpu.memory_space<hbm>>
      %dma_start3A_27 = arith.constant 0 : i32
      %dma_start3A_28 = tpu.memref_slice %arg12[%mul3A_21, %dma_start3A_27] : memref<10240x128xf32, #tpu.memory_space<vmem_shared>> -> memref<640x128xf32, #tpu.memory_space<vmem_shared>>
      tpu.enqueue_dma source(%dma_start3A_28 : memref<640x128xf32, #tpu.memory_space<vmem_shared>>) target(%dma_start3A_26 : memref<640x128xf32, #tpu.memory_space<hbm>>) target_semaphore(%run_scoped3A : memref<!tpu.dma_semaphore, #tpu.memory_space<semaphore_mem>>)
      %dma_wait3A = arith.constant 0 : i32
      %dma_wait3A_29 = tpu.memref_slice %arg6[%arg0, %mul3A_23, %dma_wait3A] : memref<2x10240x128xf32, #tpu.memory_space<hbm>> -> memref<1x640x128xf32, #tpu.memory_space<hbm>>
      %dma_wait3A_30 = tpu.memref_squeeze %dma_wait3A_29 : memref<1x640x128xf32, #tpu.memory_space<hbm>> -> memref<640x128xf32, #tpu.memory_space<hbm>>
      %dma_wait3A_31 = arith.constant 0 : i32
      %dma_wait3A_32 = tpu.memref_slice %arg12[%mul3A_21, %dma_wait3A_31] : memref<10240x128xf32, #tpu.memory_space<vmem_shared>> -> memref<640x128xf32, #tpu.memory_space<vmem_shared>>
      tpu.wait_dma2 semaphore(%run_scoped3A : memref<!tpu.dma_semaphore, #tpu.memory_space<semaphore_mem>>) src(%dma_wait3A_32 : memref<640x128xf32, #tpu.memory_space<vmem_shared>>) dst(%dma_wait3A_30 : memref<640x128xf32, #tpu.memory_space<hbm>>)
      tpu.yield
    }) : () -> ()
    return
  }
}

#map = affine_map<(d0, d1) -> (0)>
#map1 = affine_map<(d0, d1) -> (0, 0)>
#map2 = affine_map<(d0, d1) -> (0, 0, 0)>
module attributes {stable_mosaic.version = 14 : i64} {
  func.func @_sc_deg(%arg0: i32, %arg1: i32, %arg2: memref<320000xi32, #tpu.memory_space<hbm>>, %arg3: memref<200x128xf32, #tpu.memory_space<hbm>>, %arg4: memref<10240x128xf32, #tpu.memory_space<hbm>>, %arg5: memref<2x10240x128xf32, #tpu.memory_space<hbm>>, %arg6: memref<200xi32, #tpu.memory_space<vmem>>, %arg7: memref<200xi32, #tpu.memory_space<vmem>>, %arg8: memref<200x128xf32, #tpu.memory_space<vmem>>, %arg9: memref<10240x128xf32, #tpu.memory_space<vmem_shared>>, %arg10: memref<!tpu.dma_semaphore, #tpu.memory_space<semaphore_mem>>, %arg11: memref<!tpu.dma_semaphore, #tpu.memory_space<semaphore_mem>>) attributes {dimension_semantics = [#tpu.dimension_semantics<core_parallel>, #tpu.dimension_semantics<subcore_parallel>], iteration_bounds = array<i64: 2, 16>, scalar_prefetch = 0 : i64, scratch_operands = 6 : i64, tpu.core_type = #tpu.core_type<sc_vector_subcore>, window_params = [{transform_indices = #map}, {transform_indices = #map1}, {transform_indices = #map1}, {transform_indices = #map2}]} {
    %mul3A = arith.constant 16 : i32
    %mul3A_0 = arith.muli %arg0, %mul3A : i32
    %add3A = arith.addi %mul3A_0, %arg1 : i32
    %mul3A_1 = arith.constant 10000 : i32
    %mul3A_2 = arith.muli %add3A, %mul3A_1 : i32
    "tpu.region"() ({
      %run_scoped3A = tpu.sem_alloc : memref<!tpu.dma_semaphore, #tpu.memory_space<semaphore_mem>>
      tpu.enqueue_dma source(%arg3 : memref<200x128xf32, #tpu.memory_space<hbm>>) target(%arg8 : memref<200x128xf32, #tpu.memory_space<vmem>>) target_semaphore(%run_scoped3A : memref<!tpu.dma_semaphore, #tpu.memory_space<semaphore_mem>>)
      tpu.wait_dma2 semaphore(%run_scoped3A : memref<!tpu.dma_semaphore, #tpu.memory_space<semaphore_mem>>) src(%arg3 : memref<200x128xf32, #tpu.memory_space<hbm>>) dst(%arg8 : memref<200x128xf32, #tpu.memory_space<vmem>>)
      tpu.yield
    }) : () -> ()
    %mul3A_3 = arith.constant 640 : i32
    %mul3A_4 = arith.muli %arg1, %mul3A_3 : i32
    %mul3A_5 = arith.constant 640 : i32
    %mul3A_6 = arith.muli %arg1, %mul3A_5 : i32
    "tpu.region"() ({
      %run_scoped3A = tpu.sem_alloc : memref<!tpu.dma_semaphore, #tpu.memory_space<semaphore_mem>>
      %dma_start3A_20 = arith.constant 0 : i32
      %dma_start3A_21 = tpu.memref_slice %arg9[%mul3A_6, %dma_start3A_20] : memref<10240x128xf32, #tpu.memory_space<vmem_shared>> -> memref<640x128xf32, #tpu.memory_space<vmem_shared>>
      %dma_start3A_22 = arith.constant 0 : i32
      %dma_start3A_23 = tpu.memref_slice %arg4[%mul3A_4, %dma_start3A_22] : memref<10240x128xf32, #tpu.memory_space<hbm>> -> memref<640x128xf32, #tpu.memory_space<hbm>>
      tpu.enqueue_dma source(%dma_start3A_23 : memref<640x128xf32, #tpu.memory_space<hbm>>) target(%dma_start3A_21 : memref<640x128xf32, #tpu.memory_space<vmem_shared>>) target_semaphore(%run_scoped3A : memref<!tpu.dma_semaphore, #tpu.memory_space<semaphore_mem>>)
      %dma_wait3A = arith.constant 0 : i32
      %dma_wait3A_24 = tpu.memref_slice %arg9[%mul3A_6, %dma_wait3A] : memref<10240x128xf32, #tpu.memory_space<vmem_shared>> -> memref<640x128xf32, #tpu.memory_space<vmem_shared>>
      %dma_wait3A_25 = arith.constant 0 : i32
      %dma_wait3A_26 = tpu.memref_slice %arg4[%mul3A_4, %dma_wait3A_25] : memref<10240x128xf32, #tpu.memory_space<hbm>> -> memref<640x128xf32, #tpu.memory_space<hbm>>
      tpu.wait_dma2 semaphore(%run_scoped3A : memref<!tpu.dma_semaphore, #tpu.memory_space<semaphore_mem>>) src(%dma_wait3A_26 : memref<640x128xf32, #tpu.memory_space<hbm>>) dst(%dma_wait3A_24 : memref<640x128xf32, #tpu.memory_space<vmem_shared>>)
      tpu.yield
    }) : () -> ()
    %barrier3A = arith.constant 0 : index
    tpu.barrier barrier_id(%barrier3A)
    %add3A_7 = arith.constant 0 : i32
    %add3A_8 = arith.addi %mul3A_2, %add3A_7 : i32
    %dma_start3A = tpu.memref_slice %arg2[%add3A_8] : memref<320000xi32, #tpu.memory_space<hbm>> -> memref<200xi32, #tpu.memory_space<hbm>>
    %dma_start3A_9 = tpu.memref_slice %arg2[%add3A_8] : memref<320000xi32, #tpu.memory_space<hbm>> -> memref<200xi32, #tpu.memory_space<hbm>>
    tpu.enqueue_dma source(%dma_start3A_9 : memref<200xi32, #tpu.memory_space<hbm>>) target(%arg6 : memref<200xi32, #tpu.memory_space<vmem>>) target_semaphore(%arg10 : memref<!tpu.dma_semaphore, #tpu.memory_space<semaphore_mem>>)
    %scan3A = arith.constant 0 : i32
    %scan3A_10 = arith.constant 0 : i32
    %scan3A_11 = arith.constant 25 : i32
    %scan3A_12 = arith.addi %scan3A_10, %scan3A_11 : i32
    %scan3A_13 = arith.constant 1 : i32
    scf.for %scan3A_20 = %scan3A_10 to %scan3A_12 step %scan3A_13  : i32 {
      %mul3A_21 = arith.constant 2 : i32
      %mul3A_22 = arith.muli %mul3A_21, %scan3A_20 : i32
      %add3A_23 = arith.constant 1 : i32
      %add3A_24 = arith.addi %mul3A_22, %add3A_23 : i32
      %mul3A_25 = arith.constant 200 : i32
      %mul3A_26 = arith.muli %add3A_24, %mul3A_25 : i32
      %add3A_27 = arith.addi %mul3A_2, %mul3A_26 : i32
      %dma_start3A_28 = tpu.memref_slice %arg2[%add3A_27] : memref<320000xi32, #tpu.memory_space<hbm>> -> memref<200xi32, #tpu.memory_space<hbm>>
      %dma_start3A_29 = tpu.memref_slice %arg2[%add3A_27] : memref<320000xi32, #tpu.memory_space<hbm>> -> memref<200xi32, #tpu.memory_space<hbm>>
      tpu.enqueue_dma source(%dma_start3A_29 : memref<200xi32, #tpu.memory_space<hbm>>) target(%arg7 : memref<200xi32, #tpu.memory_space<vmem>>) target_semaphore(%arg11 : memref<!tpu.dma_semaphore, #tpu.memory_space<semaphore_mem>>)
      %mul3A_30 = arith.constant 200 : i32
      %mul3A_31 = arith.muli %mul3A_22, %mul3A_30 : i32
      %add3A_32 = arith.addi %mul3A_2, %mul3A_31 : i32
      %dma_wait3A = tpu.memref_slice %arg2[%add3A_32] : memref<320000xi32, #tpu.memory_space<hbm>> -> memref<200xi32, #tpu.memory_space<hbm>>
      %dma_wait3A_33 = tpu.memref_slice %arg2[%add3A_32] : memref<320000xi32, #tpu.memory_space<hbm>> -> memref<200xi32, #tpu.memory_space<hbm>>
      tpu.wait_dma2 semaphore(%arg10 : memref<!tpu.dma_semaphore, #tpu.memory_space<semaphore_mem>>) src(%dma_wait3A_33 : memref<200xi32, #tpu.memory_space<hbm>>) dst(%arg6 : memref<200xi32, #tpu.memory_space<vmem>>)
      "tpu.region"() ({
        %run_scoped3A = tpu.sem_alloc : memref<!tpu.dma_semaphore, #tpu.memory_space<semaphore_mem>>
        %dma_start3A_43 = arith.constant 0 : i32
        %dma_start3A_44 = arith.constant 0 : i32
        %dma_start3A_45 = tpu.memref_slice %arg9[%dma_start3A_43, %dma_start3A_44] : memref<10240x128xf32, #tpu.memory_space<vmem_shared>> -> memref<10240x128xf32, #tpu.memory_space<vmem_shared>>
        tpu.enqueue_indirect_dma source(%arg8 : memref<200x128xf32, #tpu.memory_space<vmem>>) target(%dma_start3A_45 : memref<10240x128xf32, #tpu.memory_space<vmem_shared>>) offsets(%arg6 : memref<200xi32, #tpu.memory_space<vmem>>) semaphore(%run_scoped3A : memref<!tpu.dma_semaphore, #tpu.memory_space<semaphore_mem>>) {add = true}
        %dma_wait3A_46 = arith.constant 0 : i32
        %dma_wait3A_47 = arith.constant 0 : i32
        %dma_wait3A_48 = tpu.memref_slice %arg9[%dma_wait3A_46, %dma_wait3A_47] : memref<10240x128xf32, #tpu.memory_space<vmem_shared>> -> memref<10240x128xf32, #tpu.memory_space<vmem_shared>>
        tpu.wait_indirect_dma semaphore(%run_scoped3A : memref<!tpu.dma_semaphore, #tpu.memory_space<semaphore_mem>>) src(%arg8 : memref<200x128xf32, #tpu.memory_space<vmem>>) dst(%dma_wait3A_48 : memref<10240x128xf32, #tpu.memory_space<vmem_shared>>)
        tpu.yield
      }) : () -> ()
      %add3A_34 = arith.constant 2 : i32
      %add3A_35 = arith.addi %mul3A_22, %add3A_34 : i32
      %lt3A = arith.constant 50 : i32
      %lt3A_36 = arith.cmpi slt, %add3A_35, %lt3A : i32
      %convert_element_type3A = arith.extui %lt3A_36 : i1 to i32
      %cond3A = arith.constant 0 : i32
      %cond3A_37 = arith.cmpi ne, %convert_element_type3A, %cond3A : i32
      scf.if %cond3A_37 {
        %add3A_43 = arith.constant 2 : i32
        %add3A_44 = arith.addi %mul3A_22, %add3A_43 : i32
        %mul3A_45 = arith.constant 200 : i32
        %mul3A_46 = arith.muli %add3A_44, %mul3A_45 : i32
        %add3A_47 = arith.addi %mul3A_2, %mul3A_46 : i32
        %dma_start3A_48 = tpu.memref_slice %arg2[%add3A_47] : memref<320000xi32, #tpu.memory_space<hbm>> -> memref<200xi32, #tpu.memory_space<hbm>>
        %dma_start3A_49 = tpu.memref_slice %arg2[%add3A_47] : memref<320000xi32, #tpu.memory_space<hbm>> -> memref<200xi32, #tpu.memory_space<hbm>>
        tpu.enqueue_dma source(%dma_start3A_49 : memref<200xi32, #tpu.memory_space<hbm>>) target(%arg6 : memref<200xi32, #tpu.memory_space<vmem>>) target_semaphore(%arg10 : memref<!tpu.dma_semaphore, #tpu.memory_space<semaphore_mem>>)
      } else {
      }
      %mul3A_38 = arith.constant 200 : i32
      %mul3A_39 = arith.muli %add3A_24, %mul3A_38 : i32
      %add3A_40 = arith.addi %mul3A_2, %mul3A_39 : i32
      %dma_wait3A_41 = tpu.memref_slice %arg2[%add3A_40] : memref<320000xi32, #tpu.memory_space<hbm>> -> memref<200xi32, #tpu.memory_space<hbm>>
      %dma_wait3A_42 = tpu.memref_slice %arg2[%add3A_40] : memref<320000xi32, #tpu.memory_space<hbm>> -> memref<200xi32, #tpu.memory_space<hbm>>
      tpu.wait_dma2 semaphore(%arg11 : memref<!tpu.dma_semaphore, #tpu.memory_space<semaphore_mem>>) src(%dma_wait3A_42 : memref<200xi32, #tpu.memory_space<hbm>>) dst(%arg7 : memref<200xi32, #tpu.memory_space<vmem>>)
      "tpu.region"() ({
        %run_scoped3A = tpu.sem_alloc : memref<!tpu.dma_semaphore, #tpu.memory_space<semaphore_mem>>
        %dma_start3A_43 = arith.constant 0 : i32
        %dma_start3A_44 = arith.constant 0 : i32
        %dma_start3A_45 = tpu.memref_slice %arg9[%dma_start3A_43, %dma_start3A_44] : memref<10240x128xf32, #tpu.memory_space<vmem_shared>> -> memref<10240x128xf32, #tpu.memory_space<vmem_shared>>
        tpu.enqueue_indirect_dma source(%arg8 : memref<200x128xf32, #tpu.memory_space<vmem>>) target(%dma_start3A_45 : memref<10240x128xf32, #tpu.memory_space<vmem_shared>>) offsets(%arg7 : memref<200xi32, #tpu.memory_space<vmem>>) semaphore(%run_scoped3A : memref<!tpu.dma_semaphore, #tpu.memory_space<semaphore_mem>>) {add = true}
        %dma_wait3A_46 = arith.constant 0 : i32
        %dma_wait3A_47 = arith.constant 0 : i32
        %dma_wait3A_48 = tpu.memref_slice %arg9[%dma_wait3A_46, %dma_wait3A_47] : memref<10240x128xf32, #tpu.memory_space<vmem_shared>> -> memref<10240x128xf32, #tpu.memory_space<vmem_shared>>
        tpu.wait_indirect_dma semaphore(%run_scoped3A : memref<!tpu.dma_semaphore, #tpu.memory_space<semaphore_mem>>) src(%arg8 : memref<200x128xf32, #tpu.memory_space<vmem>>) dst(%dma_wait3A_48 : memref<10240x128xf32, #tpu.memory_space<vmem_shared>>)
        tpu.yield
      }) : () -> ()
    }
    %scan3A_14 = arith.constant 25 : i32
    %barrier3A_15 = arith.constant 0 : index
    tpu.barrier barrier_id(%barrier3A_15)
    %mul3A_16 = arith.constant 640 : i32
    %mul3A_17 = arith.muli %arg1, %mul3A_16 : i32
    %mul3A_18 = arith.constant 640 : i32
    %mul3A_19 = arith.muli %arg1, %mul3A_18 : i32
    "tpu.region"() ({
      %run_scoped3A = tpu.sem_alloc : memref<!tpu.dma_semaphore, #tpu.memory_space<semaphore_mem>>
      %dma_start3A_20 = arith.constant 0 : i32
      %dma_start3A_21 = tpu.memref_slice %arg5[%arg0, %mul3A_19, %dma_start3A_20] : memref<2x10240x128xf32, #tpu.memory_space<hbm>> -> memref<1x640x128xf32, #tpu.memory_space<hbm>>
      %dma_start3A_22 = tpu.memref_squeeze %dma_start3A_21 : memref<1x640x128xf32, #tpu.memory_space<hbm>> -> memref<640x128xf32, #tpu.memory_space<hbm>>
      %dma_start3A_23 = arith.constant 0 : i32
      %dma_start3A_24 = tpu.memref_slice %arg9[%mul3A_17, %dma_start3A_23] : memref<10240x128xf32, #tpu.memory_space<vmem_shared>> -> memref<640x128xf32, #tpu.memory_space<vmem_shared>>
      tpu.enqueue_dma source(%dma_start3A_24 : memref<640x128xf32, #tpu.memory_space<vmem_shared>>) target(%dma_start3A_22 : memref<640x128xf32, #tpu.memory_space<hbm>>) target_semaphore(%run_scoped3A : memref<!tpu.dma_semaphore, #tpu.memory_space<semaphore_mem>>)
      %dma_wait3A = arith.constant 0 : i32
      %dma_wait3A_25 = tpu.memref_slice %arg5[%arg0, %mul3A_19, %dma_wait3A] : memref<2x10240x128xf32, #tpu.memory_space<hbm>> -> memref<1x640x128xf32, #tpu.memory_space<hbm>>
      %dma_wait3A_26 = tpu.memref_squeeze %dma_wait3A_25 : memref<1x640x128xf32, #tpu.memory_space<hbm>> -> memref<640x128xf32, #tpu.memory_space<hbm>>
      %dma_wait3A_27 = arith.constant 0 : i32
      %dma_wait3A_28 = tpu.memref_slice %arg9[%mul3A_17, %dma_wait3A_27] : memref<10240x128xf32, #tpu.memory_space<vmem_shared>> -> memref<640x128xf32, #tpu.memory_space<vmem_shared>>
      tpu.wait_dma2 semaphore(%run_scoped3A : memref<!tpu.dma_semaphore, #tpu.memory_space<semaphore_mem>>) src(%dma_wait3A_28 : memref<640x128xf32, #tpu.memory_space<vmem_shared>>) dst(%dma_wait3A_26 : memref<640x128xf32, #tpu.memory_space<hbm>>)
      tpu.yield
    }) : () -> ()
    return
  }
}

#map = affine_map<(d0, d1) -> (0, 0)>
#map1 = affine_map<(d0, d1) -> (0)>
#map2 = affine_map<(d0, d1) -> (0, 0, 0)>
module attributes {stable_mosaic.version = 14 : i64} {
  func.func @agg(%arg0: i32, %arg1: i32, %arg2: memref<10000x128xf32, #tpu.memory_space<hbm>>, %arg3: memref<320000xi32, #tpu.memory_space<hbm>>, %arg4: memref<320000xi32, #tpu.memory_space<hbm>>, %arg5: memref<10240x128xf32, #tpu.memory_space<hbm>>, %arg6: memref<2x10240x128xf32, #tpu.memory_space<hbm>>, %arg7: memref<200xi32, #tpu.memory_space<vmem>>, %arg8: memref<200xi32, #tpu.memory_space<vmem>>, %arg9: memref<200xi32, #tpu.memory_space<vmem>>, %arg10: memref<200xi32, #tpu.memory_space<vmem>>, %arg11: memref<200x128xf32, #tpu.memory_space<vmem>>, %arg12: memref<10240x128xf32, #tpu.memory_space<vmem_shared>>, %arg13: memref<!tpu.dma_semaphore, #tpu.memory_space<semaphore_mem>>, %arg14: memref<!tpu.dma_semaphore, #tpu.memory_space<semaphore_mem>>, %arg15: memref<!tpu.dma_semaphore, #tpu.memory_space<semaphore_mem>>) attributes {dimension_semantics = [#tpu.dimension_semantics<core_parallel>, #tpu.dimension_semantics<subcore_parallel>], iteration_bounds = array<i64: 2, 16>, scalar_prefetch = 0 : i64, scratch_operands = 9 : i64, tpu.core_type = #tpu.core_type<sc_vector_subcore>, window_params = [{transform_indices = #map}, {transform_indices = #map1}, {transform_indices = #map1}, {transform_indices = #map}, {transform_indices = #map2}]} {
    %mul3A = arith.constant 16 : i32
    %mul3A_0 = arith.muli %arg0, %mul3A : i32
    %add3A = arith.addi %mul3A_0, %arg1 : i32
    %mul3A_1 = arith.constant 10000 : i32
    %mul3A_2 = arith.muli %add3A, %mul3A_1 : i32
    %mul3A_3 = arith.constant 640 : i32
    %mul3A_4 = arith.muli %arg1, %mul3A_3 : i32
    %mul3A_5 = arith.constant 640 : i32
    %mul3A_6 = arith.muli %arg1, %mul3A_5 : i32
    "tpu.region"() ({
      %run_scoped3A = tpu.sem_alloc : memref<!tpu.dma_semaphore, #tpu.memory_space<semaphore_mem>>
      %dma_start3A_24 = arith.constant 0 : i32
      %dma_start3A_25 = tpu.memref_slice %arg12[%mul3A_6, %dma_start3A_24] : memref<10240x128xf32, #tpu.memory_space<vmem_shared>> -> memref<640x128xf32, #tpu.memory_space<vmem_shared>>
      %dma_start3A_26 = arith.constant 0 : i32
      %dma_start3A_27 = tpu.memref_slice %arg5[%mul3A_4, %dma_start3A_26] : memref<10240x128xf32, #tpu.memory_space<hbm>> -> memref<640x128xf32, #tpu.memory_space<hbm>>
      tpu.enqueue_dma source(%dma_start3A_27 : memref<640x128xf32, #tpu.memory_space<hbm>>) target(%dma_start3A_25 : memref<640x128xf32, #tpu.memory_space<vmem_shared>>) target_semaphore(%run_scoped3A : memref<!tpu.dma_semaphore, #tpu.memory_space<semaphore_mem>>)
      %dma_wait3A = arith.constant 0 : i32
      %dma_wait3A_28 = tpu.memref_slice %arg12[%mul3A_6, %dma_wait3A] : memref<10240x128xf32, #tpu.memory_space<vmem_shared>> -> memref<640x128xf32, #tpu.memory_space<vmem_shared>>
      %dma_wait3A_29 = arith.constant 0 : i32
      %dma_wait3A_30 = tpu.memref_slice %arg5[%mul3A_4, %dma_wait3A_29] : memref<10240x128xf32, #tpu.memory_space<hbm>> -> memref<640x128xf32, #tpu.memory_space<hbm>>
      tpu.wait_dma2 semaphore(%run_scoped3A : memref<!tpu.dma_semaphore, #tpu.memory_space<semaphore_mem>>) src(%dma_wait3A_30 : memref<640x128xf32, #tpu.memory_space<hbm>>) dst(%dma_wait3A_28 : memref<640x128xf32, #tpu.memory_space<vmem_shared>>)
      tpu.yield
    }) : () -> ()
    %barrier3A = arith.constant 0 : index
    tpu.barrier barrier_id(%barrier3A)
    %add3A_7 = arith.constant 0 : i32
    %add3A_8 = arith.addi %mul3A_2, %add3A_7 : i32
    %dma_start3A = tpu.memref_slice %arg3[%add3A_8] : memref<320000xi32, #tpu.memory_space<hbm>> -> memref<200xi32, #tpu.memory_space<hbm>>
    %dma_start3A_9 = tpu.memref_slice %arg3[%add3A_8] : memref<320000xi32, #tpu.memory_space<hbm>> -> memref<200xi32, #tpu.memory_space<hbm>>
    tpu.enqueue_dma source(%dma_start3A_9 : memref<200xi32, #tpu.memory_space<hbm>>) target(%arg7 : memref<200xi32, #tpu.memory_space<vmem>>) target_semaphore(%arg13 : memref<!tpu.dma_semaphore, #tpu.memory_space<semaphore_mem>>)
    %add3A_10 = arith.constant 0 : i32
    %add3A_11 = arith.addi %mul3A_2, %add3A_10 : i32
    %dma_start3A_12 = tpu.memref_slice %arg4[%add3A_11] : memref<320000xi32, #tpu.memory_space<hbm>> -> memref<200xi32, #tpu.memory_space<hbm>>
    %dma_start3A_13 = tpu.memref_slice %arg4[%add3A_11] : memref<320000xi32, #tpu.memory_space<hbm>> -> memref<200xi32, #tpu.memory_space<hbm>>
    tpu.enqueue_dma source(%dma_start3A_13 : memref<200xi32, #tpu.memory_space<hbm>>) target(%arg8 : memref<200xi32, #tpu.memory_space<vmem>>) target_semaphore(%arg13 : memref<!tpu.dma_semaphore, #tpu.memory_space<semaphore_mem>>)
    %scan3A = arith.constant 0 : i32
    %scan3A_14 = arith.constant 0 : i32
    %scan3A_15 = arith.constant 25 : i32
    %scan3A_16 = arith.addi %scan3A_14, %scan3A_15 : i32
    %scan3A_17 = arith.constant 1 : i32
    scf.for %scan3A_24 = %scan3A_14 to %scan3A_16 step %scan3A_17  : i32 {
      %mul3A_25 = arith.constant 2 : i32
      %mul3A_26 = arith.muli %mul3A_25, %scan3A_24 : i32
      %add3A_27 = arith.constant 1 : i32
      %add3A_28 = arith.addi %mul3A_26, %add3A_27 : i32
      %mul3A_29 = arith.constant 200 : i32
      %mul3A_30 = arith.muli %add3A_28, %mul3A_29 : i32
      %add3A_31 = arith.addi %mul3A_2, %mul3A_30 : i32
      %dma_start3A_32 = tpu.memref_slice %arg3[%add3A_31] : memref<320000xi32, #tpu.memory_space<hbm>> -> memref<200xi32, #tpu.memory_space<hbm>>
      %dma_start3A_33 = tpu.memref_slice %arg3[%add3A_31] : memref<320000xi32, #tpu.memory_space<hbm>> -> memref<200xi32, #tpu.memory_space<hbm>>
      tpu.enqueue_dma source(%dma_start3A_33 : memref<200xi32, #tpu.memory_space<hbm>>) target(%arg9 : memref<200xi32, #tpu.memory_space<vmem>>) target_semaphore(%arg14 : memref<!tpu.dma_semaphore, #tpu.memory_space<semaphore_mem>>)
      %mul3A_34 = arith.constant 200 : i32
      %mul3A_35 = arith.muli %add3A_28, %mul3A_34 : i32
      %add3A_36 = arith.addi %mul3A_2, %mul3A_35 : i32
      %dma_start3A_37 = tpu.memref_slice %arg4[%add3A_36] : memref<320000xi32, #tpu.memory_space<hbm>> -> memref<200xi32, #tpu.memory_space<hbm>>
      %dma_start3A_38 = tpu.memref_slice %arg4[%add3A_36] : memref<320000xi32, #tpu.memory_space<hbm>> -> memref<200xi32, #tpu.memory_space<hbm>>
      tpu.enqueue_dma source(%dma_start3A_38 : memref<200xi32, #tpu.memory_space<hbm>>) target(%arg10 : memref<200xi32, #tpu.memory_space<vmem>>) target_semaphore(%arg14 : memref<!tpu.dma_semaphore, #tpu.memory_space<semaphore_mem>>)
      %mul3A_39 = arith.constant 200 : i32
      %mul3A_40 = arith.muli %mul3A_26, %mul3A_39 : i32
      %add3A_41 = arith.addi %mul3A_2, %mul3A_40 : i32
      %dma_wait3A = tpu.memref_slice %arg3[%add3A_41] : memref<320000xi32, #tpu.memory_space<hbm>> -> memref<200xi32, #tpu.memory_space<hbm>>
      %dma_wait3A_42 = tpu.memref_slice %arg3[%add3A_41] : memref<320000xi32, #tpu.memory_space<hbm>> -> memref<200xi32, #tpu.memory_space<hbm>>
      tpu.wait_dma2 semaphore(%arg13 : memref<!tpu.dma_semaphore, #tpu.memory_space<semaphore_mem>>) src(%dma_wait3A_42 : memref<200xi32, #tpu.memory_space<hbm>>) dst(%arg7 : memref<200xi32, #tpu.memory_space<vmem>>)
      %mul3A_43 = arith.constant 200 : i32
      %mul3A_44 = arith.muli %mul3A_26, %mul3A_43 : i32
      %add3A_45 = arith.addi %mul3A_2, %mul3A_44 : i32
      %dma_wait3A_46 = tpu.memref_slice %arg4[%add3A_45] : memref<320000xi32, #tpu.memory_space<hbm>> -> memref<200xi32, #tpu.memory_space<hbm>>
      %dma_wait3A_47 = tpu.memref_slice %arg4[%add3A_45] : memref<320000xi32, #tpu.memory_space<hbm>> -> memref<200xi32, #tpu.memory_space<hbm>>
      tpu.wait_dma2 semaphore(%arg13 : memref<!tpu.dma_semaphore, #tpu.memory_space<semaphore_mem>>) src(%dma_wait3A_47 : memref<200xi32, #tpu.memory_space<hbm>>) dst(%arg8 : memref<200xi32, #tpu.memory_space<vmem>>)
      %dma_start3A_48 = arith.constant 0 : i32
      %dma_start3A_49 = arith.constant 0 : i32
      %dma_start3A_50 = tpu.memref_slice %arg2[%dma_start3A_48, %dma_start3A_49] : memref<10000x128xf32, #tpu.memory_space<hbm>> -> memref<10000x128xf32, #tpu.memory_space<hbm>>
      tpu.enqueue_indirect_dma source(%dma_start3A_50 : memref<10000x128xf32, #tpu.memory_space<hbm>>) target(%arg11 : memref<200x128xf32, #tpu.memory_space<vmem>>) offsets(%arg7 : memref<200xi32, #tpu.memory_space<vmem>>) semaphore(%arg15 : memref<!tpu.dma_semaphore, #tpu.memory_space<semaphore_mem>>)
      %dma_wait3A_51 = arith.constant 0 : i32
      %dma_wait3A_52 = arith.constant 0 : i32
      %dma_wait3A_53 = tpu.memref_slice %arg2[%dma_wait3A_51, %dma_wait3A_52] : memref<10000x128xf32, #tpu.memory_space<hbm>> -> memref<10000x128xf32, #tpu.memory_space<hbm>>
      tpu.wait_indirect_dma semaphore(%arg15 : memref<!tpu.dma_semaphore, #tpu.memory_space<semaphore_mem>>) src(%dma_wait3A_53 : memref<10000x128xf32, #tpu.memory_space<hbm>>) dst(%arg11 : memref<200x128xf32, #tpu.memory_space<vmem>>)
      "tpu.region"() ({
        %run_scoped3A = tpu.sem_alloc : memref<!tpu.dma_semaphore, #tpu.memory_space<semaphore_mem>>
        %dma_start3A_74 = arith.constant 0 : i32
        %dma_start3A_75 = arith.constant 0 : i32
        %dma_start3A_76 = tpu.memref_slice %arg12[%dma_start3A_74, %dma_start3A_75] : memref<10240x128xf32, #tpu.memory_space<vmem_shared>> -> memref<10240x128xf32, #tpu.memory_space<vmem_shared>>
        tpu.enqueue_indirect_dma source(%arg11 : memref<200x128xf32, #tpu.memory_space<vmem>>) target(%dma_start3A_76 : memref<10240x128xf32, #tpu.memory_space<vmem_shared>>) offsets(%arg8 : memref<200xi32, #tpu.memory_space<vmem>>) semaphore(%run_scoped3A : memref<!tpu.dma_semaphore, #tpu.memory_space<semaphore_mem>>) {add = true}
        %dma_wait3A_77 = arith.constant 0 : i32
        %dma_wait3A_78 = arith.constant 0 : i32
        %dma_wait3A_79 = tpu.memref_slice %arg12[%dma_wait3A_77, %dma_wait3A_78] : memref<10240x128xf32, #tpu.memory_space<vmem_shared>> -> memref<10240x128xf32, #tpu.memory_space<vmem_shared>>
        tpu.wait_indirect_dma semaphore(%run_scoped3A : memref<!tpu.dma_semaphore, #tpu.memory_space<semaphore_mem>>) src(%arg11 : memref<200x128xf32, #tpu.memory_space<vmem>>) dst(%dma_wait3A_79 : memref<10240x128xf32, #tpu.memory_space<vmem_shared>>)
        tpu.yield
      }) : () -> ()
      %add3A_54 = arith.constant 2 : i32
      %add3A_55 = arith.addi %mul3A_26, %add3A_54 : i32
      %lt3A = arith.constant 50 : i32
      %lt3A_56 = arith.cmpi slt, %add3A_55, %lt3A : i32
      %convert_element_type3A = arith.extui %lt3A_56 : i1 to i32
      %cond3A = arith.constant 0 : i32
      %cond3A_57 = arith.cmpi ne, %convert_element_type3A, %cond3A : i32
      scf.if %cond3A_57 {
        %add3A_74 = arith.constant 2 : i32
        %add3A_75 = arith.addi %mul3A_26, %add3A_74 : i32
        %mul3A_76 = arith.constant 200 : i32
        %mul3A_77 = arith.muli %add3A_75, %mul3A_76 : i32
        %add3A_78 = arith.addi %mul3A_2, %mul3A_77 : i32
        %dma_start3A_79 = tpu.memref_slice %arg3[%add3A_78] : memref<320000xi32, #tpu.memory_space<hbm>> -> memref<200xi32, #tpu.memory_space<hbm>>
        %dma_start3A_80 = tpu.memref_slice %arg3[%add3A_78] : memref<320000xi32, #tpu.memory_space<hbm>> -> memref<200xi32, #tpu.memory_space<hbm>>
        tpu.enqueue_dma source(%dma_start3A_80 : memref<200xi32, #tpu.memory_space<hbm>>) target(%arg7 : memref<200xi32, #tpu.memory_space<vmem>>) target_semaphore(%arg13 : memref<!tpu.dma_semaphore, #tpu.memory_space<semaphore_mem>>)
        %mul3A_81 = arith.constant 200 : i32
        %mul3A_82 = arith.muli %add3A_75, %mul3A_81 : i32
        %add3A_83 = arith.addi %mul3A_2, %mul3A_82 : i32
        %dma_start3A_84 = tpu.memref_slice %arg4[%add3A_83] : memref<320000xi32, #tpu.memory_space<hbm>> -> memref<200xi32, #tpu.memory_space<hbm>>
        %dma_start3A_85 = tpu.memref_slice %arg4[%add3A_83] : memref<320000xi32, #tpu.memory_space<hbm>> -> memref<200xi32, #tpu.memory_space<hbm>>
        tpu.enqueue_dma source(%dma_start3A_85 : memref<200xi32, #tpu.memory_space<hbm>>) target(%arg8 : memref<200xi32, #tpu.memory_space<vmem>>) target_semaphore(%arg13 : memref<!tpu.dma_semaphore, #tpu.memory_space<semaphore_mem>>)
      } else {
      }
      %mul3A_58 = arith.constant 200 : i32
      %mul3A_59 = arith.muli %add3A_28, %mul3A_58 : i32
      %add3A_60 = arith.addi %mul3A_2, %mul3A_59 : i32
      %dma_wait3A_61 = tpu.memref_slice %arg3[%add3A_60] : memref<320000xi32, #tpu.memory_space<hbm>> -> memref<200xi32, #tpu.memory_space<hbm>>
      %dma_wait3A_62 = tpu.memref_slice %arg3[%add3A_60] : memref<320000xi32, #tpu.memory_space<hbm>> -> memref<200xi32, #tpu.memory_space<hbm>>
      tpu.wait_dma2 semaphore(%arg14 : memref<!tpu.dma_semaphore, #tpu.memory_space<semaphore_mem>>) src(%dma_wait3A_62 : memref<200xi32, #tpu.memory_space<hbm>>) dst(%arg9 : memref<200xi32, #tpu.memory_space<vmem>>)
      %mul3A_63 = arith.constant 200 : i32
      %mul3A_64 = arith.muli %add3A_28, %mul3A_63 : i32
      %add3A_65 = arith.addi %mul3A_2, %mul3A_64 : i32
      %dma_wait3A_66 = tpu.memref_slice %arg4[%add3A_65] : memref<320000xi32, #tpu.memory_space<hbm>> -> memref<200xi32, #tpu.memory_space<hbm>>
      %dma_wait3A_67 = tpu.memref_slice %arg4[%add3A_65] : memref<320000xi32, #tpu.memory_space<hbm>> -> memref<200xi32, #tpu.memory_space<hbm>>
      tpu.wait_dma2 semaphore(%arg14 : memref<!tpu.dma_semaphore, #tpu.memory_space<semaphore_mem>>) src(%dma_wait3A_67 : memref<200xi32, #tpu.memory_space<hbm>>) dst(%arg10 : memref<200xi32, #tpu.memory_space<vmem>>)
      %dma_start3A_68 = arith.constant 0 : i32
      %dma_start3A_69 = arith.constant 0 : i32
      %dma_start3A_70 = tpu.memref_slice %arg2[%dma_start3A_68, %dma_start3A_69] : memref<10000x128xf32, #tpu.memory_space<hbm>> -> memref<10000x128xf32, #tpu.memory_space<hbm>>
      tpu.enqueue_indirect_dma source(%dma_start3A_70 : memref<10000x128xf32, #tpu.memory_space<hbm>>) target(%arg11 : memref<200x128xf32, #tpu.memory_space<vmem>>) offsets(%arg9 : memref<200xi32, #tpu.memory_space<vmem>>) semaphore(%arg15 : memref<!tpu.dma_semaphore, #tpu.memory_space<semaphore_mem>>)
      %dma_wait3A_71 = arith.constant 0 : i32
      %dma_wait3A_72 = arith.constant 0 : i32
      %dma_wait3A_73 = tpu.memref_slice %arg2[%dma_wait3A_71, %dma_wait3A_72] : memref<10000x128xf32, #tpu.memory_space<hbm>> -> memref<10000x128xf32, #tpu.memory_space<hbm>>
      tpu.wait_indirect_dma semaphore(%arg15 : memref<!tpu.dma_semaphore, #tpu.memory_space<semaphore_mem>>) src(%dma_wait3A_73 : memref<10000x128xf32, #tpu.memory_space<hbm>>) dst(%arg11 : memref<200x128xf32, #tpu.memory_space<vmem>>)
      "tpu.region"() ({
        %run_scoped3A = tpu.sem_alloc : memref<!tpu.dma_semaphore, #tpu.memory_space<semaphore_mem>>
        %dma_start3A_74 = arith.constant 0 : i32
        %dma_start3A_75 = arith.constant 0 : i32
        %dma_start3A_76 = tpu.memref_slice %arg12[%dma_start3A_74, %dma_start3A_75] : memref<10240x128xf32, #tpu.memory_space<vmem_shared>> -> memref<10240x128xf32, #tpu.memory_space<vmem_shared>>
        tpu.enqueue_indirect_dma source(%arg11 : memref<200x128xf32, #tpu.memory_space<vmem>>) target(%dma_start3A_76 : memref<10240x128xf32, #tpu.memory_space<vmem_shared>>) offsets(%arg10 : memref<200xi32, #tpu.memory_space<vmem>>) semaphore(%run_scoped3A : memref<!tpu.dma_semaphore, #tpu.memory_space<semaphore_mem>>) {add = true}
        %dma_wait3A_77 = arith.constant 0 : i32
        %dma_wait3A_78 = arith.constant 0 : i32
        %dma_wait3A_79 = tpu.memref_slice %arg12[%dma_wait3A_77, %dma_wait3A_78] : memref<10240x128xf32, #tpu.memory_space<vmem_shared>> -> memref<10240x128xf32, #tpu.memory_space<vmem_shared>>
        tpu.wait_indirect_dma semaphore(%run_scoped3A : memref<!tpu.dma_semaphore, #tpu.memory_space<semaphore_mem>>) src(%arg11 : memref<200x128xf32, #tpu.memory_space<vmem>>) dst(%dma_wait3A_79 : memref<10240x128xf32, #tpu.memory_space<vmem_shared>>)
        tpu.yield
      }) : () -> ()
    }
    %scan3A_18 = arith.constant 25 : i32
    %barrier3A_19 = arith.constant 0 : index
    tpu.barrier barrier_id(%barrier3A_19)
    %mul3A_20 = arith.constant 640 : i32
    %mul3A_21 = arith.muli %arg1, %mul3A_20 : i32
    %mul3A_22 = arith.constant 640 : i32
    %mul3A_23 = arith.muli %arg1, %mul3A_22 : i32
    "tpu.region"() ({
      %run_scoped3A = tpu.sem_alloc : memref<!tpu.dma_semaphore, #tpu.memory_space<semaphore_mem>>
      %dma_start3A_24 = arith.constant 0 : i32
      %dma_start3A_25 = tpu.memref_slice %arg6[%arg0, %mul3A_23, %dma_start3A_24] : memref<2x10240x128xf32, #tpu.memory_space<hbm>> -> memref<1x640x128xf32, #tpu.memory_space<hbm>>
      %dma_start3A_26 = tpu.memref_squeeze %dma_start3A_25 : memref<1x640x128xf32, #tpu.memory_space<hbm>> -> memref<640x128xf32, #tpu.memory_space<hbm>>
      %dma_start3A_27 = arith.constant 0 : i32
      %dma_start3A_28 = tpu.memref_slice %arg12[%mul3A_21, %dma_start3A_27] : memref<10240x128xf32, #tpu.memory_space<vmem_shared>> -> memref<640x128xf32, #tpu.memory_space<vmem_shared>>
      tpu.enqueue_dma source(%dma_start3A_28 : memref<640x128xf32, #tpu.memory_space<vmem_shared>>) target(%dma_start3A_26 : memref<640x128xf32, #tpu.memory_space<hbm>>) target_semaphore(%run_scoped3A : memref<!tpu.dma_semaphore, #tpu.memory_space<semaphore_mem>>)
      %dma_wait3A = arith.constant 0 : i32
      %dma_wait3A_29 = tpu.memref_slice %arg6[%arg0, %mul3A_23, %dma_wait3A] : memref<2x10240x128xf32, #tpu.memory_space<hbm>> -> memref<1x640x128xf32, #tpu.memory_space<hbm>>
      %dma_wait3A_30 = tpu.memref_squeeze %dma_wait3A_29 : memref<1x640x128xf32, #tpu.memory_space<hbm>> -> memref<640x128xf32, #tpu.memory_space<hbm>>
      %dma_wait3A_31 = arith.constant 0 : i32
      %dma_wait3A_32 = tpu.memref_slice %arg12[%mul3A_21, %dma_wait3A_31] : memref<10240x128xf32, #tpu.memory_space<vmem_shared>> -> memref<640x128xf32, #tpu.memory_space<vmem_shared>>
      tpu.wait_dma2 semaphore(%run_scoped3A : memref<!tpu.dma_semaphore, #tpu.memory_space<semaphore_mem>>) src(%dma_wait3A_32 : memref<640x128xf32, #tpu.memory_space<vmem_shared>>) dst(%dma_wait3A_30 : memref<640x128xf32, #tpu.memory_space<hbm>>)
      tpu.yield
    }) : () -> ()
    return
  }
}

#map = affine_map<(d0, d1) -> (0, 0)>
#map1 = affine_map<(d0, d1) -> (0)>
#map2 = affine_map<(d0, d1) -> (0, 0, 0)>
module attributes {stable_mosaic.version = 14 : i64} {
  func.func @agg(%arg0: i32, %arg1: i32, %arg2: memref<10000x128xf32, #tpu.memory_space<hbm>>, %arg3: memref<320000xi32, #tpu.memory_space<hbm>>, %arg4: memref<320000xi32, #tpu.memory_space<hbm>>, %arg5: memref<10240x128xf32, #tpu.memory_space<hbm>>, %arg6: memref<2x10240x128xf32, #tpu.memory_space<hbm>>, %arg7: memref<200xi32, #tpu.memory_space<vmem>>, %arg8: memref<200xi32, #tpu.memory_space<vmem>>, %arg9: memref<200xi32, #tpu.memory_space<vmem>>, %arg10: memref<200xi32, #tpu.memory_space<vmem>>, %arg11: memref<200x128xf32, #tpu.memory_space<vmem>>, %arg12: memref<10240x128xf32, #tpu.memory_space<vmem_shared>>, %arg13: memref<!tpu.dma_semaphore, #tpu.memory_space<semaphore_mem>>, %arg14: memref<!tpu.dma_semaphore, #tpu.memory_space<semaphore_mem>>, %arg15: memref<!tpu.dma_semaphore, #tpu.memory_space<semaphore_mem>>) attributes {dimension_semantics = [#tpu.dimension_semantics<core_parallel>, #tpu.dimension_semantics<subcore_parallel>], iteration_bounds = array<i64: 2, 16>, scalar_prefetch = 0 : i64, scratch_operands = 9 : i64, tpu.core_type = #tpu.core_type<sc_vector_subcore>, window_params = [{transform_indices = #map}, {transform_indices = #map1}, {transform_indices = #map1}, {transform_indices = #map}, {transform_indices = #map2}]} {
    %mul3A = arith.constant 16 : i32
    %mul3A_0 = arith.muli %arg0, %mul3A : i32
    %add3A = arith.addi %mul3A_0, %arg1 : i32
    %mul3A_1 = arith.constant 10000 : i32
    %mul3A_2 = arith.muli %add3A, %mul3A_1 : i32
    %mul3A_3 = arith.constant 640 : i32
    %mul3A_4 = arith.muli %arg1, %mul3A_3 : i32
    %mul3A_5 = arith.constant 640 : i32
    %mul3A_6 = arith.muli %arg1, %mul3A_5 : i32
    "tpu.region"() ({
      %run_scoped3A = tpu.sem_alloc : memref<!tpu.dma_semaphore, #tpu.memory_space<semaphore_mem>>
      %dma_start3A_24 = arith.constant 0 : i32
      %dma_start3A_25 = tpu.memref_slice %arg12[%mul3A_6, %dma_start3A_24] : memref<10240x128xf32, #tpu.memory_space<vmem_shared>> -> memref<640x128xf32, #tpu.memory_space<vmem_shared>>
      %dma_start3A_26 = arith.constant 0 : i32
      %dma_start3A_27 = tpu.memref_slice %arg5[%mul3A_4, %dma_start3A_26] : memref<10240x128xf32, #tpu.memory_space<hbm>> -> memref<640x128xf32, #tpu.memory_space<hbm>>
      tpu.enqueue_dma source(%dma_start3A_27 : memref<640x128xf32, #tpu.memory_space<hbm>>) target(%dma_start3A_25 : memref<640x128xf32, #tpu.memory_space<vmem_shared>>) target_semaphore(%run_scoped3A : memref<!tpu.dma_semaphore, #tpu.memory_space<semaphore_mem>>)
      %dma_wait3A = arith.constant 0 : i32
      %dma_wait3A_28 = tpu.memref_slice %arg12[%mul3A_6, %dma_wait3A] : memref<10240x128xf32, #tpu.memory_space<vmem_shared>> -> memref<640x128xf32, #tpu.memory_space<vmem_shared>>
      %dma_wait3A_29 = arith.constant 0 : i32
      %dma_wait3A_30 = tpu.memref_slice %arg5[%mul3A_4, %dma_wait3A_29] : memref<10240x128xf32, #tpu.memory_space<hbm>> -> memref<640x128xf32, #tpu.memory_space<hbm>>
      tpu.wait_dma2 semaphore(%run_scoped3A : memref<!tpu.dma_semaphore, #tpu.memory_space<semaphore_mem>>) src(%dma_wait3A_30 : memref<640x128xf32, #tpu.memory_space<hbm>>) dst(%dma_wait3A_28 : memref<640x128xf32, #tpu.memory_space<vmem_shared>>)
      tpu.yield
    }) : () -> ()
    %barrier3A = arith.constant 0 : index
    tpu.barrier barrier_id(%barrier3A)
    %add3A_7 = arith.constant 0 : i32
    %add3A_8 = arith.addi %mul3A_2, %add3A_7 : i32
    %dma_start3A = tpu.memref_slice %arg3[%add3A_8] : memref<320000xi32, #tpu.memory_space<hbm>> -> memref<200xi32, #tpu.memory_space<hbm>>
    %dma_start3A_9 = tpu.memref_slice %arg3[%add3A_8] : memref<320000xi32, #tpu.memory_space<hbm>> -> memref<200xi32, #tpu.memory_space<hbm>>
    tpu.enqueue_dma source(%dma_start3A_9 : memref<200xi32, #tpu.memory_space<hbm>>) target(%arg7 : memref<200xi32, #tpu.memory_space<vmem>>) target_semaphore(%arg13 : memref<!tpu.dma_semaphore, #tpu.memory_space<semaphore_mem>>)
    %add3A_10 = arith.constant 0 : i32
    %add3A_11 = arith.addi %mul3A_2, %add3A_10 : i32
    %dma_start3A_12 = tpu.memref_slice %arg4[%add3A_11] : memref<320000xi32, #tpu.memory_space<hbm>> -> memref<200xi32, #tpu.memory_space<hbm>>
    %dma_start3A_13 = tpu.memref_slice %arg4[%add3A_11] : memref<320000xi32, #tpu.memory_space<hbm>> -> memref<200xi32, #tpu.memory_space<hbm>>
    tpu.enqueue_dma source(%dma_start3A_13 : memref<200xi32, #tpu.memory_space<hbm>>) target(%arg8 : memref<200xi32, #tpu.memory_space<vmem>>) target_semaphore(%arg13 : memref<!tpu.dma_semaphore, #tpu.memory_space<semaphore_mem>>)
    %scan3A = arith.constant 0 : i32
    %scan3A_14 = arith.constant 0 : i32
    %scan3A_15 = arith.constant 25 : i32
    %scan3A_16 = arith.addi %scan3A_14, %scan3A_15 : i32
    %scan3A_17 = arith.constant 1 : i32
    scf.for %scan3A_24 = %scan3A_14 to %scan3A_16 step %scan3A_17  : i32 {
      %mul3A_25 = arith.constant 2 : i32
      %mul3A_26 = arith.muli %mul3A_25, %scan3A_24 : i32
      %add3A_27 = arith.constant 1 : i32
      %add3A_28 = arith.addi %mul3A_26, %add3A_27 : i32
      %mul3A_29 = arith.constant 200 : i32
      %mul3A_30 = arith.muli %add3A_28, %mul3A_29 : i32
      %add3A_31 = arith.addi %mul3A_2, %mul3A_30 : i32
      %dma_start3A_32 = tpu.memref_slice %arg3[%add3A_31] : memref<320000xi32, #tpu.memory_space<hbm>> -> memref<200xi32, #tpu.memory_space<hbm>>
      %dma_start3A_33 = tpu.memref_slice %arg3[%add3A_31] : memref<320000xi32, #tpu.memory_space<hbm>> -> memref<200xi32, #tpu.memory_space<hbm>>
      tpu.enqueue_dma source(%dma_start3A_33 : memref<200xi32, #tpu.memory_space<hbm>>) target(%arg9 : memref<200xi32, #tpu.memory_space<vmem>>) target_semaphore(%arg14 : memref<!tpu.dma_semaphore, #tpu.memory_space<semaphore_mem>>)
      %mul3A_34 = arith.constant 200 : i32
      %mul3A_35 = arith.muli %add3A_28, %mul3A_34 : i32
      %add3A_36 = arith.addi %mul3A_2, %mul3A_35 : i32
      %dma_start3A_37 = tpu.memref_slice %arg4[%add3A_36] : memref<320000xi32, #tpu.memory_space<hbm>> -> memref<200xi32, #tpu.memory_space<hbm>>
      %dma_start3A_38 = tpu.memref_slice %arg4[%add3A_36] : memref<320000xi32, #tpu.memory_space<hbm>> -> memref<200xi32, #tpu.memory_space<hbm>>
      tpu.enqueue_dma source(%dma_start3A_38 : memref<200xi32, #tpu.memory_space<hbm>>) target(%arg10 : memref<200xi32, #tpu.memory_space<vmem>>) target_semaphore(%arg14 : memref<!tpu.dma_semaphore, #tpu.memory_space<semaphore_mem>>)
      %mul3A_39 = arith.constant 200 : i32
      %mul3A_40 = arith.muli %mul3A_26, %mul3A_39 : i32
      %add3A_41 = arith.addi %mul3A_2, %mul3A_40 : i32
      %dma_wait3A = tpu.memref_slice %arg3[%add3A_41] : memref<320000xi32, #tpu.memory_space<hbm>> -> memref<200xi32, #tpu.memory_space<hbm>>
      %dma_wait3A_42 = tpu.memref_slice %arg3[%add3A_41] : memref<320000xi32, #tpu.memory_space<hbm>> -> memref<200xi32, #tpu.memory_space<hbm>>
      tpu.wait_dma2 semaphore(%arg13 : memref<!tpu.dma_semaphore, #tpu.memory_space<semaphore_mem>>) src(%dma_wait3A_42 : memref<200xi32, #tpu.memory_space<hbm>>) dst(%arg7 : memref<200xi32, #tpu.memory_space<vmem>>)
      %mul3A_43 = arith.constant 200 : i32
      %mul3A_44 = arith.muli %mul3A_26, %mul3A_43 : i32
      %add3A_45 = arith.addi %mul3A_2, %mul3A_44 : i32
      %dma_wait3A_46 = tpu.memref_slice %arg4[%add3A_45] : memref<320000xi32, #tpu.memory_space<hbm>> -> memref<200xi32, #tpu.memory_space<hbm>>
      %dma_wait3A_47 = tpu.memref_slice %arg4[%add3A_45] : memref<320000xi32, #tpu.memory_space<hbm>> -> memref<200xi32, #tpu.memory_space<hbm>>
      tpu.wait_dma2 semaphore(%arg13 : memref<!tpu.dma_semaphore, #tpu.memory_space<semaphore_mem>>) src(%dma_wait3A_47 : memref<200xi32, #tpu.memory_space<hbm>>) dst(%arg8 : memref<200xi32, #tpu.memory_space<vmem>>)
      %dma_start3A_48 = arith.constant 0 : i32
      %dma_start3A_49 = arith.constant 0 : i32
      %dma_start3A_50 = tpu.memref_slice %arg2[%dma_start3A_48, %dma_start3A_49] : memref<10000x128xf32, #tpu.memory_space<hbm>> -> memref<10000x128xf32, #tpu.memory_space<hbm>>
      tpu.enqueue_indirect_dma source(%dma_start3A_50 : memref<10000x128xf32, #tpu.memory_space<hbm>>) target(%arg11 : memref<200x128xf32, #tpu.memory_space<vmem>>) offsets(%arg7 : memref<200xi32, #tpu.memory_space<vmem>>) semaphore(%arg15 : memref<!tpu.dma_semaphore, #tpu.memory_space<semaphore_mem>>)
      %dma_wait3A_51 = arith.constant 0 : i32
      %dma_wait3A_52 = arith.constant 0 : i32
      %dma_wait3A_53 = tpu.memref_slice %arg2[%dma_wait3A_51, %dma_wait3A_52] : memref<10000x128xf32, #tpu.memory_space<hbm>> -> memref<10000x128xf32, #tpu.memory_space<hbm>>
      tpu.wait_indirect_dma semaphore(%arg15 : memref<!tpu.dma_semaphore, #tpu.memory_space<semaphore_mem>>) src(%dma_wait3A_53 : memref<10000x128xf32, #tpu.memory_space<hbm>>) dst(%arg11 : memref<200x128xf32, #tpu.memory_space<vmem>>)
      "tpu.region"() ({
        %run_scoped3A = tpu.sem_alloc : memref<!tpu.dma_semaphore, #tpu.memory_space<semaphore_mem>>
        %dma_start3A_74 = arith.constant 0 : i32
        %dma_start3A_75 = arith.constant 0 : i32
        %dma_start3A_76 = tpu.memref_slice %arg12[%dma_start3A_74, %dma_start3A_75] : memref<10240x128xf32, #tpu.memory_space<vmem_shared>> -> memref<10240x128xf32, #tpu.memory_space<vmem_shared>>
        tpu.enqueue_indirect_dma source(%arg11 : memref<200x128xf32, #tpu.memory_space<vmem>>) target(%dma_start3A_76 : memref<10240x128xf32, #tpu.memory_space<vmem_shared>>) offsets(%arg8 : memref<200xi32, #tpu.memory_space<vmem>>) semaphore(%run_scoped3A : memref<!tpu.dma_semaphore, #tpu.memory_space<semaphore_mem>>) {add = true}
        %dma_wait3A_77 = arith.constant 0 : i32
        %dma_wait3A_78 = arith.constant 0 : i32
        %dma_wait3A_79 = tpu.memref_slice %arg12[%dma_wait3A_77, %dma_wait3A_78] : memref<10240x128xf32, #tpu.memory_space<vmem_shared>> -> memref<10240x128xf32, #tpu.memory_space<vmem_shared>>
        tpu.wait_indirect_dma semaphore(%run_scoped3A : memref<!tpu.dma_semaphore, #tpu.memory_space<semaphore_mem>>) src(%arg11 : memref<200x128xf32, #tpu.memory_space<vmem>>) dst(%dma_wait3A_79 : memref<10240x128xf32, #tpu.memory_space<vmem_shared>>)
        tpu.yield
      }) : () -> ()
      %add3A_54 = arith.constant 2 : i32
      %add3A_55 = arith.addi %mul3A_26, %add3A_54 : i32
      %lt3A = arith.constant 50 : i32
      %lt3A_56 = arith.cmpi slt, %add3A_55, %lt3A : i32
      %convert_element_type3A = arith.extui %lt3A_56 : i1 to i32
      %cond3A = arith.constant 0 : i32
      %cond3A_57 = arith.cmpi ne, %convert_element_type3A, %cond3A : i32
      scf.if %cond3A_57 {
        %add3A_74 = arith.constant 2 : i32
        %add3A_75 = arith.addi %mul3A_26, %add3A_74 : i32
        %mul3A_76 = arith.constant 200 : i32
        %mul3A_77 = arith.muli %add3A_75, %mul3A_76 : i32
        %add3A_78 = arith.addi %mul3A_2, %mul3A_77 : i32
        %dma_start3A_79 = tpu.memref_slice %arg3[%add3A_78] : memref<320000xi32, #tpu.memory_space<hbm>> -> memref<200xi32, #tpu.memory_space<hbm>>
        %dma_start3A_80 = tpu.memref_slice %arg3[%add3A_78] : memref<320000xi32, #tpu.memory_space<hbm>> -> memref<200xi32, #tpu.memory_space<hbm>>
        tpu.enqueue_dma source(%dma_start3A_80 : memref<200xi32, #tpu.memory_space<hbm>>) target(%arg7 : memref<200xi32, #tpu.memory_space<vmem>>) target_semaphore(%arg13 : memref<!tpu.dma_semaphore, #tpu.memory_space<semaphore_mem>>)
        %mul3A_81 = arith.constant 200 : i32
        %mul3A_82 = arith.muli %add3A_75, %mul3A_81 : i32
        %add3A_83 = arith.addi %mul3A_2, %mul3A_82 : i32
        %dma_start3A_84 = tpu.memref_slice %arg4[%add3A_83] : memref<320000xi32, #tpu.memory_space<hbm>> -> memref<200xi32, #tpu.memory_space<hbm>>
        %dma_start3A_85 = tpu.memref_slice %arg4[%add3A_83] : memref<320000xi32, #tpu.memory_space<hbm>> -> memref<200xi32, #tpu.memory_space<hbm>>
        tpu.enqueue_dma source(%dma_start3A_85 : memref<200xi32, #tpu.memory_space<hbm>>) target(%arg8 : memref<200xi32, #tpu.memory_space<vmem>>) target_semaphore(%arg13 : memref<!tpu.dma_semaphore, #tpu.memory_space<semaphore_mem>>)
      } else {
      }
      %mul3A_58 = arith.constant 200 : i32
      %mul3A_59 = arith.muli %add3A_28, %mul3A_58 : i32
      %add3A_60 = arith.addi %mul3A_2, %mul3A_59 : i32
      %dma_wait3A_61 = tpu.memref_slice %arg3[%add3A_60] : memref<320000xi32, #tpu.memory_space<hbm>> -> memref<200xi32, #tpu.memory_space<hbm>>
      %dma_wait3A_62 = tpu.memref_slice %arg3[%add3A_60] : memref<320000xi32, #tpu.memory_space<hbm>> -> memref<200xi32, #tpu.memory_space<hbm>>
      tpu.wait_dma2 semaphore(%arg14 : memref<!tpu.dma_semaphore, #tpu.memory_space<semaphore_mem>>) src(%dma_wait3A_62 : memref<200xi32, #tpu.memory_space<hbm>>) dst(%arg9 : memref<200xi32, #tpu.memory_space<vmem>>)
      %mul3A_63 = arith.constant 200 : i32
      %mul3A_64 = arith.muli %add3A_28, %mul3A_63 : i32
      %add3A_65 = arith.addi %mul3A_2, %mul3A_64 : i32
      %dma_wait3A_66 = tpu.memref_slice %arg4[%add3A_65] : memref<320000xi32, #tpu.memory_space<hbm>> -> memref<200xi32, #tpu.memory_space<hbm>>
      %dma_wait3A_67 = tpu.memref_slice %arg4[%add3A_65] : memref<320000xi32, #tpu.memory_space<hbm>> -> memref<200xi32, #tpu.memory_space<hbm>>
      tpu.wait_dma2 semaphore(%arg14 : memref<!tpu.dma_semaphore, #tpu.memory_space<semaphore_mem>>) src(%dma_wait3A_67 : memref<200xi32, #tpu.memory_space<hbm>>) dst(%arg10 : memref<200xi32, #tpu.memory_space<vmem>>)
      %dma_start3A_68 = arith.constant 0 : i32
      %dma_start3A_69 = arith.constant 0 : i32
      %dma_start3A_70 = tpu.memref_slice %arg2[%dma_start3A_68, %dma_start3A_69] : memref<10000x128xf32, #tpu.memory_space<hbm>> -> memref<10000x128xf32, #tpu.memory_space<hbm>>
      tpu.enqueue_indirect_dma source(%dma_start3A_70 : memref<10000x128xf32, #tpu.memory_space<hbm>>) target(%arg11 : memref<200x128xf32, #tpu.memory_space<vmem>>) offsets(%arg9 : memref<200xi32, #tpu.memory_space<vmem>>) semaphore(%arg15 : memref<!tpu.dma_semaphore, #tpu.memory_space<semaphore_mem>>)
      %dma_wait3A_71 = arith.constant 0 : i32
      %dma_wait3A_72 = arith.constant 0 : i32
      %dma_wait3A_73 = tpu.memref_slice %arg2[%dma_wait3A_71, %dma_wait3A_72] : memref<10000x128xf32, #tpu.memory_space<hbm>> -> memref<10000x128xf32, #tpu.memory_space<hbm>>
      tpu.wait_indirect_dma semaphore(%arg15 : memref<!tpu.dma_semaphore, #tpu.memory_space<semaphore_mem>>) src(%dma_wait3A_73 : memref<10000x128xf32, #tpu.memory_space<hbm>>) dst(%arg11 : memref<200x128xf32, #tpu.memory_space<vmem>>)
      "tpu.region"() ({
        %run_scoped3A = tpu.sem_alloc : memref<!tpu.dma_semaphore, #tpu.memory_space<semaphore_mem>>
        %dma_start3A_74 = arith.constant 0 : i32
        %dma_start3A_75 = arith.constant 0 : i32
        %dma_start3A_76 = tpu.memref_slice %arg12[%dma_start3A_74, %dma_start3A_75] : memref<10240x128xf32, #tpu.memory_space<vmem_shared>> -> memref<10240x128xf32, #tpu.memory_space<vmem_shared>>
        tpu.enqueue_indirect_dma source(%arg11 : memref<200x128xf32, #tpu.memory_space<vmem>>) target(%dma_start3A_76 : memref<10240x128xf32, #tpu.memory_space<vmem_shared>>) offsets(%arg10 : memref<200xi32, #tpu.memory_space<vmem>>) semaphore(%run_scoped3A : memref<!tpu.dma_semaphore, #tpu.memory_space<semaphore_mem>>) {add = true}
        %dma_wait3A_77 = arith.constant 0 : i32
        %dma_wait3A_78 = arith.constant 0 : i32
        %dma_wait3A_79 = tpu.memref_slice %arg12[%dma_wait3A_77, %dma_wait3A_78] : memref<10240x128xf32, #tpu.memory_space<vmem_shared>> -> memref<10240x128xf32, #tpu.memory_space<vmem_shared>>
        tpu.wait_indirect_dma semaphore(%run_scoped3A : memref<!tpu.dma_semaphore, #tpu.memory_space<semaphore_mem>>) src(%arg11 : memref<200x128xf32, #tpu.memory_space<vmem>>) dst(%dma_wait3A_79 : memref<10240x128xf32, #tpu.memory_space<vmem_shared>>)
        tpu.yield
      }) : () -> ()
    }
    %scan3A_18 = arith.constant 25 : i32
    %barrier3A_19 = arith.constant 0 : index
    tpu.barrier barrier_id(%barrier3A_19)
    %mul3A_20 = arith.constant 640 : i32
    %mul3A_21 = arith.muli %arg1, %mul3A_20 : i32
    %mul3A_22 = arith.constant 640 : i32
    %mul3A_23 = arith.muli %arg1, %mul3A_22 : i32
    "tpu.region"() ({
      %run_scoped3A = tpu.sem_alloc : memref<!tpu.dma_semaphore, #tpu.memory_space<semaphore_mem>>
      %dma_start3A_24 = arith.constant 0 : i32
      %dma_start3A_25 = tpu.memref_slice %arg6[%arg0, %mul3A_23, %dma_start3A_24] : memref<2x10240x128xf32, #tpu.memory_space<hbm>> -> memref<1x640x128xf32, #tpu.memory_space<hbm>>
      %dma_start3A_26 = tpu.memref_squeeze %dma_start3A_25 : memref<1x640x128xf32, #tpu.memory_space<hbm>> -> memref<640x128xf32, #tpu.memory_space<hbm>>
      %dma_start3A_27 = arith.constant 0 : i32
      %dma_start3A_28 = tpu.memref_slice %arg12[%mul3A_21, %dma_start3A_27] : memref<10240x128xf32, #tpu.memory_space<vmem_shared>> -> memref<640x128xf32, #tpu.memory_space<vmem_shared>>
      tpu.enqueue_dma source(%dma_start3A_28 : memref<640x128xf32, #tpu.memory_space<vmem_shared>>) target(%dma_start3A_26 : memref<640x128xf32, #tpu.memory_space<hbm>>) target_semaphore(%run_scoped3A : memref<!tpu.dma_semaphore, #tpu.memory_space<semaphore_mem>>)
      %dma_wait3A = arith.constant 0 : i32
      %dma_wait3A_29 = tpu.memref_slice %arg6[%arg0, %mul3A_23, %dma_wait3A] : memref<2x10240x128xf32, #tpu.memory_space<hbm>> -> memref<1x640x128xf32, #tpu.memory_space<hbm>>
      %dma_wait3A_30 = tpu.memref_squeeze %dma_wait3A_29 : memref<1x640x128xf32, #tpu.memory_space<hbm>> -> memref<640x128xf32, #tpu.memory_space<hbm>>
      %dma_wait3A_31 = arith.constant 0 : i32
      %dma_wait3A_32 = tpu.memref_slice %arg12[%mul3A_21, %dma_wait3A_31] : memref<10240x128xf32, #tpu.memory_space<vmem_shared>> -> memref<640x128xf32, #tpu.memory_space<vmem_shared>>
      tpu.wait_dma2 semaphore(%run_scoped3A : memref<!tpu.dma_semaphore, #tpu.memory_space<semaphore_mem>>) src(%dma_wait3A_32 : memref<640x128xf32, #tpu.memory_space<vmem_shared>>) dst(%dma_wait3A_30 : memref<640x128xf32, #tpu.memory_space<hbm>>)
      tpu.yield
    }) : () -> ()
    return
  }
}

#map = affine_map<(d0, d1) -> (0, 0)>
#map1 = affine_map<(d0, d1) -> (0)>
#map2 = affine_map<(d0, d1) -> (0, 0, 0)>
module attributes {stable_mosaic.version = 14 : i64} {
  func.func @agg(%arg0: i32, %arg1: i32, %arg2: memref<10000x128xf32, #tpu.memory_space<hbm>>, %arg3: memref<320000xi32, #tpu.memory_space<hbm>>, %arg4: memref<320000xi32, #tpu.memory_space<hbm>>, %arg5: memref<10240x128xf32, #tpu.memory_space<hbm>>, %arg6: memref<2x10240x128xf32, #tpu.memory_space<hbm>>, %arg7: memref<200xi32, #tpu.memory_space<vmem>>, %arg8: memref<200xi32, #tpu.memory_space<vmem>>, %arg9: memref<200xi32, #tpu.memory_space<vmem>>, %arg10: memref<200xi32, #tpu.memory_space<vmem>>, %arg11: memref<200x128xf32, #tpu.memory_space<vmem>>, %arg12: memref<10240x128xf32, #tpu.memory_space<vmem_shared>>, %arg13: memref<!tpu.dma_semaphore, #tpu.memory_space<semaphore_mem>>, %arg14: memref<!tpu.dma_semaphore, #tpu.memory_space<semaphore_mem>>, %arg15: memref<!tpu.dma_semaphore, #tpu.memory_space<semaphore_mem>>) attributes {dimension_semantics = [#tpu.dimension_semantics<core_parallel>, #tpu.dimension_semantics<subcore_parallel>], iteration_bounds = array<i64: 2, 16>, scalar_prefetch = 0 : i64, scratch_operands = 9 : i64, tpu.core_type = #tpu.core_type<sc_vector_subcore>, window_params = [{transform_indices = #map}, {transform_indices = #map1}, {transform_indices = #map1}, {transform_indices = #map}, {transform_indices = #map2}]} {
    %mul3A = arith.constant 16 : i32
    %mul3A_0 = arith.muli %arg0, %mul3A : i32
    %add3A = arith.addi %mul3A_0, %arg1 : i32
    %mul3A_1 = arith.constant 10000 : i32
    %mul3A_2 = arith.muli %add3A, %mul3A_1 : i32
    %mul3A_3 = arith.constant 640 : i32
    %mul3A_4 = arith.muli %arg1, %mul3A_3 : i32
    %mul3A_5 = arith.constant 640 : i32
    %mul3A_6 = arith.muli %arg1, %mul3A_5 : i32
    "tpu.region"() ({
      %run_scoped3A = tpu.sem_alloc : memref<!tpu.dma_semaphore, #tpu.memory_space<semaphore_mem>>
      %dma_start3A_24 = arith.constant 0 : i32
      %dma_start3A_25 = tpu.memref_slice %arg12[%mul3A_6, %dma_start3A_24] : memref<10240x128xf32, #tpu.memory_space<vmem_shared>> -> memref<640x128xf32, #tpu.memory_space<vmem_shared>>
      %dma_start3A_26 = arith.constant 0 : i32
      %dma_start3A_27 = tpu.memref_slice %arg5[%mul3A_4, %dma_start3A_26] : memref<10240x128xf32, #tpu.memory_space<hbm>> -> memref<640x128xf32, #tpu.memory_space<hbm>>
      tpu.enqueue_dma source(%dma_start3A_27 : memref<640x128xf32, #tpu.memory_space<hbm>>) target(%dma_start3A_25 : memref<640x128xf32, #tpu.memory_space<vmem_shared>>) target_semaphore(%run_scoped3A : memref<!tpu.dma_semaphore, #tpu.memory_space<semaphore_mem>>)
      %dma_wait3A = arith.constant 0 : i32
      %dma_wait3A_28 = tpu.memref_slice %arg12[%mul3A_6, %dma_wait3A] : memref<10240x128xf32, #tpu.memory_space<vmem_shared>> -> memref<640x128xf32, #tpu.memory_space<vmem_shared>>
      %dma_wait3A_29 = arith.constant 0 : i32
      %dma_wait3A_30 = tpu.memref_slice %arg5[%mul3A_4, %dma_wait3A_29] : memref<10240x128xf32, #tpu.memory_space<hbm>> -> memref<640x128xf32, #tpu.memory_space<hbm>>
      tpu.wait_dma2 semaphore(%run_scoped3A : memref<!tpu.dma_semaphore, #tpu.memory_space<semaphore_mem>>) src(%dma_wait3A_30 : memref<640x128xf32, #tpu.memory_space<hbm>>) dst(%dma_wait3A_28 : memref<640x128xf32, #tpu.memory_space<vmem_shared>>)
      tpu.yield
    }) : () -> ()
    %barrier3A = arith.constant 0 : index
    tpu.barrier barrier_id(%barrier3A)
    %add3A_7 = arith.constant 0 : i32
    %add3A_8 = arith.addi %mul3A_2, %add3A_7 : i32
    %dma_start3A = tpu.memref_slice %arg3[%add3A_8] : memref<320000xi32, #tpu.memory_space<hbm>> -> memref<200xi32, #tpu.memory_space<hbm>>
    %dma_start3A_9 = tpu.memref_slice %arg3[%add3A_8] : memref<320000xi32, #tpu.memory_space<hbm>> -> memref<200xi32, #tpu.memory_space<hbm>>
    tpu.enqueue_dma source(%dma_start3A_9 : memref<200xi32, #tpu.memory_space<hbm>>) target(%arg7 : memref<200xi32, #tpu.memory_space<vmem>>) target_semaphore(%arg13 : memref<!tpu.dma_semaphore, #tpu.memory_space<semaphore_mem>>)
    %add3A_10 = arith.constant 0 : i32
    %add3A_11 = arith.addi %mul3A_2, %add3A_10 : i32
    %dma_start3A_12 = tpu.memref_slice %arg4[%add3A_11] : memref<320000xi32, #tpu.memory_space<hbm>> -> memref<200xi32, #tpu.memory_space<hbm>>
    %dma_start3A_13 = tpu.memref_slice %arg4[%add3A_11] : memref<320000xi32, #tpu.memory_space<hbm>> -> memref<200xi32, #tpu.memory_space<hbm>>
    tpu.enqueue_dma source(%dma_start3A_13 : memref<200xi32, #tpu.memory_space<hbm>>) target(%arg8 : memref<200xi32, #tpu.memory_space<vmem>>) target_semaphore(%arg13 : memref<!tpu.dma_semaphore, #tpu.memory_space<semaphore_mem>>)
    %scan3A = arith.constant 0 : i32
    %scan3A_14 = arith.constant 0 : i32
    %scan3A_15 = arith.constant 25 : i32
    %scan3A_16 = arith.addi %scan3A_14, %scan3A_15 : i32
    %scan3A_17 = arith.constant 1 : i32
    scf.for %scan3A_24 = %scan3A_14 to %scan3A_16 step %scan3A_17  : i32 {
      %mul3A_25 = arith.constant 2 : i32
      %mul3A_26 = arith.muli %mul3A_25, %scan3A_24 : i32
      %add3A_27 = arith.constant 1 : i32
      %add3A_28 = arith.addi %mul3A_26, %add3A_27 : i32
      %mul3A_29 = arith.constant 200 : i32
      %mul3A_30 = arith.muli %add3A_28, %mul3A_29 : i32
      %add3A_31 = arith.addi %mul3A_2, %mul3A_30 : i32
      %dma_start3A_32 = tpu.memref_slice %arg3[%add3A_31] : memref<320000xi32, #tpu.memory_space<hbm>> -> memref<200xi32, #tpu.memory_space<hbm>>
      %dma_start3A_33 = tpu.memref_slice %arg3[%add3A_31] : memref<320000xi32, #tpu.memory_space<hbm>> -> memref<200xi32, #tpu.memory_space<hbm>>
      tpu.enqueue_dma source(%dma_start3A_33 : memref<200xi32, #tpu.memory_space<hbm>>) target(%arg9 : memref<200xi32, #tpu.memory_space<vmem>>) target_semaphore(%arg14 : memref<!tpu.dma_semaphore, #tpu.memory_space<semaphore_mem>>)
      %mul3A_34 = arith.constant 200 : i32
      %mul3A_35 = arith.muli %add3A_28, %mul3A_34 : i32
      %add3A_36 = arith.addi %mul3A_2, %mul3A_35 : i32
      %dma_start3A_37 = tpu.memref_slice %arg4[%add3A_36] : memref<320000xi32, #tpu.memory_space<hbm>> -> memref<200xi32, #tpu.memory_space<hbm>>
      %dma_start3A_38 = tpu.memref_slice %arg4[%add3A_36] : memref<320000xi32, #tpu.memory_space<hbm>> -> memref<200xi32, #tpu.memory_space<hbm>>
      tpu.enqueue_dma source(%dma_start3A_38 : memref<200xi32, #tpu.memory_space<hbm>>) target(%arg10 : memref<200xi32, #tpu.memory_space<vmem>>) target_semaphore(%arg14 : memref<!tpu.dma_semaphore, #tpu.memory_space<semaphore_mem>>)
      %mul3A_39 = arith.constant 200 : i32
      %mul3A_40 = arith.muli %mul3A_26, %mul3A_39 : i32
      %add3A_41 = arith.addi %mul3A_2, %mul3A_40 : i32
      %dma_wait3A = tpu.memref_slice %arg3[%add3A_41] : memref<320000xi32, #tpu.memory_space<hbm>> -> memref<200xi32, #tpu.memory_space<hbm>>
      %dma_wait3A_42 = tpu.memref_slice %arg3[%add3A_41] : memref<320000xi32, #tpu.memory_space<hbm>> -> memref<200xi32, #tpu.memory_space<hbm>>
      tpu.wait_dma2 semaphore(%arg13 : memref<!tpu.dma_semaphore, #tpu.memory_space<semaphore_mem>>) src(%dma_wait3A_42 : memref<200xi32, #tpu.memory_space<hbm>>) dst(%arg7 : memref<200xi32, #tpu.memory_space<vmem>>)
      %mul3A_43 = arith.constant 200 : i32
      %mul3A_44 = arith.muli %mul3A_26, %mul3A_43 : i32
      %add3A_45 = arith.addi %mul3A_2, %mul3A_44 : i32
      %dma_wait3A_46 = tpu.memref_slice %arg4[%add3A_45] : memref<320000xi32, #tpu.memory_space<hbm>> -> memref<200xi32, #tpu.memory_space<hbm>>
      %dma_wait3A_47 = tpu.memref_slice %arg4[%add3A_45] : memref<320000xi32, #tpu.memory_space<hbm>> -> memref<200xi32, #tpu.memory_space<hbm>>
      tpu.wait_dma2 semaphore(%arg13 : memref<!tpu.dma_semaphore, #tpu.memory_space<semaphore_mem>>) src(%dma_wait3A_47 : memref<200xi32, #tpu.memory_space<hbm>>) dst(%arg8 : memref<200xi32, #tpu.memory_space<vmem>>)
      %dma_start3A_48 = arith.constant 0 : i32
      %dma_start3A_49 = arith.constant 0 : i32
      %dma_start3A_50 = tpu.memref_slice %arg2[%dma_start3A_48, %dma_start3A_49] : memref<10000x128xf32, #tpu.memory_space<hbm>> -> memref<10000x128xf32, #tpu.memory_space<hbm>>
      tpu.enqueue_indirect_dma source(%dma_start3A_50 : memref<10000x128xf32, #tpu.memory_space<hbm>>) target(%arg11 : memref<200x128xf32, #tpu.memory_space<vmem>>) offsets(%arg7 : memref<200xi32, #tpu.memory_space<vmem>>) semaphore(%arg15 : memref<!tpu.dma_semaphore, #tpu.memory_space<semaphore_mem>>)
      %dma_wait3A_51 = arith.constant 0 : i32
      %dma_wait3A_52 = arith.constant 0 : i32
      %dma_wait3A_53 = tpu.memref_slice %arg2[%dma_wait3A_51, %dma_wait3A_52] : memref<10000x128xf32, #tpu.memory_space<hbm>> -> memref<10000x128xf32, #tpu.memory_space<hbm>>
      tpu.wait_indirect_dma semaphore(%arg15 : memref<!tpu.dma_semaphore, #tpu.memory_space<semaphore_mem>>) src(%dma_wait3A_53 : memref<10000x128xf32, #tpu.memory_space<hbm>>) dst(%arg11 : memref<200x128xf32, #tpu.memory_space<vmem>>)
      "tpu.region"() ({
        %run_scoped3A = tpu.sem_alloc : memref<!tpu.dma_semaphore, #tpu.memory_space<semaphore_mem>>
        %dma_start3A_74 = arith.constant 0 : i32
        %dma_start3A_75 = arith.constant 0 : i32
        %dma_start3A_76 = tpu.memref_slice %arg12[%dma_start3A_74, %dma_start3A_75] : memref<10240x128xf32, #tpu.memory_space<vmem_shared>> -> memref<10240x128xf32, #tpu.memory_space<vmem_shared>>
        tpu.enqueue_indirect_dma source(%arg11 : memref<200x128xf32, #tpu.memory_space<vmem>>) target(%dma_start3A_76 : memref<10240x128xf32, #tpu.memory_space<vmem_shared>>) offsets(%arg8 : memref<200xi32, #tpu.memory_space<vmem>>) semaphore(%run_scoped3A : memref<!tpu.dma_semaphore, #tpu.memory_space<semaphore_mem>>) {add = true}
        %dma_wait3A_77 = arith.constant 0 : i32
        %dma_wait3A_78 = arith.constant 0 : i32
        %dma_wait3A_79 = tpu.memref_slice %arg12[%dma_wait3A_77, %dma_wait3A_78] : memref<10240x128xf32, #tpu.memory_space<vmem_shared>> -> memref<10240x128xf32, #tpu.memory_space<vmem_shared>>
        tpu.wait_indirect_dma semaphore(%run_scoped3A : memref<!tpu.dma_semaphore, #tpu.memory_space<semaphore_mem>>) src(%arg11 : memref<200x128xf32, #tpu.memory_space<vmem>>) dst(%dma_wait3A_79 : memref<10240x128xf32, #tpu.memory_space<vmem_shared>>)
        tpu.yield
      }) : () -> ()
      %add3A_54 = arith.constant 2 : i32
      %add3A_55 = arith.addi %mul3A_26, %add3A_54 : i32
      %lt3A = arith.constant 50 : i32
      %lt3A_56 = arith.cmpi slt, %add3A_55, %lt3A : i32
      %convert_element_type3A = arith.extui %lt3A_56 : i1 to i32
      %cond3A = arith.constant 0 : i32
      %cond3A_57 = arith.cmpi ne, %convert_element_type3A, %cond3A : i32
      scf.if %cond3A_57 {
        %add3A_74 = arith.constant 2 : i32
        %add3A_75 = arith.addi %mul3A_26, %add3A_74 : i32
        %mul3A_76 = arith.constant 200 : i32
        %mul3A_77 = arith.muli %add3A_75, %mul3A_76 : i32
        %add3A_78 = arith.addi %mul3A_2, %mul3A_77 : i32
        %dma_start3A_79 = tpu.memref_slice %arg3[%add3A_78] : memref<320000xi32, #tpu.memory_space<hbm>> -> memref<200xi32, #tpu.memory_space<hbm>>
        %dma_start3A_80 = tpu.memref_slice %arg3[%add3A_78] : memref<320000xi32, #tpu.memory_space<hbm>> -> memref<200xi32, #tpu.memory_space<hbm>>
        tpu.enqueue_dma source(%dma_start3A_80 : memref<200xi32, #tpu.memory_space<hbm>>) target(%arg7 : memref<200xi32, #tpu.memory_space<vmem>>) target_semaphore(%arg13 : memref<!tpu.dma_semaphore, #tpu.memory_space<semaphore_mem>>)
        %mul3A_81 = arith.constant 200 : i32
        %mul3A_82 = arith.muli %add3A_75, %mul3A_81 : i32
        %add3A_83 = arith.addi %mul3A_2, %mul3A_82 : i32
        %dma_start3A_84 = tpu.memref_slice %arg4[%add3A_83] : memref<320000xi32, #tpu.memory_space<hbm>> -> memref<200xi32, #tpu.memory_space<hbm>>
        %dma_start3A_85 = tpu.memref_slice %arg4[%add3A_83] : memref<320000xi32, #tpu.memory_space<hbm>> -> memref<200xi32, #tpu.memory_space<hbm>>
        tpu.enqueue_dma source(%dma_start3A_85 : memref<200xi32, #tpu.memory_space<hbm>>) target(%arg8 : memref<200xi32, #tpu.memory_space<vmem>>) target_semaphore(%arg13 : memref<!tpu.dma_semaphore, #tpu.memory_space<semaphore_mem>>)
      } else {
      }
      %mul3A_58 = arith.constant 200 : i32
      %mul3A_59 = arith.muli %add3A_28, %mul3A_58 : i32
      %add3A_60 = arith.addi %mul3A_2, %mul3A_59 : i32
      %dma_wait3A_61 = tpu.memref_slice %arg3[%add3A_60] : memref<320000xi32, #tpu.memory_space<hbm>> -> memref<200xi32, #tpu.memory_space<hbm>>
      %dma_wait3A_62 = tpu.memref_slice %arg3[%add3A_60] : memref<320000xi32, #tpu.memory_space<hbm>> -> memref<200xi32, #tpu.memory_space<hbm>>
      tpu.wait_dma2 semaphore(%arg14 : memref<!tpu.dma_semaphore, #tpu.memory_space<semaphore_mem>>) src(%dma_wait3A_62 : memref<200xi32, #tpu.memory_space<hbm>>) dst(%arg9 : memref<200xi32, #tpu.memory_space<vmem>>)
      %mul3A_63 = arith.constant 200 : i32
      %mul3A_64 = arith.muli %add3A_28, %mul3A_63 : i32
      %add3A_65 = arith.addi %mul3A_2, %mul3A_64 : i32
      %dma_wait3A_66 = tpu.memref_slice %arg4[%add3A_65] : memref<320000xi32, #tpu.memory_space<hbm>> -> memref<200xi32, #tpu.memory_space<hbm>>
      %dma_wait3A_67 = tpu.memref_slice %arg4[%add3A_65] : memref<320000xi32, #tpu.memory_space<hbm>> -> memref<200xi32, #tpu.memory_space<hbm>>
      tpu.wait_dma2 semaphore(%arg14 : memref<!tpu.dma_semaphore, #tpu.memory_space<semaphore_mem>>) src(%dma_wait3A_67 : memref<200xi32, #tpu.memory_space<hbm>>) dst(%arg10 : memref<200xi32, #tpu.memory_space<vmem>>)
      %dma_start3A_68 = arith.constant 0 : i32
      %dma_start3A_69 = arith.constant 0 : i32
      %dma_start3A_70 = tpu.memref_slice %arg2[%dma_start3A_68, %dma_start3A_69] : memref<10000x128xf32, #tpu.memory_space<hbm>> -> memref<10000x128xf32, #tpu.memory_space<hbm>>
      tpu.enqueue_indirect_dma source(%dma_start3A_70 : memref<10000x128xf32, #tpu.memory_space<hbm>>) target(%arg11 : memref<200x128xf32, #tpu.memory_space<vmem>>) offsets(%arg9 : memref<200xi32, #tpu.memory_space<vmem>>) semaphore(%arg15 : memref<!tpu.dma_semaphore, #tpu.memory_space<semaphore_mem>>)
      %dma_wait3A_71 = arith.constant 0 : i32
      %dma_wait3A_72 = arith.constant 0 : i32
      %dma_wait3A_73 = tpu.memref_slice %arg2[%dma_wait3A_71, %dma_wait3A_72] : memref<10000x128xf32, #tpu.memory_space<hbm>> -> memref<10000x128xf32, #tpu.memory_space<hbm>>
      tpu.wait_indirect_dma semaphore(%arg15 : memref<!tpu.dma_semaphore, #tpu.memory_space<semaphore_mem>>) src(%dma_wait3A_73 : memref<10000x128xf32, #tpu.memory_space<hbm>>) dst(%arg11 : memref<200x128xf32, #tpu.memory_space<vmem>>)
      "tpu.region"() ({
        %run_scoped3A = tpu.sem_alloc : memref<!tpu.dma_semaphore, #tpu.memory_space<semaphore_mem>>
        %dma_start3A_74 = arith.constant 0 : i32
        %dma_start3A_75 = arith.constant 0 : i32
        %dma_start3A_76 = tpu.memref_slice %arg12[%dma_start3A_74, %dma_start3A_75] : memref<10240x128xf32, #tpu.memory_space<vmem_shared>> -> memref<10240x128xf32, #tpu.memory_space<vmem_shared>>
        tpu.enqueue_indirect_dma source(%arg11 : memref<200x128xf32, #tpu.memory_space<vmem>>) target(%dma_start3A_76 : memref<10240x128xf32, #tpu.memory_space<vmem_shared>>) offsets(%arg10 : memref<200xi32, #tpu.memory_space<vmem>>) semaphore(%run_scoped3A : memref<!tpu.dma_semaphore, #tpu.memory_space<semaphore_mem>>) {add = true}
        %dma_wait3A_77 = arith.constant 0 : i32
        %dma_wait3A_78 = arith.constant 0 : i32
        %dma_wait3A_79 = tpu.memref_slice %arg12[%dma_wait3A_77, %dma_wait3A_78] : memref<10240x128xf32, #tpu.memory_space<vmem_shared>> -> memref<10240x128xf32, #tpu.memory_space<vmem_shared>>
        tpu.wait_indirect_dma semaphore(%run_scoped3A : memref<!tpu.dma_semaphore, #tpu.memory_space<semaphore_mem>>) src(%arg11 : memref<200x128xf32, #tpu.memory_space<vmem>>) dst(%dma_wait3A_79 : memref<10240x128xf32, #tpu.memory_space<vmem_shared>>)
        tpu.yield
      }) : () -> ()
    }
    %scan3A_18 = arith.constant 25 : i32
    %barrier3A_19 = arith.constant 0 : index
    tpu.barrier barrier_id(%barrier3A_19)
    %mul3A_20 = arith.constant 640 : i32
    %mul3A_21 = arith.muli %arg1, %mul3A_20 : i32
    %mul3A_22 = arith.constant 640 : i32
    %mul3A_23 = arith.muli %arg1, %mul3A_22 : i32
    "tpu.region"() ({
      %run_scoped3A = tpu.sem_alloc : memref<!tpu.dma_semaphore, #tpu.memory_space<semaphore_mem>>
      %dma_start3A_24 = arith.constant 0 : i32
      %dma_start3A_25 = tpu.memref_slice %arg6[%arg0, %mul3A_23, %dma_start3A_24] : memref<2x10240x128xf32, #tpu.memory_space<hbm>> -> memref<1x640x128xf32, #tpu.memory_space<hbm>>
      %dma_start3A_26 = tpu.memref_squeeze %dma_start3A_25 : memref<1x640x128xf32, #tpu.memory_space<hbm>> -> memref<640x128xf32, #tpu.memory_space<hbm>>
      %dma_start3A_27 = arith.constant 0 : i32
      %dma_start3A_28 = tpu.memref_slice %arg12[%mul3A_21, %dma_start3A_27] : memref<10240x128xf32, #tpu.memory_space<vmem_shared>> -> memref<640x128xf32, #tpu.memory_space<vmem_shared>>
      tpu.enqueue_dma source(%dma_start3A_28 : memref<640x128xf32, #tpu.memory_space<vmem_shared>>) target(%dma_start3A_26 : memref<640x128xf32, #tpu.memory_space<hbm>>) target_semaphore(%run_scoped3A : memref<!tpu.dma_semaphore, #tpu.memory_space<semaphore_mem>>)
      %dma_wait3A = arith.constant 0 : i32
      %dma_wait3A_29 = tpu.memref_slice %arg6[%arg0, %mul3A_23, %dma_wait3A] : memref<2x10240x128xf32, #tpu.memory_space<hbm>> -> memref<1x640x128xf32, #tpu.memory_space<hbm>>
      %dma_wait3A_30 = tpu.memref_squeeze %dma_wait3A_29 : memref<1x640x128xf32, #tpu.memory_space<hbm>> -> memref<640x128xf32, #tpu.memory_space<hbm>>
      %dma_wait3A_31 = arith.constant 0 : i32
      %dma_wait3A_32 = tpu.memref_slice %arg12[%mul3A_21, %dma_wait3A_31] : memref<10240x128xf32, #tpu.memory_space<vmem_shared>> -> memref<640x128xf32, #tpu.memory_space<vmem_shared>>
      tpu.wait_dma2 semaphore(%run_scoped3A : memref<!tpu.dma_semaphore, #tpu.memory_space<semaphore_mem>>) src(%dma_wait3A_32 : memref<640x128xf32, #tpu.memory_space<vmem_shared>>) dst(%dma_wait3A_30 : memref<640x128xf32, #tpu.memory_space<hbm>>)
      tpu.yield
    }) : () -> ()
    return
  }
}

module attributes {stable_mosaic.version = 14 : i64} {
  func.func @_pre_body(%arg0: i32, %arg1: memref<2x400x1xf32, #tpu.memory_space<vmem>>, %arg2: memref<400x128xf32, #tpu.memory_space<vmem>>, %arg3: memref<400x1xf32, #tpu.memory_space<vmem>>, %arg4: memref<400x128xf32, #tpu.memory_space<vmem>>) attributes {dimension_semantics = [#tpu.dimension_semantics<arbitrary>], iteration_bounds = array<i64: 25>, scalar_prefetch = 0 : i64, scratch_operands = 0 : i64, tpu.core_type = #tpu.core_type<tc>, window_params = [{transform_indices = @transform_0, window_bounds = array<i64: 2, 400, 1>}, {transform_indices = @transform_1, window_bounds = array<i64: 400, 128>}, {transform_indices = @transform_2, window_bounds = array<i64: 400, 1>}, {transform_indices = @transform_3, window_bounds = array<i64: 400, 128>}]} {
    %get3A = arith.constant 0 : index
    %get3A_0 = arith.constant 0 : index
    %get3A_1 = arith.constant 0 : index
    %get3A_2 = vector.load %arg1[%get3A, %get3A_0, %get3A_1] : memref<2x400x1xf32, #tpu.memory_space<vmem>>, vector<1x400x1xf32>
    %get3A_3 = vector.shape_cast %get3A_2 : vector<1x400x1xf32> to vector<400x1xf32>
    %get3A_4 = arith.constant 1 : index
    %get3A_5 = arith.constant 0 : index
    %get3A_6 = arith.constant 0 : index
    %get3A_7 = vector.load %arg1[%get3A_4, %get3A_5, %get3A_6] : memref<2x400x1xf32, #tpu.memory_space<vmem>>, vector<1x400x1xf32>
    %get3A_8 = vector.shape_cast %get3A_7 : vector<1x400x1xf32> to vector<400x1xf32>
    %add3A = arith.addf %get3A_3, %get3A_8 : vector<400x1xf32>
    %add3A_9 = arith.constant 1.000000e+00 : f32
    %add3A_10 = vector.broadcast %add3A_9 : f32 to vector<400x1xf32>
    %add3A_11 = arith.addf %add3A, %add3A_10 : vector<400x1xf32>
    %rsqrt3A = math.rsqrt %add3A_11 : vector<400x1xf32>
    %swap3A = arith.constant 0 : index
    %swap3A_12 = arith.constant 0 : index
    %swap3A_13 = vector.load %arg3[%swap3A, %swap3A_12] : memref<400x1xf32, #tpu.memory_space<vmem>>, vector<400x1xf32>
    tpu.vector_store %arg3[%swap3A, %swap3A_12], %rsqrt3A {strides = array<i32>} : memref<400x1xf32, #tpu.memory_space<vmem>>, vector<400x1xf32>,
    %get3A_14 = arith.constant 0 : index
    %get3A_15 = arith.constant 0 : index
    %get3A_16 = vector.load %arg2[%get3A_14, %get3A_15] : memref<400x128xf32, #tpu.memory_space<vmem>>, vector<400x128xf32>
    %mul3A = vector.broadcast %rsqrt3A : vector<400x1xf32> to vector<400x128xf32>
    %mul3A_17 = arith.mulf %mul3A, %get3A_16 : vector<400x128xf32>
    %swap3A_18 = arith.constant 0 : index
    %swap3A_19 = arith.constant 0 : index
    %swap3A_20 = vector.load %arg4[%swap3A_18, %swap3A_19] : memref<400x128xf32, #tpu.memory_space<vmem>>, vector<400x128xf32>
    tpu.vector_store %arg4[%swap3A_18, %swap3A_19], %mul3A_17 {strides = array<i32>} : memref<400x128xf32, #tpu.memory_space<vmem>>, vector<400x128xf32>,
    return
  }
  func.func @transform_0(%arg0: i32) -> (i32, i32, i32) {
    %c0_i32 = arith.constant 0 : i32
    %c0_i32_0 = arith.constant 0 : i32
    %c0_i32_1 = arith.constant 0 : i32
    return %c0_i32, %arg0, %c0_i32_0 : i32, i32, i32
  }
  func.func @transform_1(%arg0: i32) -> (i32, i32) {
    %c0_i32 = arith.constant 0 : i32
    %c0_i32_0 = arith.constant 0 : i32
    return %arg0, %c0_i32 : i32, i32
  }
  func.func @transform_2(%arg0: i32) -> (i32, i32) {
    %c0_i32 = arith.constant 0 : i32
    %c0_i32_0 = arith.constant 0 : i32
    return %arg0, %c0_i32 : i32, i32
  }
  func.func @transform_3(%arg0: i32) -> (i32, i32) {
    %c0_i32 = arith.constant 0 : i32
    %c0_i32_0 = arith.constant 0 : i32
    return %arg0, %c0_i32 : i32, i32
  }
}

module attributes {stable_mosaic.version = 14 : i64} {
  func.func @_mm12_body(%arg0: i32, %arg1: memref<2x400x128xf32, #tpu.memory_space<vmem>>, %arg2: memref<400x128xf32, #tpu.memory_space<vmem>>, %arg3: memref<400x1xf32, #tpu.memory_space<vmem>>, %arg4: memref<128x256xf32, #tpu.memory_space<vmem>>, %arg5: memref<1x256xf32, #tpu.memory_space<vmem>>, %arg6: memref<256x256xf32, #tpu.memory_space<vmem>>, %arg7: memref<2x400x128xf32, #tpu.memory_space<vmem>>) attributes {dimension_semantics = [#tpu.dimension_semantics<arbitrary>], iteration_bounds = array<i64: 25>, scalar_prefetch = 0 : i64, scratch_operands = 0 : i64, tpu.core_type = #tpu.core_type<tc>, window_params = [{transform_indices = @transform_0, window_bounds = array<i64: 2, 400, 128>}, {transform_indices = @transform_1, window_bounds = array<i64: 400, 128>}, {transform_indices = @transform_2, window_bounds = array<i64: 400, 1>}, {pipeline_mode = #tpu.pipeline_mode<synchronous>, transform_indices = @transform_3, window_bounds = array<i64: 128, 256>}, {pipeline_mode = #tpu.pipeline_mode<synchronous>, transform_indices = @transform_4, window_bounds = array<i64: 1, 256>}, {pipeline_mode = #tpu.pipeline_mode<synchronous>, transform_indices = @transform_5, window_bounds = array<i64: 256, 256>}, {transform_indices = @transform_6, window_bounds = array<i64: 2, 400, 128>}]} {
    %get3A = arith.constant 0 : index
    %get3A_0 = arith.constant 0 : index
    %get3A_1 = vector.load %arg3[%get3A, %get3A_0] : memref<400x1xf32, #tpu.memory_space<vmem>>, vector<400x1xf32>
    %get3A_2 = arith.constant 0 : index
    %get3A_3 = arith.constant 0 : index
    %get3A_4 = arith.constant 0 : index
    %get3A_5 = vector.load %arg1[%get3A_2, %get3A_3, %get3A_4] : memref<2x400x128xf32, #tpu.memory_space<vmem>>, vector<1x400x128xf32>
    %get3A_6 = vector.shape_cast %get3A_5 : vector<1x400x128xf32> to vector<400x128xf32>
    %get3A_7 = arith.constant 1 : index
    %get3A_8 = arith.constant 0 : index
    %get3A_9 = arith.constant 0 : index
    %get3A_10 = vector.load %arg1[%get3A_7, %get3A_8, %get3A_9] : memref<2x400x128xf32, #tpu.memory_space<vmem>>, vector<1x400x128xf32>
    %get3A_11 = vector.shape_cast %get3A_10 : vector<1x400x128xf32> to vector<400x128xf32>
    %add3A = arith.addf %get3A_6, %get3A_11 : vector<400x128xf32>
    %get3A_12 = arith.constant 0 : index
    %get3A_13 = arith.constant 0 : index
    %get3A_14 = vector.load %arg2[%get3A_12, %get3A_13] : memref<400x128xf32, #tpu.memory_space<vmem>>, vector<400x128xf32>
    %add3A_15 = arith.addf %add3A, %get3A_14 : vector<400x128xf32>
    %mul3A = vector.broadcast %get3A_1 : vector<400x1xf32> to vector<400x128xf32>
    %mul3A_16 = arith.mulf %mul3A, %add3A_15 : vector<400x128xf32>
    %convert_element_type3A = arith.truncf %mul3A_16 : vector<400x128xf32> to vector<400x128xbf16>
    %get3A_17 = arith.constant 0 : index
    %get3A_18 = arith.constant 0 : index
    %get3A_19 = vector.load %arg4[%get3A_17, %get3A_18] : memref<128x256xf32, #tpu.memory_space<vmem>>, vector<128x256xf32>
    %convert_element_type3A_20 = arith.truncf %get3A_19 : vector<128x256xf32> to vector<128x256xbf16>
    %dot_general3A = arith.constant dense<0.000000e+00> : vector<400x256xf32>
    %dot_general3A_21 = tpu.matmul %convert_element_type3A, %convert_element_type3A_20, %dot_general3A {dimension_numbers = #tpu.dot_dimension_numbers<[1], [0], [0], [1], [0, 0, 1, 1], [], []>, transpose_lhs_hint = false} : vector<400x128xbf16>, vector<128x256xbf16>, vector<400x256xf32> -> vector<400x256xf32>
    %get3A_22 = arith.constant 0 : index
    %get3A_23 = arith.constant 0 : index
    %get3A_24 = vector.load %arg5[%get3A_22, %get3A_23] : memref<1x256xf32, #tpu.memory_space<vmem>>, vector<1x256xf32>
    %add3A_25 = vector.broadcast %get3A_24 : vector<1x256xf32> to vector<400x256xf32>
    %add3A_26 = arith.addf %dot_general3A_21, %add3A_25 : vector<400x256xf32>
    %max3A = arith.constant 0.000000e+00 : f32
    %max3A_27 = vector.broadcast %max3A : f32 to vector<400x256xf32>
    %max3A_28 = arith.maximumf %add3A_26, %max3A_27 : vector<400x256xf32>
    %convert_element_type3A_29 = arith.truncf %max3A_28 : vector<400x256xf32> to vector<400x256xbf16>
    %get3A_30 = arith.constant 0 : index
    %get3A_31 = arith.constant 0 : index
    %get3A_32 = vector.load %arg6[%get3A_30, %get3A_31] : memref<256x256xf32, #tpu.memory_space<vmem>>, vector<256x256xf32>
    %convert_element_type3A_33 = arith.truncf %get3A_32 : vector<256x256xf32> to vector<256x256xbf16>
    %dot_general3A_34 = arith.constant dense<0.000000e+00> : vector<400x256xf32>
    %dot_general3A_35 = tpu.matmul %convert_element_type3A_29, %convert_element_type3A_33, %dot_general3A_34 {dimension_numbers = #tpu.dot_dimension_numbers<[1], [0], [0], [1], [0, 0, 1, 1], [], []>, transpose_lhs_hint = false} : vector<400x256xbf16>, vector<256x256xbf16>, vector<400x256xf32> -> vector<400x256xf32>
    %mul3A_36 = vector.broadcast %get3A_1 : vector<400x1xf32> to vector<400x256xf32>
    %mul3A_37 = arith.mulf %mul3A_36, %dot_general3A_35 : vector<400x256xf32>
    %slice3A = vector.extract_strided_slice %mul3A_37 {offsets = [0, 0], sizes = [400, 128], strides = [1, 1]} : vector<400x256xf32> to vector<400x128xf32>
    %swap3A = arith.constant 0 : index
    %swap3A_38 = arith.constant 0 : index
    %swap3A_39 = arith.constant 0 : index
    %swap3A_40 = vector.load %arg7[%swap3A, %swap3A_38, %swap3A_39] : memref<2x400x128xf32, #tpu.memory_space<vmem>>, vector<1x400x128xf32>
    %swap3A_41 = vector.shape_cast %swap3A_40 : vector<1x400x128xf32> to vector<400x128xf32>
    %swap3A_42 = vector.shape_cast %slice3A : vector<400x128xf32> to vector<1x400x128xf32>
    tpu.vector_store %arg7[%swap3A, %swap3A_38, %swap3A_39], %swap3A_42 {strides = array<i32>} : memref<2x400x128xf32, #tpu.memory_space<vmem>>, vector<1x400x128xf32>,
    %slice3A_43 = vector.extract_strided_slice %mul3A_37 {offsets = [0, 128], sizes = [400, 128], strides = [1, 1]} : vector<400x256xf32> to vector<400x128xf32>
    %swap3A_44 = arith.constant 1 : index
    %swap3A_45 = arith.constant 0 : index
    %swap3A_46 = arith.constant 0 : index
    %swap3A_47 = vector.load %arg7[%swap3A_44, %swap3A_45, %swap3A_46] : memref<2x400x128xf32, #tpu.memory_space<vmem>>, vector<1x400x128xf32>
    %swap3A_48 = vector.shape_cast %swap3A_47 : vector<1x400x128xf32> to vector<400x128xf32>
    %swap3A_49 = vector.shape_cast %slice3A_43 : vector<400x128xf32> to vector<1x400x128xf32>
    tpu.vector_store %arg7[%swap3A_44, %swap3A_45, %swap3A_46], %swap3A_49 {strides = array<i32>} : memref<2x400x128xf32, #tpu.memory_space<vmem>>, vector<1x400x128xf32>,
    return
  }
  func.func @transform_0(%arg0: i32) -> (i32, i32, i32) {
    %c0_i32 = arith.constant 0 : i32
    %c0_i32_0 = arith.constant 0 : i32
    %c0_i32_1 = arith.constant 0 : i32
    return %c0_i32, %arg0, %c0_i32_0 : i32, i32, i32
  }
  func.func @transform_1(%arg0: i32) -> (i32, i32) {
    %c0_i32 = arith.constant 0 : i32
    %c0_i32_0 = arith.constant 0 : i32
    return %arg0, %c0_i32 : i32, i32
  }
  func.func @transform_2(%arg0: i32) -> (i32, i32) {
    %c0_i32 = arith.constant 0 : i32
    %c0_i32_0 = arith.constant 0 : i32
    return %arg0, %c0_i32 : i32, i32
  }
  func.func @transform_3(%arg0: i32) -> (i32, i32) {
    %c0_i32 = arith.constant 0 : i32
    %c0_i32_0 = arith.constant 0 : i32
    %c0_i32_1 = arith.constant 0 : i32
    return %c0_i32, %c0_i32_0 : i32, i32
  }
  func.func @transform_4(%arg0: i32) -> (i32, i32) {
    %c0_i32 = arith.constant 0 : i32
    %c0_i32_0 = arith.constant 0 : i32
    %c0_i32_1 = arith.constant 0 : i32
    return %c0_i32, %c0_i32_0 : i32, i32
  }
  func.func @transform_5(%arg0: i32) -> (i32, i32) {
    %c0_i32 = arith.constant 0 : i32
    %c0_i32_0 = arith.constant 0 : i32
    %c0_i32_1 = arith.constant 0 : i32
    return %c0_i32, %c0_i32_0 : i32, i32
  }
  func.func @transform_6(%arg0: i32) -> (i32, i32, i32) {
    %c0_i32 = arith.constant 0 : i32
    %c0_i32_0 = arith.constant 0 : i32
    %c0_i32_1 = arith.constant 0 : i32
    return %c0_i32, %arg0, %c0_i32_0 : i32, i32, i32
  }
}

module attributes {stable_mosaic.version = 14 : i64} {
  func.func @_post2mm3_body(%arg0: i32, %arg1: memref<2x400x128xf32, #tpu.memory_space<vmem>>, %arg2: memref<2x400x128xf32, #tpu.memory_space<vmem>>, %arg3: memref<2x400x128xf32, #tpu.memory_space<vmem>>, %arg4: memref<400x1xf32, #tpu.memory_space<vmem>>, %arg5: memref<2x1x128xf32, #tpu.memory_space<vmem>>, %arg6: memref<256x128xf32, #tpu.memory_space<vmem>>, %arg7: memref<400x128xf32, #tpu.memory_space<vmem>>) attributes {dimension_semantics = [#tpu.dimension_semantics<arbitrary>], iteration_bounds = array<i64: 25>, scalar_prefetch = 0 : i64, scratch_operands = 0 : i64, tpu.core_type = #tpu.core_type<tc>, window_params = [{transform_indices = @transform_0, window_bounds = array<i64: 2, 400, 128>}, {transform_indices = @transform_1, window_bounds = array<i64: 2, 400, 128>}, {transform_indices = @transform_2, window_bounds = array<i64: 2, 400, 128>}, {transform_indices = @transform_3, window_bounds = array<i64: 400, 1>}, {pipeline_mode = #tpu.pipeline_mode<synchronous>, transform_indices = @transform_4, window_bounds = array<i64: 2, 1, 128>}, {pipeline_mode = #tpu.pipeline_mode<synchronous>, transform_indices = @transform_5, window_bounds = array<i64: 256, 128>}, {transform_indices = @transform_6, window_bounds = array<i64: 400, 128>}]} {
    %get3A = arith.constant 0 : index
    %get3A_0 = arith.constant 0 : index
    %get3A_1 = vector.load %arg4[%get3A, %get3A_0] : memref<400x1xf32, #tpu.memory_space<vmem>>, vector<400x1xf32>
    %get3A_2 = arith.constant 0 : index
    %get3A_3 = arith.constant 0 : index
    %get3A_4 = arith.constant 0 : index
    %get3A_5 = vector.load %arg1[%get3A_2, %get3A_3, %get3A_4] : memref<2x400x128xf32, #tpu.memory_space<vmem>>, vector<1x400x128xf32>
    %get3A_6 = vector.shape_cast %get3A_5 : vector<1x400x128xf32> to vector<400x128xf32>
    %get3A_7 = arith.constant 1 : index
    %get3A_8 = arith.constant 0 : index
    %get3A_9 = arith.constant 0 : index
    %get3A_10 = vector.load %arg1[%get3A_7, %get3A_8, %get3A_9] : memref<2x400x128xf32, #tpu.memory_space<vmem>>, vector<1x400x128xf32>
    %get3A_11 = vector.shape_cast %get3A_10 : vector<1x400x128xf32> to vector<400x128xf32>
    %add3A = arith.addf %get3A_6, %get3A_11 : vector<400x128xf32>
    %get3A_12 = arith.constant 0 : index
    %get3A_13 = arith.constant 0 : index
    %get3A_14 = arith.constant 0 : index
    %get3A_15 = vector.load %arg3[%get3A_12, %get3A_13, %get3A_14] : memref<2x400x128xf32, #tpu.memory_space<vmem>>, vector<1x400x128xf32>
    %get3A_16 = vector.shape_cast %get3A_15 : vector<1x400x128xf32> to vector<400x128xf32>
    %add3A_17 = arith.addf %add3A, %get3A_16 : vector<400x128xf32>
    %mul3A = vector.broadcast %get3A_1 : vector<400x1xf32> to vector<400x128xf32>
    %mul3A_18 = arith.mulf %mul3A, %add3A_17 : vector<400x128xf32>
    %get3A_19 = arith.constant 0 : index
    %get3A_20 = arith.constant 0 : index
    %get3A_21 = arith.constant 0 : index
    %get3A_22 = vector.load %arg5[%get3A_19, %get3A_20, %get3A_21] : memref<2x1x128xf32, #tpu.memory_space<vmem>>, vector<1x1x128xf32>
    %get3A_23 = vector.shape_cast %get3A_22 : vector<1x1x128xf32> to vector<1x128xf32>
    %add3A_24 = vector.broadcast %get3A_23 : vector<1x128xf32> to vector<400x128xf32>
    %add3A_25 = arith.addf %mul3A_18, %add3A_24 : vector<400x128xf32>
    %max3A = arith.constant 0.000000e+00 : f32
    %max3A_26 = vector.broadcast %max3A : f32 to vector<400x128xf32>
    %max3A_27 = arith.maximumf %add3A_25, %max3A_26 : vector<400x128xf32>
    %get3A_28 = arith.constant 0 : index
    %get3A_29 = arith.constant 0 : index
    %get3A_30 = arith.constant 0 : index
    %get3A_31 = vector.load %arg2[%get3A_28, %get3A_29, %get3A_30] : memref<2x400x128xf32, #tpu.memory_space<vmem>>, vector<1x400x128xf32>
    %get3A_32 = vector.shape_cast %get3A_31 : vector<1x400x128xf32> to vector<400x128xf32>
    %get3A_33 = arith.constant 1 : index
    %get3A_34 = arith.constant 0 : index
    %get3A_35 = arith.constant 0 : index
    %get3A_36 = vector.load %arg2[%get3A_33, %get3A_34, %get3A_35] : memref<2x400x128xf32, #tpu.memory_space<vmem>>, vector<1x400x128xf32>
    %get3A_37 = vector.shape_cast %get3A_36 : vector<1x400x128xf32> to vector<400x128xf32>
    %add3A_38 = arith.addf %get3A_32, %get3A_37 : vector<400x128xf32>
    %get3A_39 = arith.constant 1 : index
    %get3A_40 = arith.constant 0 : index
    %get3A_41 = arith.constant 0 : index
    %get3A_42 = vector.load %arg3[%get3A_39, %get3A_40, %get3A_41] : memref<2x400x128xf32, #tpu.memory_space<vmem>>, vector<1x400x128xf32>
    %get3A_43 = vector.shape_cast %get3A_42 : vector<1x400x128xf32> to vector<400x128xf32>
    %add3A_44 = arith.addf %add3A_38, %get3A_43 : vector<400x128xf32>
    %mul3A_45 = vector.broadcast %get3A_1 : vector<400x1xf32> to vector<400x128xf32>
    %mul3A_46 = arith.mulf %mul3A_45, %add3A_44 : vector<400x128xf32>
    %get3A_47 = arith.constant 1 : index
    %get3A_48 = arith.constant 0 : index
    %get3A_49 = arith.constant 0 : index
    %get3A_50 = vector.load %arg5[%get3A_47, %get3A_48, %get3A_49] : memref<2x1x128xf32, #tpu.memory_space<vmem>>, vector<1x1x128xf32>
    %get3A_51 = vector.shape_cast %get3A_50 : vector<1x1x128xf32> to vector<1x128xf32>
    %add3A_52 = vector.broadcast %get3A_51 : vector<1x128xf32> to vector<400x128xf32>
    %add3A_53 = arith.addf %mul3A_46, %add3A_52 : vector<400x128xf32>
    %max3A_54 = arith.constant 0.000000e+00 : f32
    %max3A_55 = vector.broadcast %max3A_54 : f32 to vector<400x128xf32>
    %max3A_56 = arith.maximumf %add3A_53, %max3A_55 : vector<400x128xf32>
    %concatenate3A = tpu.concatenate %max3A_27, %max3A_56 in 1 : vector<400x128xf32>, vector<400x128xf32> -> vector<400x256xf32>
    %convert_element_type3A = arith.truncf %concatenate3A : vector<400x256xf32> to vector<400x256xbf16>
    %get3A_57 = arith.constant 0 : index
    %get3A_58 = arith.constant 0 : index
    %get3A_59 = vector.load %arg6[%get3A_57, %get3A_58] : memref<256x128xf32, #tpu.memory_space<vmem>>, vector<256x128xf32>
    %convert_element_type3A_60 = arith.truncf %get3A_59 : vector<256x128xf32> to vector<256x128xbf16>
    %dot_general3A = arith.constant dense<0.000000e+00> : vector<400x128xf32>
    %dot_general3A_61 = tpu.matmul %convert_element_type3A, %convert_element_type3A_60, %dot_general3A {dimension_numbers = #tpu.dot_dimension_numbers<[1], [0], [0], [1], [0, 0, 1, 1], [], []>, transpose_lhs_hint = false} : vector<400x256xbf16>, vector<256x128xbf16>, vector<400x128xf32> -> vector<400x128xf32>
    %mul3A_62 = vector.broadcast %get3A_1 : vector<400x1xf32> to vector<400x128xf32>
    %mul3A_63 = arith.mulf %mul3A_62, %dot_general3A_61 : vector<400x128xf32>
    %swap3A = arith.constant 0 : index
    %swap3A_64 = arith.constant 0 : index
    %swap3A_65 = vector.load %arg7[%swap3A, %swap3A_64] : memref<400x128xf32, #tpu.memory_space<vmem>>, vector<400x128xf32>
    tpu.vector_store %arg7[%swap3A, %swap3A_64], %mul3A_63 {strides = array<i32>} : memref<400x128xf32, #tpu.memory_space<vmem>>, vector<400x128xf32>,
    return
  }
  func.func @transform_0(%arg0: i32) -> (i32, i32, i32) {
    %c0_i32 = arith.constant 0 : i32
    %c0_i32_0 = arith.constant 0 : i32
    %c0_i32_1 = arith.constant 0 : i32
    return %c0_i32, %arg0, %c0_i32_0 : i32, i32, i32
  }
  func.func @transform_1(%arg0: i32) -> (i32, i32, i32) {
    %c0_i32 = arith.constant 0 : i32
    %c0_i32_0 = arith.constant 0 : i32
    %c0_i32_1 = arith.constant 0 : i32
    return %c0_i32, %arg0, %c0_i32_0 : i32, i32, i32
  }
  func.func @transform_2(%arg0: i32) -> (i32, i32, i32) {
    %c0_i32 = arith.constant 0 : i32
    %c0_i32_0 = arith.constant 0 : i32
    %c0_i32_1 = arith.constant 0 : i32
    return %c0_i32, %arg0, %c0_i32_0 : i32, i32, i32
  }
  func.func @transform_3(%arg0: i32) -> (i32, i32) {
    %c0_i32 = arith.constant 0 : i32
    %c0_i32_0 = arith.constant 0 : i32
    return %arg0, %c0_i32 : i32, i32
  }
  func.func @transform_4(%arg0: i32) -> (i32, i32, i32) {
    %c0_i32 = arith.constant 0 : i32
    %c0_i32_0 = arith.constant 0 : i32
    %c0_i32_1 = arith.constant 0 : i32
    %c0_i32_2 = arith.constant 0 : i32
    return %c0_i32, %c0_i32_0, %c0_i32_1 : i32, i32, i32
  }
  func.func @transform_5(%arg0: i32) -> (i32, i32) {
    %c0_i32 = arith.constant 0 : i32
    %c0_i32_0 = arith.constant 0 : i32
    %c0_i32_1 = arith.constant 0 : i32
    return %c0_i32, %c0_i32_0 : i32, i32
  }
  func.func @transform_6(%arg0: i32) -> (i32, i32) {
    %c0_i32 = arith.constant 0 : i32
    %c0_i32_0 = arith.constant 0 : i32
    return %arg0, %c0_i32 : i32, i32
  }
}

module attributes {stable_mosaic.version = 14 : i64} {
  func.func @_post3_body(%arg0: i32, %arg1: memref<2x400x128xf32, #tpu.memory_space<vmem>>, %arg2: memref<400x128xf32, #tpu.memory_space<vmem>>, %arg3: memref<400x1xf32, #tpu.memory_space<vmem>>, %arg4: memref<1x128xf32, #tpu.memory_space<vmem>>, %arg5: memref<400x128xf32, #tpu.memory_space<vmem>>) attributes {dimension_semantics = [#tpu.dimension_semantics<arbitrary>], iteration_bounds = array<i64: 25>, scalar_prefetch = 0 : i64, scratch_operands = 0 : i64, tpu.core_type = #tpu.core_type<tc>, window_params = [{transform_indices = @transform_0, window_bounds = array<i64: 2, 400, 128>}, {transform_indices = @transform_1, window_bounds = array<i64: 400, 128>}, {transform_indices = @transform_2, window_bounds = array<i64: 400, 1>}, {pipeline_mode = #tpu.pipeline_mode<synchronous>, transform_indices = @transform_3, window_bounds = array<i64: 1, 128>}, {transform_indices = @transform_4, window_bounds = array<i64: 400, 128>}]} {
    %get3A = arith.constant 0 : index
    %get3A_0 = arith.constant 0 : index
    %get3A_1 = vector.load %arg3[%get3A, %get3A_0] : memref<400x1xf32, #tpu.memory_space<vmem>>, vector<400x1xf32>
    %get3A_2 = arith.constant 0 : index
    %get3A_3 = arith.constant 0 : index
    %get3A_4 = arith.constant 0 : index
    %get3A_5 = vector.load %arg1[%get3A_2, %get3A_3, %get3A_4] : memref<2x400x128xf32, #tpu.memory_space<vmem>>, vector<1x400x128xf32>
    %get3A_6 = vector.shape_cast %get3A_5 : vector<1x400x128xf32> to vector<400x128xf32>
    %get3A_7 = arith.constant 1 : index
    %get3A_8 = arith.constant 0 : index
    %get3A_9 = arith.constant 0 : index
    %get3A_10 = vector.load %arg1[%get3A_7, %get3A_8, %get3A_9] : memref<2x400x128xf32, #tpu.memory_space<vmem>>, vector<1x400x128xf32>
    %get3A_11 = vector.shape_cast %get3A_10 : vector<1x400x128xf32> to vector<400x128xf32>
    %add3A = arith.addf %get3A_6, %get3A_11 : vector<400x128xf32>
    %get3A_12 = arith.constant 0 : index
    %get3A_13 = arith.constant 0 : index
    %get3A_14 = vector.load %arg2[%get3A_12, %get3A_13] : memref<400x128xf32, #tpu.memory_space<vmem>>, vector<400x128xf32>
    %add3A_15 = arith.addf %add3A, %get3A_14 : vector<400x128xf32>
    %mul3A = vector.broadcast %get3A_1 : vector<400x1xf32> to vector<400x128xf32>
    %mul3A_16 = arith.mulf %mul3A, %add3A_15 : vector<400x128xf32>
    %get3A_17 = arith.constant 0 : index
    %get3A_18 = arith.constant 0 : index
    %get3A_19 = vector.load %arg4[%get3A_17, %get3A_18] : memref<1x128xf32, #tpu.memory_space<vmem>>, vector<1x128xf32>
    %add3A_20 = vector.broadcast %get3A_19 : vector<1x128xf32> to vector<400x128xf32>
    %add3A_21 = arith.addf %mul3A_16, %add3A_20 : vector<400x128xf32>
    %swap3A = arith.constant 0 : index
    %swap3A_22 = arith.constant 0 : index
    %swap3A_23 = vector.load %arg5[%swap3A, %swap3A_22] : memref<400x128xf32, #tpu.memory_space<vmem>>, vector<400x128xf32>
    tpu.vector_store %arg5[%swap3A, %swap3A_22], %add3A_21 {strides = array<i32>} : memref<400x128xf32, #tpu.memory_space<vmem>>, vector<400x128xf32>,
    return
  }
  func.func @transform_0(%arg0: i32) -> (i32, i32, i32) {
    %c0_i32 = arith.constant 0 : i32
    %c0_i32_0 = arith.constant 0 : i32
    %c0_i32_1 = arith.constant 0 : i32
    return %c0_i32, %arg0, %c0_i32_0 : i32, i32, i32
  }
  func.func @transform_1(%arg0: i32) -> (i32, i32) {
    %c0_i32 = arith.constant 0 : i32
    %c0_i32_0 = arith.constant 0 : i32
    return %arg0, %c0_i32 : i32, i32
  }
  func.func @transform_2(%arg0: i32) -> (i32, i32) {
    %c0_i32 = arith.constant 0 : i32
    %c0_i32_0 = arith.constant 0 : i32
    return %arg0, %c0_i32 : i32, i32
  }
  func.func @transform_3(%arg0: i32) -> (i32, i32) {
    %c0_i32 = arith.constant 0 : i32
    %c0_i32_0 = arith.constant 0 : i32
    %c0_i32_1 = arith.constant 0 : i32
    return %c0_i32, %c0_i32_0 : i32, i32
  }
  func.func @transform_4(%arg0: i32) -> (i32, i32) {
    %c0_i32 = arith.constant 0 : i32
    %c0_i32_0 = arith.constant 0 : i32
    return %arg0, %c0_i32 : i32, i32
  }
}

</mosaic_0001>

<sc_bundles>
// kernel: kernel.11.cloned.1.call-start
scs
__scs_entry_jumppad:
0x0: {  	(pc) =	sbr.rel $0x88, $3  }
0x1: {  	(tag) =	ssettag $0x0;
	lr =	simm.s32 $0x1  }
0x2: {  	[smem:$0x3F99] =	sst lr;
	_ =	strace $0xD0000000  }
0x3: {  	_ = 	snop  }
0x4: {  	_ = 	snop  }
0x5: {  	_ = 	snop  }
0x6: {  	_ = 	snop  }
0x7: {  	_ = 	snop  }
__scs_overlays_trampoline_lowered:
0x8: {  	[smem:$0x3FA8] =	sst s0  }
0x9: {  	[smem:$0x3FA9] =	sst s1  }
0xa: {  	[smem:$0x3FAA] =	sst s2  }
0xb: {  	[smem:$0x3FAB] =	sst s3  }
0xc: {  	[smem:$0x3FAC] =	sst s4  }
0xd: {  	[smem:$0x3FAD] =	sst s5  }
0xe: {  	[smem:$0x3FAE] =	sst s6  }
0xf: {  	[smem:$0x3FAF] =	sst s7  }
0x10: {  	[smem:$0x3FB0] =	sst s8  }
0x11: {  	[smem:$0x3FB1] =	sst s9;
	s0 =	simm.s32 @!p0 $0x0  }
0x12: {  	s1 =	sld [smem:$0x3F97];
	s0 =	simm.s32 @p0 $0x1  }
0x13: {  	[smem:$0x3FB2] =	sst s0;
	s0 =	simm.s32 @!p1 $0x0  }
0x14: {  	s2 =	sld [smem:$0x3F96];
	s0 =	simm.s32 @p1 $0x1  }
0x15: {  	[smem:$0x3FB3] =	sst s0;
	s0 =	simm.s32 @!p2 $0x0  }
0x16: {  	s3 =	sld [smem:$0x3FDB];
	s0 =	simm.s32 @p2 $0x1  }
0x17: {  	s4 =	simm.s32 $0x1BF5;
	[smem:$0x3FB5] =	sst s0  }
0x18: {  	s0 =	sld [smem:$0x3F98];
	_ =	swait.ge [sflag:s4], $0x0  }
0x19: {  	s7 =	sld [smem:$0x3F99]  }
0x1a: {  	s8 =	sadd.s32 $0xFFFFE003, lr  }
0x1b: {  	s9 =	sadd.s32 $0xFFFFFEF7, lr;
	s5 =	simm.s32 $0xFFFFFFFF;
	p2 =	slt.u32 s8, $0xFFFFF086  }
0x1c: {  	p1 =	slt.u32 s9, $0xF7A;
	s5 =	simm.s32 @!p2 $0x0  }
0x1d: {  	s5 =	simm.s32 @p1 $0x1;
	p0 =	seq.s32 s7, s2  }
0x1e: {  	s7 =	smul.u32 @!p0 $0xF7A, s2;
	p2 =	seq.s32 @!p0 s5, $0x0  }
0x1f: {  	s9 =	smul.u32 $0xF7A, s1;
	s8 =	simm.s32 @!p0 $0x1BF5;
	p2 =	por !p2, p0  }
0x20: {  	[sflag:s8] =	ssyncset.s32 @!p0 $0xFFFFF086;
	s6 =	sadd.s32 @!p0 s3, s7;
	s7 =	simm.s32 @!p0 $0x108  }
0x21: {  	s3 =	sadd.s32 s3, s9;
	s6 =	sadd.s32 @!p0 $0x88, s6;
	s7 =	simm.s32 @p2 $0x1082  }
0x22: {  	[simem:s7], [sflag:s8] =	dma.local @!p0 [hbm:s6], $0xF7A  }
0x23: {  	s9 =	sor.u32 $0xD0000000, s2;
	s6 =	simm.s32 $0x108;
	_ =	swait.ge @!p0 [sflag:s8], $0x0  }
0x24: {  	s3 =	sadd.s32 $0x88, s3;
	s6 =	simm.s32 @!p1 $0x1082;
	[sflag:s4] =	ssyncset.s32 $0xFFFFF086  }
0x25: {  	[simem:s6], [sflag:s4] =	dma.local [hbm:s3], $0xF7A  }
0x26: {  	[smem:$0x3F99] =	sst s1;
	(tag) =	ssettag s2;
	_ =	strace s9  }
0x27: {  	s1 =	sld [smem:$0x3FA9]  }
0x28: {  	s2 =	sld [smem:$0x3FAA]  }
0x29: {  	s4 =	sld [smem:$0x3FAC]  }
0x2a: {  	p0 =	seq.s32 s5, $0x0;
	s5 =	sld [smem:$0x3FAD]  }
0x2b: {  	s6 =	sld [smem:$0x3FAE]  }
0x2c: {  	s7 =	sld [smem:$0x3FAF]  }
0x2d: {  	s3 =	simm.s32 $0x108;
	s8 =	sld [smem:$0x3FB0]  }
0x2e: {  	s3 =	simm.s32 @!p0 $0x1082;
	s9 =	sld [smem:$0x3FB1]  }
0x2f: {  	lr =	sadd.s32 s0, s3;
	s0 =	sld [smem:$0x3FA8]  }
0x30: {  	s3 =	sld [smem:$0x3FAB]  }
0x31: {  	[smem:$0x3FB4] =	sst s10  }
0x32: {  	s10 =	sld [smem:$0x3FB2];
	_ =	sdelay $0x3  }
0x33: {  	p0 =	seq.s32 s10, $0x1;
	s10 =	sld [smem:$0x3FB4];
	_ =	sdelay $0x3  }
0x34: {  	[smem:$0x3FB4] =	sst s10  }
0x35: {  	s10 =	sld [smem:$0x3FB3];
	_ =	sdelay $0x3  }
0x36: {  	p1 =	seq.s32 s10, $0x1;
	s10 =	sld [smem:$0x3FB4];
	_ =	sdelay $0x3  }
0x37: {  	[smem:$0x3FB4] =	sst s10  }
0x38: {  	s10 =	sld [smem:$0x3FB5]  }
0x39: {  	_ = 	snop;
	(pc) =	sbr.ind lr, $3  }
0x3a: {  	_ = 	snop  }
0x3b: {  	_ = 	snop  }
0x3c: {  	p2 =	seq.s32 s10, $0x1;
	s10 =	sld [smem:$0x3FB4]  }
0x3d: {  	_ =	shalt  }
0x3e: {  	_ =	shalt  }
0x3f: {  	_ =	shalt  }
0x40: {  	_ =	shalt  }
0x41: {  	_ =	shalt  }
0x42: {  	_ =	shalt  }
0x43: {  	_ =	shalt  }
0x44: {  	_ =	shalt  }
0x45: {  	_ =	shalt  }
0x46: {  	_ =	shalt  }
0x47: {  	_ =	shalt  }
0x48: {  	_ =	shalt  }
0x49: {  	_ =	shalt  }
0x4a: {  	_ =	shalt  }
0x4b: {  	_ =	shalt  }
0x4c: {  	_ =	shalt  }
0x4d: {  	_ =	shalt  }
0x4e: {  	_ =	shalt  }
0x4f: {  	_ =	shalt  }
0x50: {  	_ =	shalt  }
0x51: {  	_ =	shalt  }
0x52: {  	_ =	shalt  }
0x53: {  	_ =	shalt  }
0x54: {  	_ =	shalt  }
0x55: {  	_ =	shalt  }
0x56: {  	_ =	shalt  }
0x57: {  	_ =	shalt  }
0x58: {  	_ =	shalt  }
0x59: {  	_ =	shalt  }
0x5a: {  	_ =	shalt  }
0x5b: {  	_ =	shalt  }
0x5c: {  	_ =	shalt  }
0x5d: {  	_ =	shalt  }
0x5e: {  	_ =	shalt  }
0x5f: {  	_ =	shalt  }
0x60: {  	_ =	shalt  }
0x61: {  	_ =	shalt  }
0x62: {  	_ =	shalt  }
0x63: {  	_ =	shalt  }
0x64: {  	_ =	shalt  }
0x65: {  	_ =	shalt  }
0x66: {  	_ =	shalt  }
0x67: {  	_ =	shalt  }
0x68: {  	_ =	shalt  }
0x69: {  	_ =	shalt  }
0x6a: {  	_ =	shalt  }
0x6b: {  	_ =	shalt  }
0x6c: {  	_ =	shalt  }
0x6d: {  	_ =	shalt  }
0x6e: {  	_ =	shalt  }
0x6f: {  	_ =	shalt  }
0x70: {  	_ =	shalt  }
0x71: {  	_ =	shalt  }
0x72: {  	_ =	shalt  }
0x73: {  	_ =	shalt  }
0x74: {  	_ =	shalt  }
0x75: {  	_ =	shalt  }
0x76: {  	_ =	shalt  }
0x77: {  	_ =	shalt  }
0x78: {  	_ =	shalt  }
0x79: {  	_ =	shalt  }
0x7a: {  	_ =	shalt  }
0x7b: {  	_ =	shalt  }
0x7c: {  	_ =	shalt  }
0x7d: {  	_ =	shalt  }
0x7e: {  	_ =	shalt  }
0x7f: {  	_ =	shalt  }
0x80: {  	_ =	shalt  }
0x81: {  	_ =	shalt  }
0x82: {  	_ =	shalt  }
0x83: {  	_ =	shalt  }
0x84: {  	_ =	shalt  }
0x85: {  	_ =	shalt  }
0x86: {  	_ =	shalt  }
0x87: {  	_ =	shalt  }
.Lfunc_end0:
.L_simem_size_0:
called_computation_lowered:
.L_overlay_start_0:
0x88: {  	s2 =	sld [smem:$0x3FD9]  }
0x89: {  	s3 =	sld [smem:$0x3FFE];
	_ =	sdelay $0x1  }
0x8a: {  	s1 =	srdreg.scid  }
0x8b: {  	s0 =	sand.u32 $0x1, s1  }
0x8c: {  	s16 =	sshll.u32 s0, $0xA;
	s2 =	sadd.s32 s3, s2  }
0x8d: {  	s2 =	sadd.s32 s2, s16  }
0x8e: {  	[smem:$0x3FC0] =	sst s2  }
0x8f: {  	_ = 	snop  }
0x90: {  	(tm) =	ssettm $0x1  }
0x91: {  	s17 =	sld [smem:$0x3FFB];
	_ =	sdelay $0x3  }
0x92: {  	_ =	strace s17  }
0x93: {  	s2 =	sld [smem:$0x3FFC];
	_ =	sdelay $0x3  }
0x94: {  	_ =	strace s2  }
0x95: {  	s2 =	sld [smem:$0x3FFD];
	_ =	sdelay $0x3  }
0x96: {  	_ =	strace s2  }
0x97: {  	_ =	strace $0x8FFFFFFF  }
0x98: {  	s18 =	sld [smem:$0x3FDB];
	_ =	sdelay $0x1  }
0x99: {  	s19 =	simm.s32 $_scs_section_size  }
0x9a: {  	s4 =	simm.s32 $_size__tile_overlayer_lowered;
	s5 =	simm.s32 $_tile_overlayer_lowered  }
0x9b: {  	s22 =	simm.s32 $0x1BFF;
	s21 =	sshll.u32 s5, $0x1;
	s2 =	sadd.s32 s19, s18  }
0x9c: {  	s6 =	simm.s32 $0x0;
	s20 =	sshll.u32 s4, $0x1;
	s4 =	sadd.s32 s21, s2  }
0x9d: {  	[timem:s6], [sflag:s22] =	dma.local [hbm:s4], s20  }
0x9e: {  	_ =	swait.ge [sflag:s22], s20  }
0x9f: {  	s3 =	ssub.s32 $0x0, s20;
	[sflag:s22] =	ssyncset.done $0x0  }
0xa0: {  	[sflag:s22] =	ssyncadd.s32 s3;
	_ =	sdelay $0x1  }
0xa1: {  	s23 =	simm.s32 $0x1B8B  }
0xa2: {  	_ =	swait.ge [sflag:s23], $0x1  }
0xa3: {  	[sflag:s23] =	ssyncset.done $0x0  }
0xa4: {  	s25 =	simm.s32 $0x1B8E;
	s24 =	sld [smem:$0x3FFE];
	[sflag:s23] =	ssyncadd.s32 $0xFFFFFFFF  }
0xa5: {  	s26 =	simm.s32 $execute0_lowered;
	[smem:$0x3FD2] =	sst s25  }
0xa6: {  	s4 =	sshll.u32 s26, $0x1;
	_ =	strace $0x80000046;
	[dreg:$0x1] =	wrdreg $0xFFFFFFFF  }
0xa7: {  	s28 =	simm.s32 $_size_execute0_lowered;
	s2 =	sadd.s32 s2, s4;
	[dreg:$0x0] =	wrdreg $0x0  }
0xa8: {  	s4 =	sshll.u32 s28, $0x1;
	[dreg:$0x2] =	wrdreg s2  }
0xa9: {  	[dreg:$0x3] =	wrdreg s4  }
0xaa: {  	[dreg:$0x4] =	wrdreg $0xC0  }
0xab: {  	_ =	task [dreg:s6], $0x5FFFF  }
0xac: {  	[dreg:$0x1] =	wrdreg $0xFFFFFFFF  }
0xad: {  	[dreg:$0x0] =	wrdreg $0x60  }
0xae: {  	[dreg:$0x2] =	wrdreg s24  }
0xaf: {  	[dreg:$0x3] =	wrdreg $0x66000  }
0xb0: {  	[dreg:$0x4] =	wrdreg $0x9  }
0xb1: {  	_ =	task.clear_ibuf [dreg:s6], $0x5FFFF;
	_ =	strace $0x90000046  }
0xb2: {  	s29 =	simm.s32 $0x9;
	_ =	strace $0x80000048  }
0xb3: {  	_ =	swait.ge [sflag:s29], $0x1  }
0xb4: {  	[sflag:s29] =	ssyncadd.s32 $0xFFFFFFFF  }
0xb5: {  	_ =	strace $0x90000048  }
0xb6: {  	_ =	sfence  }
0xb7: {  	s30 =	sld [smem:$0x0];
	_ =	sdelay $0x2  }
0xb8: {  	s31 =	sshll.u32 s1, $0xD;
	s1 =	sshrl.u32 s1, $0x2  }
0xb9: {  	s3 =	sand.u32 $0x4000, s31;
	s1 =	sadd.s32 s1, s30  }
0xba: {  	s0 =	sor.u32 s3, s0;
	s1 =	sshll.u32 s1, $0x11  }
0xbb: {  	s0 =	sor.u32 s1, s0  }
0xbc: {  	s0 =	sadd.s32 $0x8F2B, s0  }
0xbd: {  	[sflag:s0] =	ssyncadd.remote.s32 $0x1  }
0xbe: {  	_ =	sfence.sel $0xFFFF  }
0xbf: {  	[dreg:$0x0] =	wrdreg $0xFFFFFFFF;
	(pc) =	sbr.abs _section_cstart, $3  }
0xc0: {  	[dreg:$0x1] =	wrdreg $0xFFFFFFFF  }
0xc1: {  	_ =	task.clear_ibuf [dreg:s6], $0x2FFFF;
	_ =	strace $0x9FFFFFFF  }
0xc2: {  	(tm) =	ssettm $0x7FFFFFFF  }
0xc3: {  	_ =	shalt  }
tec
execute0_lowered:
.L_overlay_start_1:
0x0: {  	(tag) =	ssettag $0x1  }
0x1: {  	s6 =	rddreg [dreg:$0x0]  }
0x2: {  	s2 =	rddreg [dreg:$0x1]  }
0x3: {  	s0 =	rddreg [dreg:$0x2];
	s3 =	simm.s32 $0x0  }
0x4: {  	s1 =	stileid.u32;
	s4 =	srdreg.scid;
	s14 =	simm.s32 $0x3  }
0x5: {  	s17 =	simm.s32 $0x100;
	s18 =	simm.s32 $0x1;
	s19 =	simm.s32 $0xC8  }
0x6: {  	s20 =	simm.s32 $0x2;
	[smem:$0x7FF] =	sst s3;
	s7 =	smul.u32 $0x14000, s1  }
0x7: {  	s8 =	sand.u32 $0x1, s4;
	s4 =	sadd.s32 $0x4400, s6;
	s12 =	smul.u32 $0x50000, s1  }
0x8: {  	s5 =	sadd.s32 $0x36200, s6;
	s25 =	smul.u32 $0x2710, s1;
	s15 =	sshll.u32 s1, $0x6  }
0x9: {  	_ =	strace $0x80000047;
	s9 =	smul.u32 $0x140000, s8;
	s10 =	sshll.u32 s8, $0x4  }
0xa: {  	s22 =	ssub.s32 $0x2, s8;
	s8 =	smul.u32 $0x27100, s8;
	s15 =	sor.u32 $0x1C03, s15  }
0xb: {  	s11 =	sshrl.u32 s7, $0x3;
	s10 =	sor.u32 s1, s10;
	s23 =	sshrl.u32 s22, $0x1  }
0xc: {  	s24 =	sshrl.u32 s12, $0x2;
	s11 =	sadd.s32 s11, s6;
	s7 =	sadd.s32 s7, s9  }
0xd: {  	s21 =	smul.u32 $0x2710, s10;
	s10 =	ssub.s32 s22, s23;
	s28 =	sadd.s32 s25, s8  }
0xe: {  	s16 =	sadd.s32 s24, s2;
	s7 =	sshrl.u32 s7, $0x3;
	s30 =	sadd.s32 $0xC8, s28  }
0xf: {  	s16 =	sshrl.u32 s16, $0x3;
	s13 =	sadd.s32 s7, s6;
	s6 =	sadd.s32 $0xE200, s11  }
0x10: {  	s26 =	sshrl.u32 s21, $0x3;
	s9 =	sadd.s32 $0x2648, s21;
	s31 =	sshrl.u32 s30, $0x3  }
0x11: {  	s11 =	sadd.s32 $0x190, s28;
	s21 =	simm.s32 $0x0;
	s7 =	sadd.s32 s4, s26  }
0x12: {  	s8 =	sadd.s32 $0x37000, s13;
	s29 =	sshrl.u32 s9, $0x3;
	s9 =	smax.u32 s10, $0x1  }
0x13: {  	s12 =	sadd.s32 s31, s4;
	s13 =	simm.s32 $0x200;
	s10 =	sadd.s32 s4, s29  }
.LBB2_1:
0x14: {  	[tilespmem:s13], [sflag:$0x3] =	stream.linear.gather [hbm4b:s5+s3], $0x6400, $0x38;
	[tilespmem:$0x1A600] =	vst v63  }
0x15: {  	_ =	swait.ge [sflag:s14], $0x6400  }
0x16: {  	[sflag:s14] =	ssyncset.done $0x0  }
0x17: {  	[sflag:s14] =	ssyncadd.s32 $0xFFFF9C00  }
0x18: {  	[spmem:s16], [sflag:s15] =	dma.local [hbm:s6], $0x2800  }
0x19: {  	_ =	swait.ge [sflag:s14], $0x2800  }
0x1a: {  	[sflag:s14] =	ssyncset.done $0x0  }
0x1b: {  	[sflag:s14] =	ssyncadd.s32 $0xFFFFD800  }
0x1c: {  	[bflag:$0x0] =	sbarrier.arrive $0xFFFF  }
0x1d: {  	[tilespmem:s3], [sflag:$0x1] =	stream.linear.gather [hbm4b:s7+s3], $0xC8, $0x38;
	[tilespmem:$0x1A600] =	vst v63  }
0x1e: {  	s22 =	sadd.s32 $0x0, s12  }
0x1f: {  	[tilespmem:s17], [sflag:$0x2] =	stream.linear.gather [hbm4b:s22+s3], $0xC8, $0x38;
	[tilespmem:$0x1A600] =	vst v63  }
0x20: {  	_ =	swait.ge [sflag:s18], $0xC8  }
0x21: {  	[sflag:s18] =	ssyncset.done $0x0  }
0x22: {  	[sflag:s18] =	ssyncadd.s32 $0xFFFFFF38  }
0x23: {  	[spmem:s2] =	stream.indirect.scatter.add.f32 [tilespmem:s13], [sflag:$0x3], $0x80, s3, s19, $0xb8;
	[tilespmem:$0x1A600] =	vst v63  }
0x24: {  	_ =	swait.ge [sflag:s14], $0x6400  }
0x25: {  	s31 =	sshrl.u32 s11, $0x3;
	[sflag:s14] =	ssyncset.done $0x0  }
0x26: {  	s22 =	sadd.s32 s4, s31;
	[sflag:s14] =	ssyncadd.s32 $0xFFFF9C00  }
0x27: {  	[tilespmem:s3], [sflag:$0x1] =	stream.linear.gather [hbm4b:s22+s3], $0xC8, $0x38;
	[tilespmem:$0x1A600] =	vst v63  }
0x28: {  	_ =	swait.ge [sflag:s20], $0xC8  }
0x29: {  	[sflag:s20] =	ssyncset.done $0x0  }
0x2a: {  	[sflag:s20] =	ssyncadd.s32 $0xFFFFFF38  }
0x2b: {  	[spmem:s2] =	stream.indirect.scatter.add.f32 [tilespmem:s13], [sflag:$0x3], $0x80, s17, s19, $0xb8;
	[tilespmem:$0x1A600] =	vst v63  }
0x2c: {  	s23 =	simm.s32 $0x32;
	_ =	swait.ge [sflag:s14], $0x6400  }
0x2d: {  	s24 =	simm.s32 $0x64;
	s22 =	sadd.s32 $0x190, s11;
	[sflag:s14] =	ssyncset.done $0x0  }
.LBB2_2:
0x2e: {  	s25 =	sadd.s32 s23, s12  }
0x2f: {  	[sflag:s14] =	ssyncadd.s32 $0xFFFF9C00;
	s23 =	smov.u32 s24;
	s26 =	sadd.s32 $0x32, s24  }
0x30: {  	[tilespmem:s17], [sflag:$0x2] =	stream.linear.gather [hbm4b:s25+s3], $0xC8, $0x38;
	[tilespmem:$0x1A600] =	vst v63  }
0x31: {  	p0 =	sne.s32 s24, $0x47E;
	_ =	swait.ge [sflag:s18], $0xC8  }
0x32: {  	[sflag:s18] =	ssyncset.done $0x0  }
0x33: {  	[sflag:s18] =	ssyncadd.s32 $0xFFFFFF38  }
0x34: {  	[spmem:s2] =	stream.indirect.scatter.add.f32 [tilespmem:s13], [sflag:$0x3], $0x80, s3, s19, $0xb8;
	[tilespmem:$0x1A600] =	vst v63  }
0x35: {  	_ =	swait.ge [sflag:s14], $0x6400  }
0x36: {  	s24 =	sshrl.u32 s22, $0x3;
	[sflag:s14] =	ssyncset.done $0x0  }
0x37: {  	s24 =	sadd.s32 s4, s24;
	[sflag:s14] =	ssyncadd.s32 $0xFFFF9C00  }
0x38: {  	[tilespmem:s3], [sflag:$0x1] =	stream.linear.gather [hbm4b:s24+s3], $0xC8, $0x38;
	[tilespmem:$0x1A600] =	vst v63  }
0x39: {  	_ =	swait.ge [sflag:s20], $0xC8  }
.Ltmp0:
0x3a: {  	[sflag:s20] =	ssyncset.done $0x0;
	(pc) =	sbr.rel @p0 .LBB2_2-.Ltmp0, $4  }
0x3b: {  	[sflag:s20] =	ssyncadd.s32 $0xFFFFFF38  }
0x3c: {  	[spmem:s2] =	stream.indirect.scatter.add.f32 [tilespmem:s13], [sflag:$0x3], $0x80, s17, s19, $0xb8;
	[tilespmem:$0x1A600] =	vst v63  }
0x3d: {  	_ =	swait.ge [sflag:s14], $0x6400  }
0x3e: {  	s22 =	sadd.s32 $0x190, s22;
	s24 =	smov.u32 s26;
	[sflag:s14] =	ssyncset.done $0x0  }
0x3f: {  	s23 =	sadd.s32 s23, s12;
	[sflag:s14] =	ssyncadd.s32 $0xFFFF9C00  }
0x40: {  	[tilespmem:s17], [sflag:$0x2] =	stream.linear.gather [hbm4b:s23+s3], $0xC8, $0x38;
	[tilespmem:$0x1A600] =	vst v63  }
0x41: {  	_ =	swait.ge [sflag:s18], $0xC8  }
0x42: {  	[sflag:s18] =	ssyncset.done $0x0  }
0x43: {  	[sflag:s18] =	ssyncadd.s32 $0xFFFFFF38  }
0x44: {  	[spmem:s2] =	stream.indirect.scatter.add.f32 [tilespmem:s13], [sflag:$0x3], $0x80, s3, s19, $0xb8;
	[tilespmem:$0x1A600] =	vst v63  }
0x45: {  	_ =	swait.ge [sflag:s14], $0x6400  }
0x46: {  	s22 =	sshrl.u32 s22, $0x3;
	[sflag:s14] =	ssyncset.done $0x0  }
0x47: {  	s22 =	sadd.s32 s4, s22;
	[sflag:s14] =	ssyncadd.s32 $0xFFFF9C00  }
0x48: {  	[tilespmem:s3], [sflag:$0x1] =	stream.linear.gather [hbm4b:s22+s3], $0xC8, $0x38;
	[tilespmem:$0x1A600] =	vst v63  }
0x49: {  	_ =	swait.ge [sflag:s20], $0xC8  }
0x4a: {  	[sflag:s20] =	ssyncset.done $0x0  }
0x4b: {  	[sflag:s20] =	ssyncadd.s32 $0xFFFFFF38  }
0x4c: {  	[spmem:s2] =	stream.indirect.scatter.add.f32 [tilespmem:s13], [sflag:$0x3], $0x80, s17, s19, $0xb8;
	[tilespmem:$0x1A600] =	vst v63  }
0x4d: {  	_ =	swait.ge [sflag:s14], $0x6400  }
0x4e: {  	[sflag:s14] =	ssyncset.done $0x0  }
0x4f: {  	[sflag:s14] =	ssyncadd.s32 $0xFFFF9C00  }
0x50: {  	[tilespmem:s17], [sflag:$0x2] =	stream.linear.gather [hbm4b:s10+s3], $0xC8, $0x38;
	[tilespmem:$0x1A600] =	vst v63  }
0x51: {  	_ =	swait.ge [sflag:s18], $0xC8  }
0x52: {  	[sflag:s18] =	ssyncset.done $0x0  }
0x53: {  	[sflag:s18] =	ssyncadd.s32 $0xFFFFFF38  }
0x54: {  	[spmem:s2] =	stream.indirect.scatter.add.f32 [tilespmem:s13], [sflag:$0x3], $0x80, s3, s19, $0xb8;
	[tilespmem:$0x1A600] =	vst v63  }
0x55: {  	_ =	swait.ge [sflag:s14], $0x6400  }
0x56: {  	[sflag:s14] =	ssyncset.done $0x0  }
0x57: {  	[sflag:s14] =	ssyncadd.s32 $0xFFFF9C00  }
0x58: {  	_ =	swait.ge [sflag:s20], $0xC8  }
0x59: {  	[sflag:s20] =	ssyncset.done $0x0  }
0x5a: {  	[sflag:s20] =	ssyncadd.s32 $0xFFFFFF38  }
0x5b: {  	[spmem:s2] =	stream.indirect.scatter.add.f32 [tilespmem:s13], [sflag:$0x3], $0x80, s17, s19, $0xb8;
	[tilespmem:$0x1A600] =	vst v63  }
0x5c: {  	_ =	swait.ge [sflag:s14], $0x6400  }
0x5d: {  	s21 =	sadd.s32 $0x1, s21;
	[sflag:s14] =	ssyncset.done $0x0  }
0x5e: {  	p0 =	sne.s32 s21, s9;
	[sflag:s14] =	ssyncadd.s32 $0xFFFF9C00  }
.Ltmp1:
0x5f: {  	[bflag:$0x0] =	sbarrier.arrive $0xFFFF;
	(pc) =	sbr.rel @p0 .LBB2_1-.Ltmp1, $4  }
0x60: {  	[hbm:s8], [sflag:s15] =	dma.local [spmem:s16], $0x2800  }
0x61: {  	_ =	swait.ge [sflag:s14], $0x2800  }
0x62: {  	[sflag:s14] =	ssyncset.done $0x0  }
0x63: {  	[sflag:s14] =	ssyncadd.s32 $0xFFFFD800  }
0x64: {  	_ =	sfence.sel $0x180000  }
0x65: {  	[bflag:$0x0] =	sbarrier.arrive $0xFFFF  }
0x66: {  	p0 =	sne.s32 s1, $0x0;
	_ =	strace $0x90000047  }
0x67: {  	s0 =	sadd.s32 @!p0 $0x100000, s0;
	[bflag:$0x2] =	sbarrier.arrive $0xFFFF  }
0x68: {  	[sflag:s0] =	ssyncadd.tile.s32 @!p0 $0x1;
	_ =	shalt  }
.Lfunc_end2:
_tile_overlayer_lowered:
.L_overlay_start_2:
0x69: {  	(tag) =	ssettag $0x2  }
0x6a: {  	s0 =	rddreg [dreg:$0x0];
	s2 =	stileid.u32  }
0x6b: {  	s1 =	rddreg [dreg:$0x1];
	p0 =	sne.s32 s2, $0x0  }
0x6c: {  	s3 =	rddreg [dreg:$0x2];
	[bflag:$0x3] =	sbarrier.arrive $0xFFFF;
	s2 =	simm.s32 @!p0 $0x1C03  }
0x6d: {  	[timem:s3], [sflag:s2] =	dma.local @!p0 [hbm:s0], s1  }
0x6e: {  	s0 =	simm.s32 @!p0 $0x3  }
0x6f: {  	_ =	swait.ge @!p0 [sflag:s0], s1  }
0x70: {  	s1 =	ssub.s32 @!p0 $0x0, s1;
	[sflag:s0] =	ssyncset.done @!p0 $0x0  }
0x71: {  	[sflag:s0] =	ssyncadd.s32 @!p0 s1  }
0x72: {  	[bflag:$0x3] =	sbarrier.arrive $0xFFFF  }
0x73: {  	_ =	shalt  }

// kernel: kernel.14.cloned.1.call-start
scs
__scs_entry_jumppad:
0x0: {  	(pc) =	sbr.rel $0x88, $3  }
0x1: {  	(tag) =	ssettag $0x0;
	lr =	simm.s32 $0x1  }
0x2: {  	[smem:$0x3F99] =	sst lr;
	_ =	strace $0xD0000000  }
0x3: {  	_ = 	snop  }
0x4: {  	_ = 	snop  }
0x5: {  	_ = 	snop  }
0x6: {  	_ = 	snop  }
0x7: {  	_ = 	snop  }
__scs_overlays_trampoline_lowered:
0x8: {  	[smem:$0x3FA8] =	sst s0  }
0x9: {  	[smem:$0x3FA9] =	sst s1  }
0xa: {  	[smem:$0x3FAA] =	sst s2  }
0xb: {  	[smem:$0x3FAB] =	sst s3  }
0xc: {  	[smem:$0x3FAC] =	sst s4  }
0xd: {  	[smem:$0x3FAD] =	sst s5  }
0xe: {  	[smem:$0x3FAE] =	sst s6  }
0xf: {  	[smem:$0x3FAF] =	sst s7  }
0x10: {  	[smem:$0x3FB0] =	sst s8  }
0x11: {  	[smem:$0x3FB1] =	sst s9;
	s0 =	simm.s32 @!p0 $0x0  }
0x12: {  	s1 =	sld [smem:$0x3F97];
	s0 =	simm.s32 @p0 $0x1  }
0x13: {  	[smem:$0x3FB2] =	sst s0;
	s0 =	simm.s32 @!p1 $0x0  }
0x14: {  	s2 =	sld [smem:$0x3F96];
	s0 =	simm.s32 @p1 $0x1  }
0x15: {  	[smem:$0x3FB3] =	sst s0;
	s0 =	simm.s32 @!p2 $0x0  }
0x16: {  	s3 =	sld [smem:$0x3FDB];
	s0 =	simm.s32 @p2 $0x1  }
0x17: {  	s4 =	simm.s32 $0x1BF5;
	[smem:$0x3FB5] =	sst s0  }
0x18: {  	s0 =	sld [smem:$0x3F98];
	_ =	swait.ge [sflag:s4], $0x0  }
0x19: {  	s7 =	sld [smem:$0x3F99]  }
0x1a: {  	s8 =	sadd.s32 $0xFFFFE003, lr  }
0x1b: {  	s9 =	sadd.s32 $0xFFFFFEF7, lr;
	s5 =	simm.s32 $0xFFFFFFFF;
	p2 =	slt.u32 s8, $0xFFFFF086  }
0x1c: {  	p1 =	slt.u32 s9, $0xF7A;
	s5 =	simm.s32 @!p2 $0x0  }
0x1d: {  	s5 =	simm.s32 @p1 $0x1;
	p0 =	seq.s32 s7, s2  }
0x1e: {  	s7 =	smul.u32 @!p0 $0xF7A, s2;
	p2 =	seq.s32 @!p0 s5, $0x0  }
0x1f: {  	s9 =	smul.u32 $0xF7A, s1;
	s8 =	simm.s32 @!p0 $0x1BF5;
	p2 =	por !p2, p0  }
0x20: {  	[sflag:s8] =	ssyncset.s32 @!p0 $0xFFFFF086;
	s6 =	sadd.s32 @!p0 s3, s7;
	s7 =	simm.s32 @!p0 $0x108  }
0x21: {  	s3 =	sadd.s32 s3, s9;
	s6 =	sadd.s32 @!p0 $0x88, s6;
	s7 =	simm.s32 @p2 $0x1082  }
0x22: {  	[simem:s7], [sflag:s8] =	dma.local @!p0 [hbm:s6], $0xF7A  }
0x23: {  	s9 =	sor.u32 $0xD0000000, s2;
	s6 =	simm.s32 $0x108;
	_ =	swait.ge @!p0 [sflag:s8], $0x0  }
0x24: {  	s3 =	sadd.s32 $0x88, s3;
	s6 =	simm.s32 @!p1 $0x1082;
	[sflag:s4] =	ssyncset.s32 $0xFFFFF086  }
0x25: {  	[simem:s6], [sflag:s4] =	dma.local [hbm:s3], $0xF7A  }
0x26: {  	[smem:$0x3F99] =	sst s1;
	(tag) =	ssettag s2;
	_ =	strace s9  }
0x27: {  	s1 =	sld [smem:$0x3FA9]  }
0x28: {  	s2 =	sld [smem:$0x3FAA]  }
0x29: {  	s4 =	sld [smem:$0x3FAC]  }
0x2a: {  	p0 =	seq.s32 s5, $0x0;
	s5 =	sld [smem:$0x3FAD]  }
0x2b: {  	s6 =	sld [smem:$0x3FAE]  }
0x2c: {  	s7 =	sld [smem:$0x3FAF]  }
0x2d: {  	s3 =	simm.s32 $0x108;
	s8 =	sld [smem:$0x3FB0]  }
0x2e: {  	s3 =	simm.s32 @!p0 $0x1082;
	s9 =	sld [smem:$0x3FB1]  }
0x2f: {  	lr =	sadd.s32 s0, s3;
	s0 =	sld [smem:$0x3FA8]  }
0x30: {  	s3 =	sld [smem:$0x3FAB]  }
0x31: {  	[smem:$0x3FB4] =	sst s10  }
0x32: {  	s10 =	sld [smem:$0x3FB2];
	_ =	sdelay $0x3  }
0x33: {  	p0 =	seq.s32 s10, $0x1;
	s10 =	sld [smem:$0x3FB4];
	_ =	sdelay $0x3  }
0x34: {  	[smem:$0x3FB4] =	sst s10  }
0x35: {  	s10 =	sld [smem:$0x3FB3];
	_ =	sdelay $0x3  }
0x36: {  	p1 =	seq.s32 s10, $0x1;
	s10 =	sld [smem:$0x3FB4];
	_ =	sdelay $0x3  }
0x37: {  	[smem:$0x3FB4] =	sst s10  }
0x38: {  	s10 =	sld [smem:$0x3FB5]  }
0x39: {  	_ = 	snop;
	(pc) =	sbr.ind lr, $3  }
0x3a: {  	_ = 	snop  }
0x3b: {  	_ = 	snop  }
0x3c: {  	p2 =	seq.s32 s10, $0x1;
	s10 =	sld [smem:$0x3FB4]  }
0x3d: {  	_ =	shalt  }
0x3e: {  	_ =	shalt  }
0x3f: {  	_ =	shalt  }
0x40: {  	_ =	shalt  }
0x41: {  	_ =	shalt  }
0x42: {  	_ =	shalt  }
0x43: {  	_ =	shalt  }
0x44: {  	_ =	shalt  }
0x45: {  	_ =	shalt  }
0x46: {  	_ =	shalt  }
0x47: {  	_ =	shalt  }
0x48: {  	_ =	shalt  }
0x49: {  	_ =	shalt  }
0x4a: {  	_ =	shalt  }
0x4b: {  	_ =	shalt  }
0x4c: {  	_ =	shalt  }
0x4d: {  	_ =	shalt  }
0x4e: {  	_ =	shalt  }
0x4f: {  	_ =	shalt  }
0x50: {  	_ =	shalt  }
0x51: {  	_ =	shalt  }
0x52: {  	_ =	shalt  }
0x53: {  	_ =	shalt  }
0x54: {  	_ =	shalt  }
0x55: {  	_ =	shalt  }
0x56: {  	_ =	shalt  }
0x57: {  	_ =	shalt  }
0x58: {  	_ =	shalt  }
0x59: {  	_ =	shalt  }
0x5a: {  	_ =	shalt  }
0x5b: {  	_ =	shalt  }
0x5c: {  	_ =	shalt  }
0x5d: {  	_ =	shalt  }
0x5e: {  	_ =	shalt  }
0x5f: {  	_ =	shalt  }
0x60: {  	_ =	shalt  }
0x61: {  	_ =	shalt  }
0x62: {  	_ =	shalt  }
0x63: {  	_ =	shalt  }
0x64: {  	_ =	shalt  }
0x65: {  	_ =	shalt  }
0x66: {  	_ =	shalt  }
0x67: {  	_ =	shalt  }
0x68: {  	_ =	shalt  }
0x69: {  	_ =	shalt  }
0x6a: {  	_ =	shalt  }
0x6b: {  	_ =	shalt  }
0x6c: {  	_ =	shalt  }
0x6d: {  	_ =	shalt  }
0x6e: {  	_ =	shalt  }
0x6f: {  	_ =	shalt  }
0x70: {  	_ =	shalt  }
0x71: {  	_ =	shalt  }
0x72: {  	_ =	shalt  }
0x73: {  	_ =	shalt  }
0x74: {  	_ =	shalt  }
0x75: {  	_ =	shalt  }
0x76: {  	_ =	shalt  }
0x77: {  	_ =	shalt  }
0x78: {  	_ =	shalt  }
0x79: {  	_ =	shalt  }
0x7a: {  	_ =	shalt  }
0x7b: {  	_ =	shalt  }
0x7c: {  	_ =	shalt  }
0x7d: {  	_ =	shalt  }
0x7e: {  	_ =	shalt  }
0x7f: {  	_ =	shalt  }
0x80: {  	_ =	shalt  }
0x81: {  	_ =	shalt  }
0x82: {  	_ =	shalt  }
0x83: {  	_ =	shalt  }
0x84: {  	_ =	shalt  }
0x85: {  	_ =	shalt  }
0x86: {  	_ =	shalt  }
0x87: {  	_ =	shalt  }
.Lfunc_end0:
.L_simem_size_0:
called_computation.1_lowered:
.L_overlay_start_0:
0x88: {  	s2 =	sld [smem:$0x3FD9]  }
0x89: {  	s3 =	sld [smem:$0x3FFE];
	_ =	sdelay $0x1  }
0x8a: {  	s1 =	srdreg.scid  }
0x8b: {  	s0 =	sand.u32 $0x1, s1  }
0x8c: {  	s17 =	sshll.u32 s0, $0xA;
	s2 =	sadd.s32 s3, s2  }
0x8d: {  	s2 =	sadd.s32 s2, s17  }
0x8e: {  	[smem:$0x3FC0] =	sst s2  }
0x8f: {  	_ = 	snop  }
0x90: {  	s2 =	sld [smem:$0x3FD0];
	(tm) =	ssettm $0x1  }
0x91: {  	s18 =	sld [smem:$0x3FFB];
	_ =	sdelay $0x3  }
0x92: {  	_ =	strace s18  }
0x93: {  	s3 =	sld [smem:$0x3FFC];
	_ =	sdelay $0x3  }
0x94: {  	_ =	strace s3  }
0x95: {  	s3 =	sld [smem:$0x3FFD];
	_ =	sdelay $0x3  }
0x96: {  	_ =	strace s3  }
0x97: {  	_ =	strace $0x8FFFFFFF  }
0x98: {  	s19 =	sld [smem:$0x3FDB];
	_ =	sdelay $0x1  }
0x99: {  	s4 =	simm.s32 $_scs_section_size  }
0x9a: {  	s5 =	simm.s32 $_size__tile_overlayer_lowered;
	s6 =	simm.s32 $_tile_overlayer_lowered  }
0x9b: {  	s22 =	simm.s32 $0x1BFF;
	s21 =	sshll.u32 s6, $0x1;
	s3 =	sadd.s32 s4, s19  }
0x9c: {  	s7 =	simm.s32 $0x0;
	s20 =	sshll.u32 s5, $0x1;
	s5 =	sadd.s32 s21, s3  }
0x9d: {  	[timem:s7], [sflag:s22] =	dma.local [hbm:s5], s20  }
0x9e: {  	_ =	swait.ge [sflag:s22], s20  }
0x9f: {  	s4 =	ssub.s32 $0x0, s20;
	[sflag:s22] =	ssyncset.done $0x0  }
0xa0: {  	[sflag:s22] =	ssyncadd.s32 s4;
	_ =	sdelay $0x1  }
0xa1: {  	s23 =	simm.s32 $0x1B8B  }
0xa2: {  	_ =	swait.ge [sflag:s23], $0x1  }
0xa3: {  	[sflag:s23] =	ssyncset.done $0x0  }
0xa4: {  	s25 =	simm.s32 $0x1B8E;
	s24 =	sld [smem:$0x3FFE];
	[sflag:s23] =	ssyncadd.s32 $0xFFFFFFFF  }
0xa5: {  	s26 =	simm.s32 $execute0_lowered;
	[smem:$0x3FD2] =	sst s25  }
0xa6: {  	s5 =	sshll.u32 s26, $0x1;
	_ =	strace $0x80000049;
	[dreg:$0x1] =	wrdreg $0xFFFFFFFF  }
0xa7: {  	s28 =	simm.s32 $_size_execute0_lowered;
	s3 =	sadd.s32 s3, s5;
	[dreg:$0x0] =	wrdreg $0x0  }
0xa8: {  	s5 =	sshll.u32 s28, $0x1;
	[dreg:$0x2] =	wrdreg s3  }
0xa9: {  	[dreg:$0x3] =	wrdreg s5  }
0xaa: {  	[dreg:$0x4] =	wrdreg $0xC0  }
0xab: {  	_ =	task [dreg:s7], $0x5FFFF  }
0xac: {  	[dreg:$0x1] =	wrdreg $0xFFFFFFFF  }
0xad: {  	[dreg:$0x0] =	wrdreg $0x60  }
0xae: {  	[dreg:$0x2] =	wrdreg s24  }
0xaf: {  	[dreg:$0x3] =	wrdreg s2  }
0xb0: {  	[dreg:$0x4] =	wrdreg $0x68000  }
0xb1: {  	[dreg:$0x5] =	wrdreg $0x9  }
0xb2: {  	_ =	task.clear_ibuf [dreg:s7], $0x6FFFF;
	_ =	strace $0x90000049  }
0xb3: {  	s29 =	simm.s32 $0x9;
	_ =	strace $0x8000004B  }
0xb4: {  	_ =	swait.ge [sflag:s29], $0x1  }
0xb5: {  	[sflag:s29] =	ssyncadd.s32 $0xFFFFFFFF  }
0xb6: {  	_ =	strace $0x9000004B  }
0xb7: {  	_ =	sfence  }
0xb8: {  	s30 =	sld [smem:$0x0];
	_ =	sdelay $0x2  }
0xb9: {  	s31 =	sshll.u32 s1, $0xD;
	s1 =	sshrl.u32 s1, $0x2  }
0xba: {  	s3 =	sand.u32 $0x4000, s31;
	s1 =	sadd.s32 s1, s30  }
0xbb: {  	s0 =	sor.u32 s3, s0;
	s1 =	sshll.u32 s1, $0x11  }
0xbc: {  	s0 =	sor.u32 s1, s0  }
0xbd: {  	s0 =	sadd.s32 $0x8F2B, s0  }
0xbe: {  	[sflag:s0] =	ssyncadd.remote.s32 $0x1  }
0xbf: {  	_ =	sfence.sel $0xFFFF  }
0xc0: {  	[dreg:$0x0] =	wrdreg $0xFFFFFFFF;
	(pc) =	sbr.abs _section_cstart, $3  }
0xc1: {  	[dreg:$0x1] =	wrdreg $0xFFFFFFFF  }
0xc2: {  	_ =	task.clear_ibuf [dreg:s7], $0x2FFFF;
	_ =	strace $0x9FFFFFFF  }
0xc3: {  	(tm) =	ssettm $0x7FFFFFFF  }
tec
execute0_lowered:
.L_overlay_start_1:
0x0: {  	(tag) =	ssettag $0x1  }
0x1: {  	s0 =	rddreg [dreg:$0x0]  }
0x2: {  	s2 =	rddreg [dreg:$0x1]  }
0x3: {  	s3 =	rddreg [dreg:$0x2]  }
0x4: {  	s14 =	stileid.u32;
	s1 =	srdreg.scid;
	s4 =	simm.s32 $0x0  }
0x5: {  	s28 =	simm.s32 $0x2;
	s29 =	simm.s32 $0x0;
	s7 =	smul.u32 $0x14000, s14  }
0x6: {  	s1 =	sand.u32 $0x1, s1;
	[smem:$0x7FF] =	sst s4;
	s10 =	smul.u32 $0x50000, s14  }
0x7: {  	s5 =	sadd.s32 $0x36200, s0;
	s6 =	sadd.s32 $0x4400, s0;
	s24 =	smul.u32 $0x2710, s14  }
0x8: {  	s22 =	sshll.u32 s14, $0x6;
	s8 =	smul.u32 $0x140000, s1;
	_ =	strace $0x8000004A  }
0x9: {  	s19 =	sshll.u32 s1, $0x4;
	s20 =	ssub.s32 $0x2, s1;
	s1 =	smul.u32 $0x27100, s1  }
0xa: {  	s9 =	sshrl.u32 s7, $0x3;
	s11 =	sshrl.u32 s20, $0x1;
	s21 =	sshrl.u32 s10, $0x2  }
0xb: {  	s9 =	sadd.s32 s9, s0;
	s7 =	sadd.s32 s7, s8;
	s8 =	sor.u32 s14, s19  }
0xc: {  	s13 =	ssub.s32 s20, s11;
	s18 =	sadd.s32 s21, s3;
	s1 =	sadd.s32 s24, s1  }
0xd: {  	s19 =	simm.s32 $0x4;
	s20 =	simm.s32 $0x100;
	s21 =	simm.s32 $0x200  }
0xe: {  	s24 =	simm.s32 $0xC8;
	s7 =	sshrl.u32 s7, $0x3;
	s12 =	smul.u32 $0x2710, s8  }
0xf: {  	s25 =	sadd.s32 $0xE200, s9;
	s8 =	sor.u32 $0x1C04, s22;
	s31 =	sadd.s32 $0xC8, s1  }
0x10: {  	s15 =	sadd.s32 $0x190, s1;
	s18 =	sshrl.u32 s18, $0x3;
	s22 =	simm.s32 $0x300  }
0x11: {  	s0 =	sadd.s32 s7, s0;
	[dreg:$0x4] =	wrdreg s25;
	s17 =	sshrl.u32 s31, $0x3  }
0x12: {  	s25 =	simm.s32 $0x400;
	s23 =	sshrl.u32 s12, $0x3;
	s12 =	sadd.s32 $0x2648, s12  }
0x13: {  	s11 =	sadd.s32 $0x84600, s0;
	s16 =	sadd.s32 s17, s6;
	s17 =	sadd.s32 s17, s2  }
0x14: {  	s26 =	sadd.s32 s2, s23;
	s10 =	sadd.s32 s6, s23;
	s30 =	sshrl.u32 s12, $0x3  }
0x15: {  	s12 =	smax.u32 s13, $0x1;
	s23 =	simm.s32 $0x1;
	[dreg:$0x5] =	wrdreg s26  }
0x16: {  	s13 =	sadd.s32 s2, s30;
	s14 =	sadd.s32 s6, s30;
	s26 =	simm.s32 $0x3  }
.LBB2_1:
0x17: {  	s0 =	rddreg [dreg:$0x4]  }
0x18: {  	[spmem:s18], [sflag:s8] =	dma.local [hbm:s0], $0x2800  }
0x19: {  	_ =	swait.ge [sflag:s19], $0x2800  }
0x1a: {  	[sflag:s19] =	ssyncset.done $0x0  }
0x1b: {  	[sflag:s19] =	ssyncadd.s32 $0xFFFFD800  }
0x1c: {  	[bflag:$0x0] =	sbarrier.arrive $0xFFFF  }
0x1d: {  	s9 =	rddreg [dreg:$0x5]  }
0x1e: {  	[tilespmem:s4], [sflag:$0x1] =	stream.linear.gather [hbm4b:s9+s4], $0xC8, $0x38;
	[tilespmem:$0x1A800] =	vst v63  }
0x1f: {  	_ = 	snop  }
0x20: {  	[tilespmem:s20], [sflag:$0x1] =	stream.linear.gather [hbm4b:s10+s4], $0xC8, $0x38;
	[tilespmem:$0x1A800] =	vst v63  }
0x21: {  	s1 =	sadd.s32 $0x0, s17  }
0x22: {  	[tilespmem:s21], [sflag:$0x2] =	stream.linear.gather [hbm4b:s1+s4], $0xC8, $0x38;
	[tilespmem:$0x1A800] =	vst v63  }
0x23: {  	s7 =	sadd.s32 $0x0, s16  }
0x24: {  	[tilespmem:s22], [sflag:$0x2] =	stream.linear.gather [hbm4b:s7+s4], $0xC8, $0x38;
	[tilespmem:$0x1A800] =	vst v63  }
0x25: {  	_ =	swait.ge [sflag:s23], $0xC8  }
0x26: {  	[sflag:s23] =	ssyncset.done $0x0  }
0x27: {  	[sflag:s23] =	ssyncadd.s32 $0xFFFFFF38  }
0x28: {  	_ =	swait.ge [sflag:s23], $0xC8  }
0x29: {  	[sflag:s23] =	ssyncset.done $0x0  }
0x2a: {  	[sflag:s23] =	ssyncadd.s32 $0xFFFFFF38  }
0x2b: {  	[tilespmem:s25], [sflag:$0x3] =	stream.indirect.gather [hbm4b:s5+s24], $0x80, s4, s24, $0xb8;
	[tilespmem:$0x1A800] =	vst v63  }
0x2c: {  	_ =	swait.ge [sflag:s26], $0x6400  }
0x2d: {  	[sflag:s26] =	ssyncset.done $0x0  }
0x2e: {  	[sflag:s26] =	ssyncadd.s32 $0xFFFF9C00  }
0x2f: {  	[spmem:s3] =	stream.indirect.scatter.add.f32 [tilespmem:s25], [sflag:$0x4], $0x80, s20, s24, $0xb8;
	[tilespmem:$0x1A800] =	vst v63  }
0x30: {  	_ =	swait.ge [sflag:s19], $0x6400  }
0x31: {  	s9 =	sshrl.u32 s15, $0x3;
	[sflag:s19] =	ssyncset.done $0x0  }
0x32: {  	s1 =	sadd.s32 s2, s9;
	[sflag:s19] =	ssyncadd.s32 $0xFFFF9C00  }
0x33: {  	[tilespmem:s4], [sflag:$0x1] =	stream.linear.gather [hbm4b:s1+s4], $0xC8, $0x38;
	[tilespmem:$0x1A800] =	vst v63  }
0x34: {  	s0 =	sadd.s32 s6, s9  }
0x35: {  	[tilespmem:s20], [sflag:$0x1] =	stream.linear.gather [hbm4b:s0+s4], $0xC8, $0x38;
	[tilespmem:$0x1A800] =	vst v63  }
0x36: {  	_ =	swait.ge [sflag:s28], $0xC8  }
0x37: {  	[sflag:s28] =	ssyncset.done $0x0  }
0x38: {  	[sflag:s28] =	ssyncadd.s32 $0xFFFFFF38  }
0x39: {  	_ =	swait.ge [sflag:s28], $0xC8  }
0x3a: {  	[sflag:s28] =	ssyncset.done $0x0  }
0x3b: {  	[sflag:s28] =	ssyncadd.s32 $0xFFFFFF38  }
0x3c: {  	[tilespmem:s25], [sflag:$0x3] =	stream.indirect.gather [hbm4b:s5+s24], $0x80, s21, s24, $0xb8;
	[tilespmem:$0x1A800] =	vst v63  }
0x3d: {  	_ =	swait.ge [sflag:s26], $0x6400  }
0x3e: {  	[sflag:s26] =	ssyncset.done $0x0  }
0x3f: {  	[sflag:s26] =	ssyncadd.s32 $0xFFFF9C00  }
0x40: {  	[spmem:s3] =	stream.indirect.scatter.add.f32 [tilespmem:s25], [sflag:$0x4], $0x80, s22, s24, $0xb8;
	[tilespmem:$0x1A800] =	vst v63  }
0x41: {  	s31 =	simm.s32 $0x32;
	_ =	swait.ge [sflag:s19], $0x6400  }
0x42: {  	s30 =	sadd.s32 $0x190, s15;
	s0 =	simm.s32 $0x64;
	[sflag:s19] =	ssyncset.done $0x0  }
.LBB2_2:
0x43: {  	s7 =	sadd.s32 s31, s17  }
0x44: {  	[sflag:s19] =	ssyncadd.s32 $0xFFFF9C00;
	s9 =	smov.u32 s0;
	s1 =	sadd.s32 $0x32, s0  }
0x45: {  	[tilespmem:s21], [sflag:$0x2] =	stream.linear.gather [hbm4b:s7+s4], $0xC8, $0x38;
	[tilespmem:$0x1A800] =	vst v63  }
0x46: {  	p0 =	sne.s32 s0, $0x47E;
	s0 =	sadd.s32 s31, s16;
	s31 =	smov.u32 s9  }
0x47: {  	[tilespmem:s22], [sflag:$0x2] =	stream.linear.gather [hbm4b:s0+s4], $0xC8, $0x38;
	[tilespmem:$0x1A800] =	vst v63  }
0x48: {  	_ =	swait.ge [sflag:s23], $0xC8  }
0x49: {  	[sflag:s23] =	ssyncset.done $0x0  }
0x4a: {  	[sflag:s23] =	ssyncadd.s32 $0xFFFFFF38  }
0x4b: {  	_ =	swait.ge [sflag:s23], $0xC8  }
0x4c: {  	[sflag:s23] =	ssyncset.done $0x0  }
0x4d: {  	[sflag:s23] =	ssyncadd.s32 $0xFFFFFF38  }
0x4e: {  	[tilespmem:s25], [sflag:$0x3] =	stream.indirect.gather [hbm4b:s5+s24], $0x80, s4, s24, $0xb8;
	[tilespmem:$0x1A800] =	vst v63  }
0x4f: {  	_ =	swait.ge [sflag:s26], $0x6400  }
0x50: {  	[sflag:s26] =	ssyncset.done $0x0  }
0x51: {  	[sflag:s26] =	ssyncadd.s32 $0xFFFF9C00  }
0x52: {  	[spmem:s3] =	stream.indirect.scatter.add.f32 [tilespmem:s25], [sflag:$0x4], $0x80, s20, s24, $0xb8;
	[tilespmem:$0x1A800] =	vst v63  }
0x53: {  	_ =	swait.ge [sflag:s19], $0x6400  }
0x54: {  	s0 =	sshrl.u32 s30, $0x3;
	[sflag:s19] =	ssyncset.done $0x0  }
0x55: {  	s7 =	sadd.s32 s2, s0;
	[sflag:s19] =	ssyncadd.s32 $0xFFFF9C00  }
0x56: {  	[tilespmem:s4], [sflag:$0x1] =	stream.linear.gather [hbm4b:s7+s4], $0xC8, $0x38;
	[tilespmem:$0x1A800] =	vst v63  }
0x57: {  	s0 =	sadd.s32 s6, s0  }
0x58: {  	[tilespmem:s20], [sflag:$0x1] =	stream.linear.gather [hbm4b:s0+s4], $0xC8, $0x38;
	[tilespmem:$0x1A800] =	vst v63  }
0x59: {  	_ =	swait.ge [sflag:s28], $0xC8  }
0x5a: {  	[sflag:s28] =	ssyncset.done $0x0  }
0x5b: {  	[sflag:s28] =	ssyncadd.s32 $0xFFFFFF38  }
0x5c: {  	_ =	swait.ge [sflag:s28], $0xC8  }
0x5d: {  	[sflag:s28] =	ssyncset.done $0x0  }
0x5e: {  	[sflag:s28] =	ssyncadd.s32 $0xFFFFFF38  }
0x5f: {  	[tilespmem:s25], [sflag:$0x3] =	stream.indirect.gather [hbm4b:s5+s24], $0x80, s21, s24, $0xb8;
	[tilespmem:$0x1A800] =	vst v63  }
0x60: {  	_ =	swait.ge [sflag:s26], $0x6400  }
.Ltmp0:
0x61: {  	[sflag:s26] =	ssyncset.done $0x0;
	(pc) =	sbr.rel @p0 .LBB2_2-.Ltmp0, $4  }
0x62: {  	[sflag:s26] =	ssyncadd.s32 $0xFFFF9C00  }
0x63: {  	[spmem:s3] =	stream.indirect.scatter.add.f32 [tilespmem:s25], [sflag:$0x4], $0x80, s22, s24, $0xb8;
	[tilespmem:$0x1A800] =	vst v63  }
0x64: {  	_ =	swait.ge [sflag:s19], $0x6400  }
0x65: {  	s30 =	sadd.s32 $0x190, s30;
	s0 =	smov.u32 s1;
	[sflag:s19] =	ssyncset.done $0x0  }
0x66: {  	s0 =	sadd.s32 s31, s17;
	[sflag:s19] =	ssyncadd.s32 $0xFFFF9C00  }
0x67: {  	[tilespmem:s21], [sflag:$0x2] =	stream.linear.gather [hbm4b:s0+s4], $0xC8, $0x38;
	[tilespmem:$0x1A800] =	vst v63  }
0x68: {  	s9 =	sadd.s32 s31, s16  }
0x69: {  	[tilespmem:s22], [sflag:$0x2] =	stream.linear.gather [hbm4b:s9+s4], $0xC8, $0x38;
	[tilespmem:$0x1A800] =	vst v63  }
0x6a: {  	_ =	swait.ge [sflag:s23], $0xC8  }
0x6b: {  	[sflag:s23] =	ssyncset.done $0x0  }
0x6c: {  	[sflag:s23] =	ssyncadd.s32 $0xFFFFFF38  }
0x6d: {  	_ =	swait.ge [sflag:s23], $0xC8  }
0x6e: {  	[sflag:s23] =	ssyncset.done $0x0  }
0x6f: {  	[sflag:s23] =	ssyncadd.s32 $0xFFFFFF38  }
0x70: {  	[tilespmem:s25], [sflag:$0x3] =	stream.indirect.gather [hbm4b:s5+s24], $0x80, s4, s24, $0xb8;
	[tilespmem:$0x1A800] =	vst v63  }
0x71: {  	_ =	swait.ge [sflag:s26], $0x6400  }
0x72: {  	[sflag:s26] =	ssyncset.done $0x0  }
0x73: {  	[sflag:s26] =	ssyncadd.s32 $0xFFFF9C00  }
0x74: {  	[spmem:s3] =	stream.indirect.scatter.add.f32 [tilespmem:s25], [sflag:$0x4], $0x80, s20, s24, $0xb8;
	[tilespmem:$0x1A800] =	vst v63  }
0x75: {  	_ =	swait.ge [sflag:s19], $0x6400  }
0x76: {  	s31 =	sshrl.u32 s30, $0x3;
	[sflag:s19] =	ssyncset.done $0x0  }
0x77: {  	s1 =	sadd.s32 s2, s31;
	[sflag:s19] =	ssyncadd.s32 $0xFFFF9C00  }
0x78: {  	[tilespmem:s4], [sflag:$0x1] =	stream.linear.gather [hbm4b:s1+s4], $0xC8, $0x38;
	[tilespmem:$0x1A800] =	vst v63  }
0x79: {  	s0 =	sadd.s32 s6, s31  }
0x7a: {  	[tilespmem:s20], [sflag:$0x1] =	stream.linear.gather [hbm4b:s0+s4], $0xC8, $0x38;
	[tilespmem:$0x1A800] =	vst v63  }
0x7b: {  	_ =	swait.ge [sflag:s28], $0xC8  }
0x7c: {  	[sflag:s28] =	ssyncset.done $0x0  }
0x7d: {  	[sflag:s28] =	ssyncadd.s32 $0xFFFFFF38  }
0x7e: {  	_ =	swait.ge [sflag:s28], $0xC8  }
0x7f: {  	[sflag:s28] =	ssyncset.done $0x0  }
0x80: {  	[sflag:s28] =	ssyncadd.s32 $0xFFFFFF38  }
0x81: {  	[tilespmem:s25], [sflag:$0x3] =	stream.indirect.gather [hbm4b:s5+s24], $0x80, s21, s24, $0xb8;
	[tilespmem:$0x1A800] =	vst v63  }
0x82: {  	_ =	swait.ge [sflag:s26], $0x6400  }
0x83: {  	[sflag:s26] =	ssyncset.done $0x0  }
0x84: {  	[sflag:s26] =	ssyncadd.s32 $0xFFFF9C00  }
0x85: {  	[spmem:s3] =	stream.indirect.scatter.add.f32 [tilespmem:s25], [sflag:$0x4], $0x80, s22, s24, $0xb8;
	[tilespmem:$0x1A800] =	vst v63  }
0x86: {  	_ =	swait.ge [sflag:s19], $0x6400  }
0x87: {  	[sflag:s19] =	ssyncset.done $0x0  }
0x88: {  	[sflag:s19] =	ssyncadd.s32 $0xFFFF9C00  }
0x89: {  	[tilespmem:s21], [sflag:$0x2] =	stream.linear.gather [hbm4b:s13+s4], $0xC8, $0x38;
	[tilespmem:$0x1A800] =	vst v63  }
0x8a: {  	_ = 	snop  }
0x8b: {  	[tilespmem:s22], [sflag:$0x2] =	stream.linear.gather [hbm4b:s14+s4], $0xC8, $0x38;
	[tilespmem:$0x1A800] =	vst v63  }
0x8c: {  	_ =	swait.ge [sflag:s23], $0xC8  }
0x8d: {  	[sflag:s23] =	ssyncset.done $0x0  }
0x8e: {  	[sflag:s23] =	ssyncadd.s32 $0xFFFFFF38  }
0x8f: {  	_ =	swait.ge [sflag:s23], $0xC8  }
0x90: {  	[sflag:s23] =	ssyncset.done $0x0  }
0x91: {  	[sflag:s23] =	ssyncadd.s32 $0xFFFFFF38  }
0x92: {  	[tilespmem:s25], [sflag:$0x3] =	stream.indirect.gather [hbm4b:s5+s24], $0x80, s4, s24, $0xb8;
	[tilespmem:$0x1A800] =	vst v63  }
0x93: {  	_ =	swait.ge [sflag:s26], $0x6400  }
0x94: {  	[sflag:s26] =	ssyncset.done $0x0  }
0x95: {  	[sflag:s26] =	ssyncadd.s32 $0xFFFF9C00  }
0x96: {  	[spmem:s3] =	stream.indirect.scatter.add.f32 [tilespmem:s25], [sflag:$0x4], $0x80, s20, s24, $0xb8;
	[tilespmem:$0x1A800] =	vst v63  }
0x97: {  	_ =	swait.ge [sflag:s19], $0x6400  }
0x98: {  	[sflag:s19] =	ssyncset.done $0x0  }
0x99: {  	[sflag:s19] =	ssyncadd.s32 $0xFFFF9C00  }
0x9a: {  	_ =	swait.ge [sflag:s28], $0xC8  }
0x9b: {  	[sflag:s28] =	ssyncset.done $0x0  }
0x9c: {  	[sflag:s28] =	ssyncadd.s32 $0xFFFFFF38  }
0x9d: {  	_ =	swait.ge [sflag:s28], $0xC8  }
0x9e: {  	[sflag:s28] =	ssyncset.done $0x0  }
0x9f: {  	[sflag:s28] =	ssyncadd.s32 $0xFFFFFF38  }
0xa0: {  	[tilespmem:s25], [sflag:$0x3] =	stream.indirect.gather [hbm4b:s5+s24], $0x80, s21, s24, $0xb8;
	[tilespmem:$0x1A800] =	vst v63  }
0xa1: {  	_ =	swait.ge [sflag:s26], $0x6400  }
0xa2: {  	[sflag:s26] =	ssyncset.done $0x0  }
0xa3: {  	[sflag:s26] =	ssyncadd.s32 $0xFFFF9C00  }
0xa4: {  	[spmem:s3] =	stream.indirect.scatter.add.f32 [tilespmem:s25], [sflag:$0x4], $0x80, s22, s24, $0xb8;
	[tilespmem:$0x1A800] =	vst v63  }
0xa5: {  	_ =	swait.ge [sflag:s19], $0x6400  }
0xa6: {  	s29 =	sadd.s32 $0x1, s29;
	[sflag:s19] =	ssyncset.done $0x0  }
0xa7: {  	p0 =	sne.s32 s29, s12;
	[sflag:s19] =	ssyncadd.s32 $0xFFFF9C00  }
.Ltmp1:
0xa8: {  	[bflag:$0x0] =	sbarrier.arrive $0xFFFF;
	(pc) =	sbr.rel @p0 .LBB2_1-.Ltmp1, $4  }
0xa9: {  	[hbm:s11], [sflag:s8] =	dma.local [spmem:s18], $0x2800  }
0xaa: {  	_ =	swait.ge [sflag:s19], $0x2800  }
0xab: {  	[sflag:s19] =	ssyncset.done $0x0  }
0xac: {  	[sflag:s19] =	ssyncadd.s32 $0xFFFFD800  }
0xad: {  	_ =	sfence.sel $0x180000  }
0xae: {  	[bflag:$0x0] =	sbarrier.arrive $0xFFFF  }
0xaf: {  	_ =	strace $0x9000004A  }
0xb0: {  	s0 =	stileid.u32;
	[bflag:$0x2] =	sbarrier.arrive $0xFFFF  }
0xb1: {  	p0 =	sne.s32 s0, $0x0;
	s0 =	rddreg [dreg:$0x3]  }
0xb2: {  	s0 =	sadd.s32 @!p0 $0x100000, s0  }
0xb3: {  	[sflag:s0] =	ssyncadd.tile.s32 @!p0 $0x1;
	_ =	shalt  }
.Lfunc_end2:
_tile_overlayer_lowered:
.L_overlay_start_2:
0xb4: {  	(tag) =	ssettag $0x2  }
0xb5: {  	s0 =	rddreg [dreg:$0x0];
	s2 =	stileid.u32  }
0xb6: {  	s1 =	rddreg [dreg:$0x1];
	p0 =	sne.s32 s2, $0x0  }
0xb7: {  	s3 =	rddreg [dreg:$0x2];
	[bflag:$0x3] =	sbarrier.arrive $0xFFFF;
	s2 =	simm.s32 @!p0 $0x1C04  }
0xb8: {  	[timem:s3], [sflag:s2] =	dma.local @!p0 [hbm:s0], s1  }
0xb9: {  	s0 =	simm.s32 @!p0 $0x4  }
0xba: {  	_ =	swait.ge @!p0 [sflag:s0], s1  }
0xbb: {  	s1 =	ssub.s32 @!p0 $0x0, s1;
	[sflag:s0] =	ssyncset.done @!p0 $0x0  }
0xbc: {  	[sflag:s0] =	ssyncadd.s32 @!p0 s1  }
0xbd: {  	[bflag:$0x3] =	sbarrier.arrive $0xFFFF  }
0xbe: {  	_ =	shalt  }

// kernel: kernel.17.cloned.1.call-start
scs
__scs_entry_jumppad:
0x0: {  	(pc) =	sbr.rel $0x88, $3  }
0x1: {  	(tag) =	ssettag $0x0;
	lr =	simm.s32 $0x1  }
0x2: {  	[smem:$0x3F99] =	sst lr;
	_ =	strace $0xD0000000  }
0x3: {  	_ = 	snop  }
0x4: {  	_ = 	snop  }
0x5: {  	_ = 	snop  }
0x6: {  	_ = 	snop  }
0x7: {  	_ = 	snop  }
__scs_overlays_trampoline_lowered:
0x8: {  	[smem:$0x3FA8] =	sst s0  }
0x9: {  	[smem:$0x3FA9] =	sst s1  }
0xa: {  	[smem:$0x3FAA] =	sst s2  }
0xb: {  	[smem:$0x3FAB] =	sst s3  }
0xc: {  	[smem:$0x3FAC] =	sst s4  }
0xd: {  	[smem:$0x3FAD] =	sst s5  }
0xe: {  	[smem:$0x3FAE] =	sst s6  }
0xf: {  	[smem:$0x3FAF] =	sst s7  }
0x10: {  	[smem:$0x3FB0] =	sst s8  }
0x11: {  	[smem:$0x3FB1] =	sst s9;
	s0 =	simm.s32 @!p0 $0x0  }
0x12: {  	s1 =	sld [smem:$0x3F97];
	s0 =	simm.s32 @p0 $0x1  }
0x13: {  	[smem:$0x3FB2] =	sst s0;
	s0 =	simm.s32 @!p1 $0x0  }
0x14: {  	s2 =	sld [smem:$0x3F96];
	s0 =	simm.s32 @p1 $0x1  }
0x15: {  	[smem:$0x3FB3] =	sst s0;
	s0 =	simm.s32 @!p2 $0x0  }
0x16: {  	s3 =	sld [smem:$0x3FDB];
	s0 =	simm.s32 @p2 $0x1  }
0x17: {  	s4 =	simm.s32 $0x1BF5;
	[smem:$0x3FB5] =	sst s0  }
0x18: {  	s0 =	sld [smem:$0x3F98];
	_ =	swait.ge [sflag:s4], $0x0  }
0x19: {  	s7 =	sld [smem:$0x3F99]  }
0x1a: {  	s8 =	sadd.s32 $0xFFFFE003, lr  }
0x1b: {  	s9 =	sadd.s32 $0xFFFFFEF7, lr;
	s5 =	simm.s32 $0xFFFFFFFF;
	p2 =	slt.u32 s8, $0xFFFFF086  }
0x1c: {  	p1 =	slt.u32 s9, $0xF7A;
	s5 =	simm.s32 @!p2 $0x0  }
0x1d: {  	s5 =	simm.s32 @p1 $0x1;
	p0 =	seq.s32 s7, s2  }
0x1e: {  	s7 =	smul.u32 @!p0 $0xF7A, s2;
	p2 =	seq.s32 @!p0 s5, $0x0  }
0x1f: {  	s9 =	smul.u32 $0xF7A, s1;
	s8 =	simm.s32 @!p0 $0x1BF5;
	p2 =	por !p2, p0  }
0x20: {  	[sflag:s8] =	ssyncset.s32 @!p0 $0xFFFFF086;
	s6 =	sadd.s32 @!p0 s3, s7;
	s7 =	simm.s32 @!p0 $0x108  }
0x21: {  	s3 =	sadd.s32 s3, s9;
	s6 =	sadd.s32 @!p0 $0x88, s6;
	s7 =	simm.s32 @p2 $0x1082  }
0x22: {  	[simem:s7], [sflag:s8] =	dma.local @!p0 [hbm:s6], $0xF7A  }
0x23: {  	s9 =	sor.u32 $0xD0000000, s2;
	s6 =	simm.s32 $0x108;
	_ =	swait.ge @!p0 [sflag:s8], $0x0  }
0x24: {  	s3 =	sadd.s32 $0x88, s3;
	s6 =	simm.s32 @!p1 $0x1082;
	[sflag:s4] =	ssyncset.s32 $0xFFFFF086  }
0x25: {  	[simem:s6], [sflag:s4] =	dma.local [hbm:s3], $0xF7A  }
0x26: {  	[smem:$0x3F99] =	sst s1;
	(tag) =	ssettag s2;
	_ =	strace s9  }
0x27: {  	s1 =	sld [smem:$0x3FA9]  }
0x28: {  	s2 =	sld [smem:$0x3FAA]  }
0x29: {  	s4 =	sld [smem:$0x3FAC]  }
0x2a: {  	p0 =	seq.s32 s5, $0x0;
	s5 =	sld [smem:$0x3FAD]  }
0x2b: {  	s6 =	sld [smem:$0x3FAE]  }
0x2c: {  	s7 =	sld [smem:$0x3FAF]  }
0x2d: {  	s3 =	simm.s32 $0x108;
	s8 =	sld [smem:$0x3FB0]  }
0x2e: {  	s3 =	simm.s32 @!p0 $0x1082;
	s9 =	sld [smem:$0x3FB1]  }
0x2f: {  	lr =	sadd.s32 s0, s3;
	s0 =	sld [smem:$0x3FA8]  }
0x30: {  	s3 =	sld [smem:$0x3FAB]  }
0x31: {  	[smem:$0x3FB4] =	sst s10  }
0x32: {  	s10 =	sld [smem:$0x3FB2];
	_ =	sdelay $0x3  }
0x33: {  	p0 =	seq.s32 s10, $0x1;
	s10 =	sld [smem:$0x3FB4];
	_ =	sdelay $0x3  }
0x34: {  	[smem:$0x3FB4] =	sst s10  }
0x35: {  	s10 =	sld [smem:$0x3FB3];
	_ =	sdelay $0x3  }
0x36: {  	p1 =	seq.s32 s10, $0x1;
	s10 =	sld [smem:$0x3FB4];
	_ =	sdelay $0x3  }
0x37: {  	[smem:$0x3FB4] =	sst s10  }
0x38: {  	s10 =	sld [smem:$0x3FB5]  }
0x39: {  	_ = 	snop;
	(pc) =	sbr.ind lr, $3  }
0x3a: {  	_ = 	snop  }
0x3b: {  	_ = 	snop  }
0x3c: {  	p2 =	seq.s32 s10, $0x1;
	s10 =	sld [smem:$0x3FB4]  }
0x3d: {  	_ =	shalt  }
0x3e: {  	_ =	shalt  }
0x3f: {  	_ =	shalt  }
0x40: {  	_ =	shalt  }
0x41: {  	_ =	shalt  }
0x42: {  	_ =	shalt  }
0x43: {  	_ =	shalt  }
0x44: {  	_ =	shalt  }
0x45: {  	_ =	shalt  }
0x46: {  	_ =	shalt  }
0x47: {  	_ =	shalt  }
0x48: {  	_ =	shalt  }
0x49: {  	_ =	shalt  }
0x4a: {  	_ =	shalt  }
0x4b: {  	_ =	shalt  }
0x4c: {  	_ =	shalt  }
0x4d: {  	_ =	shalt  }
0x4e: {  	_ =	shalt  }
0x4f: {  	_ =	shalt  }
0x50: {  	_ =	shalt  }
0x51: {  	_ =	shalt  }
0x52: {  	_ =	shalt  }
0x53: {  	_ =	shalt  }
0x54: {  	_ =	shalt  }
0x55: {  	_ =	shalt  }
0x56: {  	_ =	shalt  }
0x57: {  	_ =	shalt  }
0x58: {  	_ =	shalt  }
0x59: {  	_ =	shalt  }
0x5a: {  	_ =	shalt  }
0x5b: {  	_ =	shalt  }
0x5c: {  	_ =	shalt  }
0x5d: {  	_ =	shalt  }
0x5e: {  	_ =	shalt  }
0x5f: {  	_ =	shalt  }
0x60: {  	_ =	shalt  }
0x61: {  	_ =	shalt  }
0x62: {  	_ =	shalt  }
0x63: {  	_ =	shalt  }
0x64: {  	_ =	shalt  }
0x65: {  	_ =	shalt  }
0x66: {  	_ =	shalt  }
0x67: {  	_ =	shalt  }
0x68: {  	_ =	shalt  }
0x69: {  	_ =	shalt  }
0x6a: {  	_ =	shalt  }
0x6b: {  	_ =	shalt  }
0x6c: {  	_ =	shalt  }
0x6d: {  	_ =	shalt  }
0x6e: {  	_ =	shalt  }
0x6f: {  	_ =	shalt  }
0x70: {  	_ =	shalt  }
0x71: {  	_ =	shalt  }
0x72: {  	_ =	shalt  }
0x73: {  	_ =	shalt  }
0x74: {  	_ =	shalt  }
0x75: {  	_ =	shalt  }
0x76: {  	_ =	shalt  }
0x77: {  	_ =	shalt  }
0x78: {  	_ =	shalt  }
0x79: {  	_ =	shalt  }
0x7a: {  	_ =	shalt  }
0x7b: {  	_ =	shalt  }
0x7c: {  	_ =	shalt  }
0x7d: {  	_ =	shalt  }
0x7e: {  	_ =	shalt  }
0x7f: {  	_ =	shalt  }
0x80: {  	_ =	shalt  }
0x81: {  	_ =	shalt  }
0x82: {  	_ =	shalt  }
0x83: {  	_ =	shalt  }
0x84: {  	_ =	shalt  }
0x85: {  	_ =	shalt  }
0x86: {  	_ =	shalt  }
0x87: {  	_ =	shalt  }
.Lfunc_end0:
.L_simem_size_0:
called_computation.2_lowered:
.L_overlay_start_0:
0x88: {  	s2 =	sld [smem:$0x3FD9]  }
0x89: {  	s3 =	sld [smem:$0x3FFE];
	_ =	sdelay $0x1  }
0x8a: {  	s1 =	srdreg.scid  }
0x8b: {  	s0 =	sand.u32 $0x1, s1  }
0x8c: {  	s17 =	sshll.u32 s0, $0xA;
	s2 =	sadd.s32 s3, s2  }
0x8d: {  	s2 =	sadd.s32 s2, s17  }
0x8e: {  	[smem:$0x3FC0] =	sst s2  }
0x8f: {  	_ = 	snop  }
0x90: {  	s18 =	sld [smem:$0x3FD0];
	(tm) =	ssettm $0x1  }
0x91: {  	s19 =	sld [smem:$0x3FFB];
	_ =	sdelay $0x3  }
0x92: {  	_ =	strace s19  }
0x93: {  	s2 =	sld [smem:$0x3FFC];
	_ =	sdelay $0x3  }
0x94: {  	_ =	strace s2  }
0x95: {  	s2 =	sld [smem:$0x3FFD];
	_ =	sdelay $0x3  }
0x96: {  	_ =	strace s2  }
0x97: {  	_ =	strace $0x8FFFFFFF  }
0x98: {  	s20 =	sld [smem:$0x3FDB];
	_ =	sdelay $0x1  }
0x99: {  	s4 =	simm.s32 $_scs_section_size  }
0x9a: {  	s5 =	simm.s32 $_size__tile_overlayer_lowered;
	s6 =	simm.s32 $_tile_overlayer_lowered  }
0x9b: {  	s7 =	simm.s32 $0x1BFF;
	s21 =	sshll.u32 s6, $0x1;
	s4 =	sadd.s32 s4, s20  }
0x9c: {  	s22 =	simm.s32 $0x0;
	s5 =	sshll.u32 s5, $0x1;
	s6 =	sadd.s32 s21, s4  }
0x9d: {  	[timem:s22], [sflag:s7] =	dma.local [hbm:s6], s5  }
0x9e: {  	_ =	swait.ge [sflag:s7], s5  }
0x9f: {  	s5 =	ssub.s32 $0x0, s5;
	[sflag:s7] =	ssyncset.done $0x0  }
0xa0: {  	[sflag:s7] =	ssyncadd.s32 s5;
	_ =	sdelay $0x1  }
0xa1: {  	s23 =	simm.s32 $0x1B8B  }
0xa2: {  	_ =	swait.ge [sflag:s23], $0x1  }
0xa3: {  	[sflag:s23] =	ssyncset.done $0x0  }
0xa4: {  	[sflag:s23] =	ssyncadd.s32 $0xFFFFFFFF  }
0xa5: {  	s5 =	sld [smem:$0x0]  }
0xa6: {  	s6 =	sand.u32 $0xFFFFFFFE, s1  }
0xa7: {  	p0 =	sne.s32 s1, s6  }
0xa8: {  	s6 =	sshll.u32 @p0 s6, $0xE  }
0xa9: {  	s6 =	sadd.s32 @p0 $0x11B8D, s6;
	s7 =	sshll.u32 @p0 s5, $0x11  }
0xaa: {  	s6 =	sor.u32 @p0 s7, s6  }
0xab: {  	[sflag:s6] =	ssyncadd.remote.s32 @p0 $0x1;
	_ =	sdelay $0x1  }
0xac: {  	s6 =	simm.s32 @p0 $0x1B8D  }
0xad: {  	_ =	swait.eq @p0 [sflag:s6], $0x1  }
0xae: {  	[sflag:s6] =	ssyncadd.s32 @p0 $0xFFFFFFFF  }
0xaf: {  	s7 =	sshll.u32 @!p0 s1, $0xE  }
0xb0: {  	s7 =	sor.u32 @!p0 $0x4000, s7;
	s6 =	simm.s32 @!p0 $0x1B8D  }
0xb1: {  	s5 =	sshll.u32 @!p0 s5, $0x11;
	s7 =	sadd.s32 @!p0 $0x11B8D, s7;
	_ =	swait.eq @!p0 [sflag:s6], $0x1  }
0xb2: {  	s5 =	sor.u32 @!p0 s5, s7;
	[sflag:s6] =	ssyncadd.s32 @!p0 $0xFFFFFFFF  }
0xb3: {  	s25 =	simm.s32 $0x1B8E;
	s24 =	sld [smem:$0x3FFE];
	[sflag:s5] =	ssyncadd.remote.s32 @!p0 $0x1  }
0xb4: {  	s26 =	simm.s32 $execute0_lowered;
	[smem:$0x3FD2] =	sst s25  }
0xb5: {  	s6 =	sshll.u32 s26, $0x1;
	_ =	strace $0x8000004F;
	[dreg:$0x1] =	wrdreg $0xFFFFFFFF  }
0xb6: {  	s28 =	simm.s32 $_size_execute0_lowered;
	s4 =	sadd.s32 s4, s6;
	[dreg:$0x0] =	wrdreg $0x0  }
0xb7: {  	s6 =	sshll.u32 s28, $0x1;
	[dreg:$0x2] =	wrdreg s4  }
0xb8: {  	[dreg:$0x3] =	wrdreg s6  }
0xb9: {  	[dreg:$0x4] =	wrdreg $0xC0  }
0xba: {  	_ =	task [dreg:s22], $0x5FFFF  }
0xbb: {  	[dreg:$0x1] =	wrdreg $0xFFFFFFFF  }
0xbc: {  	[dreg:$0x0] =	wrdreg $0x60  }
0xbd: {  	[dreg:$0x2] =	wrdreg s24  }
0xbe: {  	[dreg:$0x3] =	wrdreg s18  }
0xbf: {  	[dreg:$0x4] =	wrdreg $0x68000  }
0xc0: {  	[dreg:$0x5] =	wrdreg $0x9  }
0xc1: {  	_ =	task.clear_ibuf [dreg:s22], $0x6FFFF;
	_ =	strace $0x9000004F  }
0xc2: {  	s29 =	simm.s32 $0x9;
	_ =	strace $0x80000051  }
0xc3: {  	_ =	swait.ge [sflag:s29], $0x1  }
0xc4: {  	[sflag:s29] =	ssyncadd.s32 $0xFFFFFFFF  }
0xc5: {  	_ =	strace $0x90000051  }
0xc6: {  	_ =	sfence  }
0xc7: {  	s30 =	sld [smem:$0x0];
	_ =	sdelay $0x2  }
0xc8: {  	s31 =	sshll.u32 s1, $0xD;
	s1 =	sshrl.u32 s1, $0x2  }
0xc9: {  	s4 =	sand.u32 $0x4000, s31;
	s1 =	sadd.s32 s1, s30  }
0xca: {  	s0 =	sor.u32 s4, s0;
	s1 =	sshll.u32 s1, $0x11  }
0xcb: {  	s0 =	sor.u32 s1, s0  }
0xcc: {  	s0 =	sadd.s32 $0x8F2B, s0  }
0xcd: {  	[sflag:s0] =	ssyncadd.remote.s32 $0x1  }
0xce: {  	_ =	sfence.sel $0xFFFF  }
0xcf: {  	[dreg:$0x0] =	wrdreg $0xFFFFFFFF;
	(pc) =	sbr.abs _section_cstart, $3  }
0xd0: {  	[dreg:$0x1] =	wrdreg $0xFFFFFFFF  }
0xd1: {  	_ =	task.clear_ibuf [dreg:s22], $0x2FFFF;
	_ =	strace $0x9FFFFFFF  }
0xd2: {  	(tm) =	ssettm $0x7FFFFFFF  }
0xd3: {  	_ =	shalt  }
tec
execute0_lowered:
.L_overlay_start_1:
0x0: {  	(tag) =	ssettag $0x1  }
0x1: {  	s0 =	rddreg [dreg:$0x0]  }
0x2: {  	s2 =	rddreg [dreg:$0x1]  }
0x3: {  	s3 =	rddreg [dreg:$0x2]  }
0x4: {  	s14 =	stileid.u32;
	s1 =	srdreg.scid;
	s4 =	simm.s32 $0x0  }
0x5: {  	s28 =	simm.s32 $0x2;
	s29 =	simm.s32 $0x0;
	s7 =	smul.u32 $0x14000, s14  }
0x6: {  	s1 =	sand.u32 $0x1, s1;
	[smem:$0x7FF] =	sst s4;
	s10 =	smul.u32 $0x50000, s14  }
0x7: {  	s5 =	sadd.s32 $0xD2800, s0;
	s6 =	sadd.s32 $0x4400, s0;
	s24 =	smul.u32 $0x2710, s14  }
0x8: {  	s22 =	sshll.u32 s14, $0x6;
	s8 =	smul.u32 $0x140000, s1;
	_ =	strace $0x80000050  }
0x9: {  	s19 =	sshll.u32 s1, $0x4;
	s20 =	ssub.s32 $0x2, s1;
	s1 =	smul.u32 $0x27100, s1  }
0xa: {  	s9 =	sshrl.u32 s7, $0x3;
	s11 =	sshrl.u32 s20, $0x1;
	s21 =	sshrl.u32 s10, $0x2  }
0xb: {  	s9 =	sadd.s32 s9, s0;
	s7 =	sadd.s32 s7, s8;
	s8 =	sor.u32 s14, s19  }
0xc: {  	s13 =	ssub.s32 s20, s11;
	s18 =	sadd.s32 s21, s3;
	s1 =	sadd.s32 s24, s1  }
0xd: {  	s19 =	simm.s32 $0x4;
	s20 =	simm.s32 $0x100;
	s21 =	simm.s32 $0x200  }
0xe: {  	s24 =	simm.s32 $0xC8;
	s7 =	sshrl.u32 s7, $0x3;
	s12 =	smul.u32 $0x2710, s8  }
0xf: {  	s25 =	sadd.s32 $0xE200, s9;
	s8 =	sor.u32 $0x1C04, s22;
	s31 =	sadd.s32 $0xC8, s1  }
0x10: {  	s15 =	sadd.s32 $0x190, s1;
	s18 =	sshrl.u32 s18, $0x3;
	s22 =	simm.s32 $0x300  }
0x11: {  	s0 =	sadd.s32 s7, s0;
	[dreg:$0x4] =	wrdreg s25;
	s17 =	sshrl.u32 s31, $0x3  }
0x12: {  	s25 =	simm.s32 $0x400;
	s23 =	sshrl.u32 s12, $0x3;
	s12 =	sadd.s32 $0x2648, s12  }
0x13: {  	s11 =	sadd.s32 $0x149A00, s0;
	s16 =	sadd.s32 s17, s6;
	s17 =	sadd.s32 s17, s2  }
0x14: {  	s26 =	sadd.s32 s2, s23;
	s10 =	sadd.s32 s6, s23;
	s30 =	sshrl.u32 s12, $0x3  }
0x15: {  	s12 =	smax.u32 s13, $0x1;
	s23 =	simm.s32 $0x1;
	[dreg:$0x5] =	wrdreg s26  }
0x16: {  	s13 =	sadd.s32 s2, s30;
	s14 =	sadd.s32 s6, s30;
	s26 =	simm.s32 $0x3  }
.LBB2_1:
0x17: {  	s0 =	rddreg [dreg:$0x4]  }
0x18: {  	[spmem:s18], [sflag:s8] =	dma.local [hbm:s0], $0x2800  }
0x19: {  	_ =	swait.ge [sflag:s19], $0x2800  }
0x1a: {  	[sflag:s19] =	ssyncset.done $0x0  }
0x1b: {  	[sflag:s19] =	ssyncadd.s32 $0xFFFFD800  }
0x1c: {  	[bflag:$0x0] =	sbarrier.arrive $0xFFFF  }
0x1d: {  	s9 =	rddreg [dreg:$0x5]  }
0x1e: {  	[tilespmem:s4], [sflag:$0x1] =	stream.linear.gather [hbm4b:s9+s4], $0xC8, $0x38;
	[tilespmem:$0x1A800] =	vst v63  }
0x1f: {  	_ = 	snop  }
0x20: {  	[tilespmem:s20], [sflag:$0x1] =	stream.linear.gather [hbm4b:s10+s4], $0xC8, $0x38;
	[tilespmem:$0x1A800] =	vst v63  }
0x21: {  	s1 =	sadd.s32 $0x0, s17  }
0x22: {  	[tilespmem:s21], [sflag:$0x2] =	stream.linear.gather [hbm4b:s1+s4], $0xC8, $0x38;
	[tilespmem:$0x1A800] =	vst v63  }
0x23: {  	s7 =	sadd.s32 $0x0, s16  }
0x24: {  	[tilespmem:s22], [sflag:$0x2] =	stream.linear.gather [hbm4b:s7+s4], $0xC8, $0x38;
	[tilespmem:$0x1A800] =	vst v63  }
0x25: {  	_ =	swait.ge [sflag:s23], $0xC8  }
0x26: {  	[sflag:s23] =	ssyncset.done $0x0  }
0x27: {  	[sflag:s23] =	ssyncadd.s32 $0xFFFFFF38  }
0x28: {  	_ =	swait.ge [sflag:s23], $0xC8  }
0x29: {  	[sflag:s23] =	ssyncset.done $0x0  }
0x2a: {  	[sflag:s23] =	ssyncadd.s32 $0xFFFFFF38  }
0x2b: {  	[tilespmem:s25], [sflag:$0x3] =	stream.indirect.gather [hbm4b:s5+s24], $0x80, s4, s24, $0xb8;
	[tilespmem:$0x1A800] =	vst v63  }
0x2c: {  	_ =	swait.ge [sflag:s26], $0x6400  }
0x2d: {  	[sflag:s26] =	ssyncset.done $0x0  }
0x2e: {  	[sflag:s26] =	ssyncadd.s32 $0xFFFF9C00  }
0x2f: {  	[spmem:s3] =	stream.indirect.scatter.add.f32 [tilespmem:s25], [sflag:$0x4], $0x80, s20, s24, $0xb8;
	[tilespmem:$0x1A800] =	vst v63  }
0x30: {  	_ =	swait.ge [sflag:s19], $0x6400  }
0x31: {  	s9 =	sshrl.u32 s15, $0x3;
	[sflag:s19] =	ssyncset.done $0x0  }
0x32: {  	s1 =	sadd.s32 s2, s9;
	[sflag:s19] =	ssyncadd.s32 $0xFFFF9C00  }
0x33: {  	[tilespmem:s4], [sflag:$0x1] =	stream.linear.gather [hbm4b:s1+s4], $0xC8, $0x38;
	[tilespmem:$0x1A800] =	vst v63  }
0x34: {  	s0 =	sadd.s32 s6, s9  }
0x35: {  	[tilespmem:s20], [sflag:$0x1] =	stream.linear.gather [hbm4b:s0+s4], $0xC8, $0x38;
	[tilespmem:$0x1A800] =	vst v63  }
0x36: {  	_ =	swait.ge [sflag:s28], $0xC8  }
0x37: {  	[sflag:s28] =	ssyncset.done $0x0  }
0x38: {  	[sflag:s28] =	ssyncadd.s32 $0xFFFFFF38  }
0x39: {  	_ =	swait.ge [sflag:s28], $0xC8  }
0x3a: {  	[sflag:s28] =	ssyncset.done $0x0  }
0x3b: {  	[sflag:s28] =	ssyncadd.s32 $0xFFFFFF38  }
0x3c: {  	[tilespmem:s25], [sflag:$0x3] =	stream.indirect.gather [hbm4b:s5+s24], $0x80, s21, s24, $0xb8;
	[tilespmem:$0x1A800] =	vst v63  }
0x3d: {  	_ =	swait.ge [sflag:s26], $0x6400  }
0x3e: {  	[sflag:s26] =	ssyncset.done $0x0  }
0x3f: {  	[sflag:s26] =	ssyncadd.s32 $0xFFFF9C00  }
0x40: {  	[spmem:s3] =	stream.indirect.scatter.add.f32 [tilespmem:s25], [sflag:$0x4], $0x80, s22, s24, $0xb8;
	[tilespmem:$0x1A800] =	vst v63  }
0x41: {  	s31 =	simm.s32 $0x32;
	_ =	swait.ge [sflag:s19], $0x6400  }
0x42: {  	s30 =	sadd.s32 $0x190, s15;
	s0 =	simm.s32 $0x64;
	[sflag:s19] =	ssyncset.done $0x0  }
.LBB2_2:
0x43: {  	s7 =	sadd.s32 s31, s17  }
0x44: {  	[sflag:s19] =	ssyncadd.s32 $0xFFFF9C00;
	s9 =	smov.u32 s0;
	s1 =	sadd.s32 $0x32, s0  }
0x45: {  	[tilespmem:s21], [sflag:$0x2] =	stream.linear.gather [hbm4b:s7+s4], $0xC8, $0x38;
	[tilespmem:$0x1A800] =	vst v63  }
0x46: {  	p0 =	sne.s32 s0, $0x47E;
	s0 =	sadd.s32 s31, s16;
	s31 =	smov.u32 s9  }
0x47: {  	[tilespmem:s22], [sflag:$0x2] =	stream.linear.gather [hbm4b:s0+s4], $0xC8, $0x38;
	[tilespmem:$0x1A800] =	vst v63  }
0x48: {  	_ =	swait.ge [sflag:s23], $0xC8  }
0x49: {  	[sflag:s23] =	ssyncset.done $0x0  }
0x4a: {  	[sflag:s23] =	ssyncadd.s32 $0xFFFFFF38  }
0x4b: {  	_ =	swait.ge [sflag:s23], $0xC8  }
0x4c: {  	[sflag:s23] =	ssyncset.done $0x0  }
0x4d: {  	[sflag:s23] =	ssyncadd.s32 $0xFFFFFF38  }
0x4e: {  	[tilespmem:s25], [sflag:$0x3] =	stream.indirect.gather [hbm4b:s5+s24], $0x80, s4, s24, $0xb8;
	[tilespmem:$0x1A800] =	vst v63  }
0x4f: {  	_ =	swait.ge [sflag:s26], $0x6400  }
0x50: {  	[sflag:s26] =	ssyncset.done $0x0  }
0x51: {  	[sflag:s26] =	ssyncadd.s32 $0xFFFF9C00  }
0x52: {  	[spmem:s3] =	stream.indirect.scatter.add.f32 [tilespmem:s25], [sflag:$0x4], $0x80, s20, s24, $0xb8;
	[tilespmem:$0x1A800] =	vst v63  }
0x53: {  	_ =	swait.ge [sflag:s19], $0x6400  }
0x54: {  	s0 =	sshrl.u32 s30, $0x3;
	[sflag:s19] =	ssyncset.done $0x0  }
0x55: {  	s7 =	sadd.s32 s2, s0;
	[sflag:s19] =	ssyncadd.s32 $0xFFFF9C00  }
0x56: {  	[tilespmem:s4], [sflag:$0x1] =	stream.linear.gather [hbm4b:s7+s4], $0xC8, $0x38;
	[tilespmem:$0x1A800] =	vst v63  }
0x57: {  	s0 =	sadd.s32 s6, s0  }
0x58: {  	[tilespmem:s20], [sflag:$0x1] =	stream.linear.gather [hbm4b:s0+s4], $0xC8, $0x38;
	[tilespmem:$0x1A800] =	vst v63  }
0x59: {  	_ =	swait.ge [sflag:s28], $0xC8  }
0x5a: {  	[sflag:s28] =	ssyncset.done $0x0  }
0x5b: {  	[sflag:s28] =	ssyncadd.s32 $0xFFFFFF38  }
0x5c: {  	_ =	swait.ge [sflag:s28], $0xC8  }
0x5d: {  	[sflag:s28] =	ssyncset.done $0x0  }
0x5e: {  	[sflag:s28] =	ssyncadd.s32 $0xFFFFFF38  }
0x5f: {  	[tilespmem:s25], [sflag:$0x3] =	stream.indirect.gather [hbm4b:s5+s24], $0x80, s21, s24, $0xb8;
	[tilespmem:$0x1A800] =	vst v63  }
0x60: {  	_ =	swait.ge [sflag:s26], $0x6400  }
.Ltmp0:
0x61: {  	[sflag:s26] =	ssyncset.done $0x0;
	(pc) =	sbr.rel @p0 .LBB2_2-.Ltmp0, $4  }
0x62: {  	[sflag:s26] =	ssyncadd.s32 $0xFFFF9C00  }
0x63: {  	[spmem:s3] =	stream.indirect.scatter.add.f32 [tilespmem:s25], [sflag:$0x4], $0x80, s22, s24, $0xb8;
	[tilespmem:$0x1A800] =	vst v63  }
0x64: {  	_ =	swait.ge [sflag:s19], $0x6400  }
0x65: {  	s30 =	sadd.s32 $0x190, s30;
	s0 =	smov.u32 s1;
	[sflag:s19] =	ssyncset.done $0x0  }
0x66: {  	s0 =	sadd.s32 s31, s17;
	[sflag:s19] =	ssyncadd.s32 $0xFFFF9C00  }
0x67: {  	[tilespmem:s21], [sflag:$0x2] =	stream.linear.gather [hbm4b:s0+s4], $0xC8, $0x38;
	[tilespmem:$0x1A800] =	vst v63  }
0x68: {  	s9 =	sadd.s32 s31, s16  }
0x69: {  	[tilespmem:s22], [sflag:$0x2] =	stream.linear.gather [hbm4b:s9+s4], $0xC8, $0x38;
	[tilespmem:$0x1A800] =	vst v63  }
0x6a: {  	_ =	swait.ge [sflag:s23], $0xC8  }
0x6b: {  	[sflag:s23] =	ssyncset.done $0x0  }
0x6c: {  	[sflag:s23] =	ssyncadd.s32 $0xFFFFFF38  }
0x6d: {  	_ =	swait.ge [sflag:s23], $0xC8  }
0x6e: {  	[sflag:s23] =	ssyncset.done $0x0  }
0x6f: {  	[sflag:s23] =	ssyncadd.s32 $0xFFFFFF38  }
0x70: {  	[tilespmem:s25], [sflag:$0x3] =	stream.indirect.gather [hbm4b:s5+s24], $0x80, s4, s24, $0xb8;
	[tilespmem:$0x1A800] =	vst v63  }
0x71: {  	_ =	swait.ge [sflag:s26], $0x6400  }
0x72: {  	[sflag:s26] =	ssyncset.done $0x0  }
0x73: {  	[sflag:s26] =	ssyncadd.s32 $0xFFFF9C00  }
0x74: {  	[spmem:s3] =	stream.indirect.scatter.add.f32 [tilespmem:s25], [sflag:$0x4], $0x80, s20, s24, $0xb8;
	[tilespmem:$0x1A800] =	vst v63  }
0x75: {  	_ =	swait.ge [sflag:s19], $0x6400  }
0x76: {  	s31 =	sshrl.u32 s30, $0x3;
	[sflag:s19] =	ssyncset.done $0x0  }
0x77: {  	s1 =	sadd.s32 s2, s31;
	[sflag:s19] =	ssyncadd.s32 $0xFFFF9C00  }
0x78: {  	[tilespmem:s4], [sflag:$0x1] =	stream.linear.gather [hbm4b:s1+s4], $0xC8, $0x38;
	[tilespmem:$0x1A800] =	vst v63  }
0x79: {  	s0 =	sadd.s32 s6, s31  }
0x7a: {  	[tilespmem:s20], [sflag:$0x1] =	stream.linear.gather [hbm4b:s0+s4], $0xC8, $0x38;
	[tilespmem:$0x1A800] =	vst v63  }
0x7b: {  	_ =	swait.ge [sflag:s28], $0xC8  }
0x7c: {  	[sflag:s28] =	ssyncset.done $0x0  }
0x7d: {  	[sflag:s28] =	ssyncadd.s32 $0xFFFFFF38  }
0x7e: {  	_ =	swait.ge [sflag:s28], $0xC8  }
0x7f: {  	[sflag:s28] =	ssyncset.done $0x0  }
0x80: {  	[sflag:s28] =	ssyncadd.s32 $0xFFFFFF38  }
0x81: {  	[tilespmem:s25], [sflag:$0x3] =	stream.indirect.gather [hbm4b:s5+s24], $0x80, s21, s24, $0xb8;
	[tilespmem:$0x1A800] =	vst v63  }
0x82: {  	_ =	swait.ge [sflag:s26], $0x6400  }
0x83: {  	[sflag:s26] =	ssyncset.done $0x0  }
0x84: {  	[sflag:s26] =	ssyncadd.s32 $0xFFFF9C00  }
0x85: {  	[spmem:s3] =	stream.indirect.scatter.add.f32 [tilespmem:s25], [sflag:$0x4], $0x80, s22, s24, $0xb8;
	[tilespmem:$0x1A800] =	vst v63  }
0x86: {  	_ =	swait.ge [sflag:s19], $0x6400  }
0x87: {  	[sflag:s19] =	ssyncset.done $0x0  }
0x88: {  	[sflag:s19] =	ssyncadd.s32 $0xFFFF9C00  }
0x89: {  	[tilespmem:s21], [sflag:$0x2] =	stream.linear.gather [hbm4b:s13+s4], $0xC8, $0x38;
	[tilespmem:$0x1A800] =	vst v63  }
0x8a: {  	_ = 	snop  }
0x8b: {  	[tilespmem:s22], [sflag:$0x2] =	stream.linear.gather [hbm4b:s14+s4], $0xC8, $0x38;
	[tilespmem:$0x1A800] =	vst v63  }
0x8c: {  	_ =	swait.ge [sflag:s23], $0xC8  }
0x8d: {  	[sflag:s23] =	ssyncset.done $0x0  }
0x8e: {  	[sflag:s23] =	ssyncadd.s32 $0xFFFFFF38  }
0x8f: {  	_ =	swait.ge [sflag:s23], $0xC8  }
0x90: {  	[sflag:s23] =	ssyncset.done $0x0  }
0x91: {  	[sflag:s23] =	ssyncadd.s32 $0xFFFFFF38  }
0x92: {  	[tilespmem:s25], [sflag:$0x3] =	stream.indirect.gather [hbm4b:s5+s24], $0x80, s4, s24, $0xb8;
	[tilespmem:$0x1A800] =	vst v63  }
0x93: {  	_ =	swait.ge [sflag:s26], $0x6400  }
0x94: {  	[sflag:s26] =	ssyncset.done $0x0  }
0x95: {  	[sflag:s26] =	ssyncadd.s32 $0xFFFF9C00  }
0x96: {  	[spmem:s3] =	stream.indirect.scatter.add.f32 [tilespmem:s25], [sflag:$0x4], $0x80, s20, s24, $0xb8;
	[tilespmem:$0x1A800] =	vst v63  }
0x97: {  	_ =	swait.ge [sflag:s19], $0x6400  }
0x98: {  	[sflag:s19] =	ssyncset.done $0x0  }
0x99: {  	[sflag:s19] =	ssyncadd.s32 $0xFFFF9C00  }
0x9a: {  	_ =	swait.ge [sflag:s28], $0xC8  }
0x9b: {  	[sflag:s28] =	ssyncset.done $0x0  }
0x9c: {  	[sflag:s28] =	ssyncadd.s32 $0xFFFFFF38  }
0x9d: {  	_ =	swait.ge [sflag:s28], $0xC8  }
0x9e: {  	[sflag:s28] =	ssyncset.done $0x0  }
0x9f: {  	[sflag:s28] =	ssyncadd.s32 $0xFFFFFF38  }
0xa0: {  	[tilespmem:s25], [sflag:$0x3] =	stream.indirect.gather [hbm4b:s5+s24], $0x80, s21, s24, $0xb8;
	[tilespmem:$0x1A800] =	vst v63  }
0xa1: {  	_ =	swait.ge [sflag:s26], $0x6400  }
0xa2: {  	[sflag:s26] =	ssyncset.done $0x0  }
0xa3: {  	[sflag:s26] =	ssyncadd.s32 $0xFFFF9C00  }
0xa4: {  	[spmem:s3] =	stream.indirect.scatter.add.f32 [tilespmem:s25], [sflag:$0x4], $0x80, s22, s24, $0xb8;
	[tilespmem:$0x1A800] =	vst v63  }
0xa5: {  	_ =	swait.ge [sflag:s19], $0x6400  }
0xa6: {  	s29 =	sadd.s32 $0x1, s29;
	[sflag:s19] =	ssyncset.done $0x0  }
0xa7: {  	p0 =	sne.s32 s29, s12;
	[sflag:s19] =	ssyncadd.s32 $0xFFFF9C00  }
.Ltmp1:
0xa8: {  	[bflag:$0x0] =	sbarrier.arrive $0xFFFF;
	(pc) =	sbr.rel @p0 .LBB2_1-.Ltmp1, $4  }
0xa9: {  	[hbm:s11], [sflag:s8] =	dma.local [spmem:s18], $0x2800  }
0xaa: {  	_ =	swait.ge [sflag:s19], $0x2800  }
0xab: {  	[sflag:s19] =	ssyncset.done $0x0  }
0xac: {  	[sflag:s19] =	ssyncadd.s32 $0xFFFFD800  }
0xad: {  	_ =	sfence.sel $0x180000  }
0xae: {  	[bflag:$0x0] =	sbarrier.arrive $0xFFFF  }
0xaf: {  	_ =	strace $0x90000050  }
0xb0: {  	s0 =	stileid.u32;
	[bflag:$0x2] =	sbarrier.arrive $0xFFFF  }
0xb1: {  	p0 =	sne.s32 s0, $0x0;
	s0 =	rddreg [dreg:$0x3]  }
0xb2: {  	s0 =	sadd.s32 @!p0 $0x100000, s0  }
0xb3: {  	[sflag:s0] =	ssyncadd.tile.s32 @!p0 $0x1;
	_ =	shalt  }
.Lfunc_end2:
_tile_overlayer_lowered:
.L_overlay_start_2:
0xb4: {  	(tag) =	ssettag $0x2  }
0xb5: {  	s0 =	rddreg [dreg:$0x0];
	s2 =	stileid.u32  }
0xb6: {  	s1 =	rddreg [dreg:$0x1];
	p0 =	sne.s32 s2, $0x0  }
0xb7: {  	s3 =	rddreg [dreg:$0x2];
	[bflag:$0x3] =	sbarrier.arrive $0xFFFF;
	s2 =	simm.s32 @!p0 $0x1C04  }
0xb8: {  	[timem:s3], [sflag:s2] =	dma.local @!p0 [hbm:s0], s1  }
0xb9: {  	s0 =	simm.s32 @!p0 $0x4  }
0xba: {  	_ =	swait.ge @!p0 [sflag:s0], s1  }
0xbb: {  	s1 =	ssub.s32 @!p0 $0x0, s1;
	[sflag:s0] =	ssyncset.done @!p0 $0x0  }
0xbc: {  	[sflag:s0] =	ssyncadd.s32 @!p0 s1  }
0xbd: {  	[bflag:$0x3] =	sbarrier.arrive $0xFFFF  }
0xbe: {  	_ =	shalt  }

// kernel: kernel.20.cloned.1.call-start
scs
__scs_entry_jumppad:
0x0: {  	(pc) =	sbr.rel $0x88, $3  }
0x1: {  	(tag) =	ssettag $0x0;
	lr =	simm.s32 $0x1  }
0x2: {  	[smem:$0x3F99] =	sst lr;
	_ =	strace $0xD0000000  }
0x3: {  	_ = 	snop  }
0x4: {  	_ = 	snop  }
0x5: {  	_ = 	snop  }
0x6: {  	_ = 	snop  }
0x7: {  	_ = 	snop  }
__scs_overlays_trampoline_lowered:
0x8: {  	[smem:$0x3FA8] =	sst s0  }
0x9: {  	[smem:$0x3FA9] =	sst s1  }
0xa: {  	[smem:$0x3FAA] =	sst s2  }
0xb: {  	[smem:$0x3FAB] =	sst s3  }
0xc: {  	[smem:$0x3FAC] =	sst s4  }
0xd: {  	[smem:$0x3FAD] =	sst s5  }
0xe: {  	[smem:$0x3FAE] =	sst s6  }
0xf: {  	[smem:$0x3FAF] =	sst s7  }
0x10: {  	[smem:$0x3FB0] =	sst s8  }
0x11: {  	[smem:$0x3FB1] =	sst s9;
	s0 =	simm.s32 @!p0 $0x0  }
0x12: {  	s1 =	sld [smem:$0x3F97];
	s0 =	simm.s32 @p0 $0x1  }
0x13: {  	[smem:$0x3FB2] =	sst s0;
	s0 =	simm.s32 @!p1 $0x0  }
0x14: {  	s2 =	sld [smem:$0x3F96];
	s0 =	simm.s32 @p1 $0x1  }
0x15: {  	[smem:$0x3FB3] =	sst s0;
	s0 =	simm.s32 @!p2 $0x0  }
0x16: {  	s3 =	sld [smem:$0x3FDB];
	s0 =	simm.s32 @p2 $0x1  }
0x17: {  	s4 =	simm.s32 $0x1BF5;
	[smem:$0x3FB5] =	sst s0  }
0x18: {  	s0 =	sld [smem:$0x3F98];
	_ =	swait.ge [sflag:s4], $0x0  }
0x19: {  	s7 =	sld [smem:$0x3F99]  }
0x1a: {  	s8 =	sadd.s32 $0xFFFFE003, lr  }
0x1b: {  	s9 =	sadd.s32 $0xFFFFFEF7, lr;
	s5 =	simm.s32 $0xFFFFFFFF;
	p2 =	slt.u32 s8, $0xFFFFF086  }
0x1c: {  	p1 =	slt.u32 s9, $0xF7A;
	s5 =	simm.s32 @!p2 $0x0  }
0x1d: {  	s5 =	simm.s32 @p1 $0x1;
	p0 =	seq.s32 s7, s2  }
0x1e: {  	s7 =	smul.u32 @!p0 $0xF7A, s2;
	p2 =	seq.s32 @!p0 s5, $0x0  }
0x1f: {  	s9 =	smul.u32 $0xF7A, s1;
	s8 =	simm.s32 @!p0 $0x1BF5;
	p2 =	por !p2, p0  }
0x20: {  	[sflag:s8] =	ssyncset.s32 @!p0 $0xFFFFF086;
	s6 =	sadd.s32 @!p0 s3, s7;
	s7 =	simm.s32 @!p0 $0x108  }
0x21: {  	s3 =	sadd.s32 s3, s9;
	s6 =	sadd.s32 @!p0 $0x88, s6;
	s7 =	simm.s32 @p2 $0x1082  }
0x22: {  	[simem:s7], [sflag:s8] =	dma.local @!p0 [hbm:s6], $0xF7A  }
0x23: {  	s9 =	sor.u32 $0xD0000000, s2;
	s6 =	simm.s32 $0x108;
	_ =	swait.ge @!p0 [sflag:s8], $0x0  }
0x24: {  	s3 =	sadd.s32 $0x88, s3;
	s6 =	simm.s32 @!p1 $0x1082;
	[sflag:s4] =	ssyncset.s32 $0xFFFFF086  }
0x25: {  	[simem:s6], [sflag:s4] =	dma.local [hbm:s3], $0xF7A  }
0x26: {  	[smem:$0x3F99] =	sst s1;
	(tag) =	ssettag s2;
	_ =	strace s9  }
0x27: {  	s1 =	sld [smem:$0x3FA9]  }
0x28: {  	s2 =	sld [smem:$0x3FAA]  }
0x29: {  	s4 =	sld [smem:$0x3FAC]  }
0x2a: {  	p0 =	seq.s32 s5, $0x0;
	s5 =	sld [smem:$0x3FAD]  }
0x2b: {  	s6 =	sld [smem:$0x3FAE]  }
0x2c: {  	s7 =	sld [smem:$0x3FAF]  }
0x2d: {  	s3 =	simm.s32 $0x108;
	s8 =	sld [smem:$0x3FB0]  }
0x2e: {  	s3 =	simm.s32 @!p0 $0x1082;
	s9 =	sld [smem:$0x3FB1]  }
0x2f: {  	lr =	sadd.s32 s0, s3;
	s0 =	sld [smem:$0x3FA8]  }
0x30: {  	s3 =	sld [smem:$0x3FAB]  }
0x31: {  	[smem:$0x3FB4] =	sst s10  }
0x32: {  	s10 =	sld [smem:$0x3FB2];
	_ =	sdelay $0x3  }
0x33: {  	p0 =	seq.s32 s10, $0x1;
	s10 =	sld [smem:$0x3FB4];
	_ =	sdelay $0x3  }
0x34: {  	[smem:$0x3FB4] =	sst s10  }
0x35: {  	s10 =	sld [smem:$0x3FB3];
	_ =	sdelay $0x3  }
0x36: {  	p1 =	seq.s32 s10, $0x1;
	s10 =	sld [smem:$0x3FB4];
	_ =	sdelay $0x3  }
0x37: {  	[smem:$0x3FB4] =	sst s10  }
0x38: {  	s10 =	sld [smem:$0x3FB5]  }
0x39: {  	_ = 	snop;
	(pc) =	sbr.ind lr, $3  }
0x3a: {  	_ = 	snop  }
0x3b: {  	_ = 	snop  }
0x3c: {  	p2 =	seq.s32 s10, $0x1;
	s10 =	sld [smem:$0x3FB4]  }
0x3d: {  	_ =	shalt  }
0x3e: {  	_ =	shalt  }
0x3f: {  	_ =	shalt  }
0x40: {  	_ =	shalt  }
0x41: {  	_ =	shalt  }
0x42: {  	_ =	shalt  }
0x43: {  	_ =	shalt  }
0x44: {  	_ =	shalt  }
0x45: {  	_ =	shalt  }
0x46: {  	_ =	shalt  }
0x47: {  	_ =	shalt  }
0x48: {  	_ =	shalt  }
0x49: {  	_ =	shalt  }
0x4a: {  	_ =	shalt  }
0x4b: {  	_ =	shalt  }
0x4c: {  	_ =	shalt  }
0x4d: {  	_ =	shalt  }
0x4e: {  	_ =	shalt  }
0x4f: {  	_ =	shalt  }
0x50: {  	_ =	shalt  }
0x51: {  	_ =	shalt  }
0x52: {  	_ =	shalt  }
0x53: {  	_ =	shalt  }
0x54: {  	_ =	shalt  }
0x55: {  	_ =	shalt  }
0x56: {  	_ =	shalt  }
0x57: {  	_ =	shalt  }
0x58: {  	_ =	shalt  }
0x59: {  	_ =	shalt  }
0x5a: {  	_ =	shalt  }
0x5b: {  	_ =	shalt  }
0x5c: {  	_ =	shalt  }
0x5d: {  	_ =	shalt  }
0x5e: {  	_ =	shalt  }
0x5f: {  	_ =	shalt  }
0x60: {  	_ =	shalt  }
0x61: {  	_ =	shalt  }
0x62: {  	_ =	shalt  }
0x63: {  	_ =	shalt  }
0x64: {  	_ =	shalt  }
0x65: {  	_ =	shalt  }
0x66: {  	_ =	shalt  }
0x67: {  	_ =	shalt  }
0x68: {  	_ =	shalt  }
0x69: {  	_ =	shalt  }
0x6a: {  	_ =	shalt  }
0x6b: {  	_ =	shalt  }
0x6c: {  	_ =	shalt  }
0x6d: {  	_ =	shalt  }
0x6e: {  	_ =	shalt  }
0x6f: {  	_ =	shalt  }
0x70: {  	_ =	shalt  }
0x71: {  	_ =	shalt  }
0x72: {  	_ =	shalt  }
0x73: {  	_ =	shalt  }
0x74: {  	_ =	shalt  }
0x75: {  	_ =	shalt  }
0x76: {  	_ =	shalt  }
0x77: {  	_ =	shalt  }
0x78: {  	_ =	shalt  }
0x79: {  	_ =	shalt  }
0x7a: {  	_ =	shalt  }
0x7b: {  	_ =	shalt  }
0x7c: {  	_ =	shalt  }
0x7d: {  	_ =	shalt  }
0x7e: {  	_ =	shalt  }
0x7f: {  	_ =	shalt  }
0x80: {  	_ =	shalt  }
0x81: {  	_ =	shalt  }
0x82: {  	_ =	shalt  }
0x83: {  	_ =	shalt  }
0x84: {  	_ =	shalt  }
0x85: {  	_ =	shalt  }
0x86: {  	_ =	shalt  }
0x87: {  	_ =	shalt  }
.Lfunc_end0:
.L_simem_size_0:
called_computation.3_lowered:
.L_overlay_start_0:
0x88: {  	s2 =	sld [smem:$0x3FD9]  }
0x89: {  	s3 =	sld [smem:$0x3FFE];
	_ =	sdelay $0x1  }
0x8a: {  	s1 =	srdreg.scid  }
0x8b: {  	s0 =	sand.u32 $0x1, s1  }
0x8c: {  	s17 =	sshll.u32 s0, $0xA;
	s2 =	sadd.s32 s3, s2  }
0x8d: {  	s2 =	sadd.s32 s2, s17  }
0x8e: {  	[smem:$0x3FC0] =	sst s2  }
0x8f: {  	_ = 	snop  }
0x90: {  	s2 =	sld [smem:$0x3FD0];
	(tm) =	ssettm $0x1  }
0x91: {  	s18 =	sld [smem:$0x3FFB];
	_ =	sdelay $0x3  }
0x92: {  	_ =	strace s18  }
0x93: {  	s3 =	sld [smem:$0x3FFC];
	_ =	sdelay $0x3  }
0x94: {  	_ =	strace s3  }
0x95: {  	s3 =	sld [smem:$0x3FFD];
	_ =	sdelay $0x3  }
0x96: {  	_ =	strace s3  }
0x97: {  	_ =	strace $0x8FFFFFFF  }
0x98: {  	s19 =	sld [smem:$0x3FDB];
	_ =	sdelay $0x1  }
0x99: {  	s4 =	simm.s32 $_scs_section_size  }
0x9a: {  	s5 =	simm.s32 $_size__tile_overlayer_lowered;
	s6 =	simm.s32 $_tile_overlayer_lowered  }
0x9b: {  	s22 =	simm.s32 $0x1BFF;
	s21 =	sshll.u32 s6, $0x1;
	s3 =	sadd.s32 s4, s19  }
0x9c: {  	s7 =	simm.s32 $0x0;
	s20 =	sshll.u32 s5, $0x1;
	s5 =	sadd.s32 s21, s3  }
0x9d: {  	[timem:s7], [sflag:s22] =	dma.local [hbm:s5], s20  }
0x9e: {  	_ =	swait.ge [sflag:s22], s20  }
0x9f: {  	s4 =	ssub.s32 $0x0, s20;
	[sflag:s22] =	ssyncset.done $0x0  }
0xa0: {  	[sflag:s22] =	ssyncadd.s32 s4;
	_ =	sdelay $0x1  }
0xa1: {  	s23 =	simm.s32 $0x1B8B  }
0xa2: {  	_ =	swait.ge [sflag:s23], $0x1  }
0xa3: {  	[sflag:s23] =	ssyncset.done $0x0  }
0xa4: {  	s25 =	simm.s32 $0x1B8E;
	s24 =	sld [smem:$0x3FFE];
	[sflag:s23] =	ssyncadd.s32 $0xFFFFFFFF  }
0xa5: {  	s26 =	simm.s32 $execute0_lowered;
	[smem:$0x3FD2] =	sst s25  }
0xa6: {  	s5 =	sshll.u32 s26, $0x1;
	_ =	strace $0x8000004C;
	[dreg:$0x1] =	wrdreg $0xFFFFFFFF  }
0xa7: {  	s28 =	simm.s32 $_size_execute0_lowered;
	s3 =	sadd.s32 s3, s5;
	[dreg:$0x0] =	wrdreg $0x0  }
0xa8: {  	s5 =	sshll.u32 s28, $0x1;
	[dreg:$0x2] =	wrdreg s3  }
0xa9: {  	[dreg:$0x3] =	wrdreg s5  }
0xaa: {  	[dreg:$0x4] =	wrdreg $0xC0  }
0xab: {  	_ =	task [dreg:s7], $0x5FFFF  }
0xac: {  	[dreg:$0x1] =	wrdreg $0xFFFFFFFF  }
0xad: {  	[dreg:$0x0] =	wrdreg $0x60  }
0xae: {  	[dreg:$0x2] =	wrdreg s24  }
0xaf: {  	[dreg:$0x3] =	wrdreg s2  }
0xb0: {  	[dreg:$0x4] =	wrdreg $0x68000  }
0xb1: {  	[dreg:$0x5] =	wrdreg $0xA  }
0xb2: {  	_ =	task.clear_ibuf [dreg:s7], $0x6FFFF;
	_ =	strace $0x9000004C  }
0xb3: {  	s29 =	simm.s32 $0xA;
	_ =	strace $0x8000004E  }
0xb4: {  	_ =	swait.ge [sflag:s29], $0x1  }
0xb5: {  	[sflag:s29] =	ssyncadd.s32 $0xFFFFFFFF  }
0xb6: {  	_ =	strace $0x9000004E  }
0xb7: {  	_ =	sfence  }
0xb8: {  	s30 =	sld [smem:$0x0];
	_ =	sdelay $0x2  }
0xb9: {  	s31 =	sshll.u32 s1, $0xD;
	s1 =	sshrl.u32 s1, $0x2  }
0xba: {  	s3 =	sand.u32 $0x4000, s31;
	s1 =	sadd.s32 s1, s30  }
0xbb: {  	s0 =	sor.u32 s3, s0;
	s1 =	sshll.u32 s1, $0x11  }
0xbc: {  	s0 =	sor.u32 s1, s0  }
0xbd: {  	s0 =	sadd.s32 $0x8F2B, s0  }
0xbe: {  	[sflag:s0] =	ssyncadd.remote.s32 $0x1  }
0xbf: {  	_ =	sfence.sel $0xFFFF  }
0xc0: {  	[dreg:$0x0] =	wrdreg $0xFFFFFFFF;
	(pc) =	sbr.abs _section_cstart, $3  }
0xc1: {  	[dreg:$0x1] =	wrdreg $0xFFFFFFFF  }
0xc2: {  	_ =	task.clear_ibuf [dreg:s7], $0x2FFFF;
	_ =	strace $0x9FFFFFFF  }
0xc3: {  	(tm) =	ssettm $0x7FFFFFFF  }
tec
execute0_lowered:
.L_overlay_start_1:
0x0: {  	(tag) =	ssettag $0x1  }
0x1: {  	s0 =	rddreg [dreg:$0x0]  }
0x2: {  	s2 =	rddreg [dreg:$0x1]  }
0x3: {  	s3 =	rddreg [dreg:$0x2]  }
0x4: {  	s14 =	stileid.u32;
	s1 =	srdreg.scid;
	s4 =	simm.s32 $0x0  }
0x5: {  	s28 =	simm.s32 $0x2;
	s29 =	simm.s32 $0x0;
	s7 =	smul.u32 $0x14000, s14  }
0x6: {  	s1 =	sand.u32 $0x1, s1;
	[smem:$0x7FF] =	sst s4;
	s10 =	smul.u32 $0x50000, s14  }
0x7: {  	s5 =	sadd.s32 $0x36200, s0;
	s6 =	sadd.s32 $0x4400, s0;
	s24 =	smul.u32 $0x2710, s14  }
0x8: {  	s22 =	sshll.u32 s14, $0x6;
	s8 =	smul.u32 $0x140000, s1;
	_ =	strace $0x8000004D  }
0x9: {  	s19 =	sshll.u32 s1, $0x4;
	s20 =	ssub.s32 $0x2, s1;
	s1 =	smul.u32 $0x27100, s1  }
0xa: {  	s9 =	sshrl.u32 s7, $0x3;
	s11 =	sshrl.u32 s20, $0x1;
	s21 =	sshrl.u32 s10, $0x2  }
0xb: {  	s9 =	sadd.s32 s9, s0;
	s7 =	sadd.s32 s7, s8;
	s8 =	sor.u32 s14, s19  }
0xc: {  	s13 =	ssub.s32 s20, s11;
	s18 =	sadd.s32 s21, s3;
	s1 =	sadd.s32 s24, s1  }
0xd: {  	s19 =	simm.s32 $0x4;
	s20 =	simm.s32 $0x100;
	s21 =	simm.s32 $0x200  }
0xe: {  	s24 =	simm.s32 $0xC8;
	s7 =	sshrl.u32 s7, $0x3;
	s12 =	smul.u32 $0x2710, s8  }
0xf: {  	s25 =	sadd.s32 $0xE200, s9;
	s8 =	sor.u32 $0x1C04, s22;
	s31 =	sadd.s32 $0xC8, s1  }
0x10: {  	s15 =	sadd.s32 $0x190, s1;
	s18 =	sshrl.u32 s18, $0x3;
	s22 =	simm.s32 $0x300  }
0x11: {  	s0 =	sadd.s32 s7, s0;
	[dreg:$0x4] =	wrdreg s25;
	s17 =	sshrl.u32 s31, $0x3  }
0x12: {  	s25 =	simm.s32 $0x400;
	s23 =	sshrl.u32 s12, $0x3;
	s12 =	sadd.s32 $0x2648, s12  }
0x13: {  	s11 =	sadd.s32 $0xF9A00, s0;
	s16 =	sadd.s32 s17, s6;
	s17 =	sadd.s32 s17, s2  }
0x14: {  	s26 =	sadd.s32 s2, s23;
	s10 =	sadd.s32 s6, s23;
	s30 =	sshrl.u32 s12, $0x3  }
0x15: {  	s12 =	smax.u32 s13, $0x1;
	s23 =	simm.s32 $0x1;
	[dreg:$0x5] =	wrdreg s26  }
0x16: {  	s13 =	sadd.s32 s2, s30;
	s14 =	sadd.s32 s6, s30;
	s26 =	simm.s32 $0x3  }
.LBB2_1:
0x17: {  	s0 =	rddreg [dreg:$0x4]  }
0x18: {  	[spmem:s18], [sflag:s8] =	dma.local [hbm:s0], $0x2800  }
0x19: {  	_ =	swait.ge [sflag:s19], $0x2800  }
0x1a: {  	[sflag:s19] =	ssyncset.done $0x0  }
0x1b: {  	[sflag:s19] =	ssyncadd.s32 $0xFFFFD800  }
0x1c: {  	[bflag:$0x0] =	sbarrier.arrive $0xFFFF  }
0x1d: {  	s9 =	rddreg [dreg:$0x5]  }
0x1e: {  	[tilespmem:s4], [sflag:$0x1] =	stream.linear.gather [hbm4b:s9+s4], $0xC8, $0x38;
	[tilespmem:$0x1A800] =	vst v63  }
0x1f: {  	_ = 	snop  }
0x20: {  	[tilespmem:s20], [sflag:$0x1] =	stream.linear.gather [hbm4b:s10+s4], $0xC8, $0x38;
	[tilespmem:$0x1A800] =	vst v63  }
0x21: {  	s1 =	sadd.s32 $0x0, s17  }
0x22: {  	[tilespmem:s21], [sflag:$0x2] =	stream.linear.gather [hbm4b:s1+s4], $0xC8, $0x38;
	[tilespmem:$0x1A800] =	vst v63  }
0x23: {  	s7 =	sadd.s32 $0x0, s16  }
0x24: {  	[tilespmem:s22], [sflag:$0x2] =	stream.linear.gather [hbm4b:s7+s4], $0xC8, $0x38;
	[tilespmem:$0x1A800] =	vst v63  }
0x25: {  	_ =	swait.ge [sflag:s23], $0xC8  }
0x26: {  	[sflag:s23] =	ssyncset.done $0x0  }
0x27: {  	[sflag:s23] =	ssyncadd.s32 $0xFFFFFF38  }
0x28: {  	_ =	swait.ge [sflag:s23], $0xC8  }
0x29: {  	[sflag:s23] =	ssyncset.done $0x0  }
0x2a: {  	[sflag:s23] =	ssyncadd.s32 $0xFFFFFF38  }
0x2b: {  	[tilespmem:s25], [sflag:$0x3] =	stream.indirect.gather [hbm4b:s5+s24], $0x80, s4, s24, $0xb8;
	[tilespmem:$0x1A800] =	vst v63  }
0x2c: {  	_ =	swait.ge [sflag:s26], $0x6400  }
0x2d: {  	[sflag:s26] =	ssyncset.done $0x0  }
0x2e: {  	[sflag:s26] =	ssyncadd.s32 $0xFFFF9C00  }
0x2f: {  	[spmem:s3] =	stream.indirect.scatter.add.f32 [tilespmem:s25], [sflag:$0x4], $0x80, s20, s24, $0xb8;
	[tilespmem:$0x1A800] =	vst v63  }
0x30: {  	_ =	swait.ge [sflag:s19], $0x6400  }
0x31: {  	s9 =	sshrl.u32 s15, $0x3;
	[sflag:s19] =	ssyncset.done $0x0  }
0x32: {  	s1 =	sadd.s32 s2, s9;
	[sflag:s19] =	ssyncadd.s32 $0xFFFF9C00  }
0x33: {  	[tilespmem:s4], [sflag:$0x1] =	stream.linear.gather [hbm4b:s1+s4], $0xC8, $0x38;
	[tilespmem:$0x1A800] =	vst v63  }
0x34: {  	s0 =	sadd.s32 s6, s9  }
0x35: {  	[tilespmem:s20], [sflag:$0x1] =	stream.linear.gather [hbm4b:s0+s4], $0xC8, $0x38;
	[tilespmem:$0x1A800] =	vst v63  }
0x36: {  	_ =	swait.ge [sflag:s28], $0xC8  }
0x37: {  	[sflag:s28] =	ssyncset.done $0x0  }
0x38: {  	[sflag:s28] =	ssyncadd.s32 $0xFFFFFF38  }
0x39: {  	_ =	swait.ge [sflag:s28], $0xC8  }
0x3a: {  	[sflag:s28] =	ssyncset.done $0x0  }
0x3b: {  	[sflag:s28] =	ssyncadd.s32 $0xFFFFFF38  }
0x3c: {  	[tilespmem:s25], [sflag:$0x3] =	stream.indirect.gather [hbm4b:s5+s24], $0x80, s21, s24, $0xb8;
	[tilespmem:$0x1A800] =	vst v63  }
0x3d: {  	_ =	swait.ge [sflag:s26], $0x6400  }
0x3e: {  	[sflag:s26] =	ssyncset.done $0x0  }
0x3f: {  	[sflag:s26] =	ssyncadd.s32 $0xFFFF9C00  }
0x40: {  	[spmem:s3] =	stream.indirect.scatter.add.f32 [tilespmem:s25], [sflag:$0x4], $0x80, s22, s24, $0xb8;
	[tilespmem:$0x1A800] =	vst v63  }
0x41: {  	s31 =	simm.s32 $0x32;
	_ =	swait.ge [sflag:s19], $0x6400  }
0x42: {  	s30 =	sadd.s32 $0x190, s15;
	s0 =	simm.s32 $0x64;
	[sflag:s19] =	ssyncset.done $0x0  }
.LBB2_2:
0x43: {  	s7 =	sadd.s32 s31, s17  }
0x44: {  	[sflag:s19] =	ssyncadd.s32 $0xFFFF9C00;
	s9 =	smov.u32 s0;
	s1 =	sadd.s32 $0x32, s0  }
0x45: {  	[tilespmem:s21], [sflag:$0x2] =	stream.linear.gather [hbm4b:s7+s4], $0xC8, $0x38;
	[tilespmem:$0x1A800] =	vst v63  }
0x46: {  	p0 =	sne.s32 s0, $0x47E;
	s0 =	sadd.s32 s31, s16;
	s31 =	smov.u32 s9  }
0x47: {  	[tilespmem:s22], [sflag:$0x2] =	stream.linear.gather [hbm4b:s0+s4], $0xC8, $0x38;
	[tilespmem:$0x1A800] =	vst v63  }
0x48: {  	_ =	swait.ge [sflag:s23], $0xC8  }
0x49: {  	[sflag:s23] =	ssyncset.done $0x0  }
0x4a: {  	[sflag:s23] =	ssyncadd.s32 $0xFFFFFF38  }
0x4b: {  	_ =	swait.ge [sflag:s23], $0xC8  }
0x4c: {  	[sflag:s23] =	ssyncset.done $0x0  }
0x4d: {  	[sflag:s23] =	ssyncadd.s32 $0xFFFFFF38  }
0x4e: {  	[tilespmem:s25], [sflag:$0x3] =	stream.indirect.gather [hbm4b:s5+s24], $0x80, s4, s24, $0xb8;
	[tilespmem:$0x1A800] =	vst v63  }
0x4f: {  	_ =	swait.ge [sflag:s26], $0x6400  }
0x50: {  	[sflag:s26] =	ssyncset.done $0x0  }
0x51: {  	[sflag:s26] =	ssyncadd.s32 $0xFFFF9C00  }
0x52: {  	[spmem:s3] =	stream.indirect.scatter.add.f32 [tilespmem:s25], [sflag:$0x4], $0x80, s20, s24, $0xb8;
	[tilespmem:$0x1A800] =	vst v63  }
0x53: {  	_ =	swait.ge [sflag:s19], $0x6400  }
0x54: {  	s0 =	sshrl.u32 s30, $0x3;
	[sflag:s19] =	ssyncset.done $0x0  }
0x55: {  	s7 =	sadd.s32 s2, s0;
	[sflag:s19] =	ssyncadd.s32 $0xFFFF9C00  }
0x56: {  	[tilespmem:s4], [sflag:$0x1] =	stream.linear.gather [hbm4b:s7+s4], $0xC8, $0x38;
	[tilespmem:$0x1A800] =	vst v63  }
0x57: {  	s0 =	sadd.s32 s6, s0  }
0x58: {  	[tilespmem:s20], [sflag:$0x1] =	stream.linear.gather [hbm4b:s0+s4], $0xC8, $0x38;
	[tilespmem:$0x1A800] =	vst v63  }
0x59: {  	_ =	swait.ge [sflag:s28], $0xC8  }
0x5a: {  	[sflag:s28] =	ssyncset.done $0x0  }
0x5b: {  	[sflag:s28] =	ssyncadd.s32 $0xFFFFFF38  }
0x5c: {  	_ =	swait.ge [sflag:s28], $0xC8  }
0x5d: {  	[sflag:s28] =	ssyncset.done $0x0  }
0x5e: {  	[sflag:s28] =	ssyncadd.s32 $0xFFFFFF38  }
0x5f: {  	[tilespmem:s25], [sflag:$0x3] =	stream.indirect.gather [hbm4b:s5+s24], $0x80, s21, s24, $0xb8;
	[tilespmem:$0x1A800] =	vst v63  }
0x60: {  	_ =	swait.ge [sflag:s26], $0x6400  }
.Ltmp0:
0x61: {  	[sflag:s26] =	ssyncset.done $0x0;
	(pc) =	sbr.rel @p0 .LBB2_2-.Ltmp0, $4  }
0x62: {  	[sflag:s26] =	ssyncadd.s32 $0xFFFF9C00  }
0x63: {  	[spmem:s3] =	stream.indirect.scatter.add.f32 [tilespmem:s25], [sflag:$0x4], $0x80, s22, s24, $0xb8;
	[tilespmem:$0x1A800] =	vst v63  }
0x64: {  	_ =	swait.ge [sflag:s19], $0x6400  }
0x65: {  	s30 =	sadd.s32 $0x190, s30;
	s0 =	smov.u32 s1;
	[sflag:s19] =	ssyncset.done $0x0  }
0x66: {  	s0 =	sadd.s32 s31, s17;
	[sflag:s19] =	ssyncadd.s32 $0xFFFF9C00  }
0x67: {  	[tilespmem:s21], [sflag:$0x2] =	stream.linear.gather [hbm4b:s0+s4], $0xC8, $0x38;
	[tilespmem:$0x1A800] =	vst v63  }
0x68: {  	s9 =	sadd.s32 s31, s16  }
0x69: {  	[tilespmem:s22], [sflag:$0x2] =	stream.linear.gather [hbm4b:s9+s4], $0xC8, $0x38;
	[tilespmem:$0x1A800] =	vst v63  }
0x6a: {  	_ =	swait.ge [sflag:s23], $0xC8  }
0x6b: {  	[sflag:s23] =	ssyncset.done $0x0  }
0x6c: {  	[sflag:s23] =	ssyncadd.s32 $0xFFFFFF38  }
0x6d: {  	_ =	swait.ge [sflag:s23], $0xC8  }
0x6e: {  	[sflag:s23] =	ssyncset.done $0x0  }
0x6f: {  	[sflag:s23] =	ssyncadd.s32 $0xFFFFFF38  }
0x70: {  	[tilespmem:s25], [sflag:$0x3] =	stream.indirect.gather [hbm4b:s5+s24], $0x80, s4, s24, $0xb8;
	[tilespmem:$0x1A800] =	vst v63  }
0x71: {  	_ =	swait.ge [sflag:s26], $0x6400  }
0x72: {  	[sflag:s26] =	ssyncset.done $0x0  }
0x73: {  	[sflag:s26] =	ssyncadd.s32 $0xFFFF9C00  }
0x74: {  	[spmem:s3] =	stream.indirect.scatter.add.f32 [tilespmem:s25], [sflag:$0x4], $0x80, s20, s24, $0xb8;
	[tilespmem:$0x1A800] =	vst v63  }
0x75: {  	_ =	swait.ge [sflag:s19], $0x6400  }
0x76: {  	s31 =	sshrl.u32 s30, $0x3;
	[sflag:s19] =	ssyncset.done $0x0  }
0x77: {  	s1 =	sadd.s32 s2, s31;
	[sflag:s19] =	ssyncadd.s32 $0xFFFF9C00  }
0x78: {  	[tilespmem:s4], [sflag:$0x1] =	stream.linear.gather [hbm4b:s1+s4], $0xC8, $0x38;
	[tilespmem:$0x1A800] =	vst v63  }
0x79: {  	s0 =	sadd.s32 s6, s31  }
0x7a: {  	[tilespmem:s20], [sflag:$0x1] =	stream.linear.gather [hbm4b:s0+s4], $0xC8, $0x38;
	[tilespmem:$0x1A800] =	vst v63  }
0x7b: {  	_ =	swait.ge [sflag:s28], $0xC8  }
0x7c: {  	[sflag:s28] =	ssyncset.done $0x0  }
0x7d: {  	[sflag:s28] =	ssyncadd.s32 $0xFFFFFF38  }
0x7e: {  	_ =	swait.ge [sflag:s28], $0xC8  }
0x7f: {  	[sflag:s28] =	ssyncset.done $0x0  }
0x80: {  	[sflag:s28] =	ssyncadd.s32 $0xFFFFFF38  }
0x81: {  	[tilespmem:s25], [sflag:$0x3] =	stream.indirect.gather [hbm4b:s5+s24], $0x80, s21, s24, $0xb8;
	[tilespmem:$0x1A800] =	vst v63  }
0x82: {  	_ =	swait.ge [sflag:s26], $0x6400  }
0x83: {  	[sflag:s26] =	ssyncset.done $0x0  }
0x84: {  	[sflag:s26] =	ssyncadd.s32 $0xFFFF9C00  }
0x85: {  	[spmem:s3] =	stream.indirect.scatter.add.f32 [tilespmem:s25], [sflag:$0x4], $0x80, s22, s24, $0xb8;
	[tilespmem:$0x1A800] =	vst v63  }
0x86: {  	_ =	swait.ge [sflag:s19], $0x6400  }
0x87: {  	[sflag:s19] =	ssyncset.done $0x0  }
0x88: {  	[sflag:s19] =	ssyncadd.s32 $0xFFFF9C00  }
0x89: {  	[tilespmem:s21], [sflag:$0x2] =	stream.linear.gather [hbm4b:s13+s4], $0xC8, $0x38;
	[tilespmem:$0x1A800] =	vst v63  }
0x8a: {  	_ = 	snop  }
0x8b: {  	[tilespmem:s22], [sflag:$0x2] =	stream.linear.gather [hbm4b:s14+s4], $0xC8, $0x38;
	[tilespmem:$0x1A800] =	vst v63  }
0x8c: {  	_ =	swait.ge [sflag:s23], $0xC8  }
0x8d: {  	[sflag:s23] =	ssyncset.done $0x0  }
0x8e: {  	[sflag:s23] =	ssyncadd.s32 $0xFFFFFF38  }
0x8f: {  	_ =	swait.ge [sflag:s23], $0xC8  }
0x90: {  	[sflag:s23] =	ssyncset.done $0x0  }
0x91: {  	[sflag:s23] =	ssyncadd.s32 $0xFFFFFF38  }
0x92: {  	[tilespmem:s25], [sflag:$0x3] =	stream.indirect.gather [hbm4b:s5+s24], $0x80, s4, s24, $0xb8;
	[tilespmem:$0x1A800] =	vst v63  }
0x93: {  	_ =	swait.ge [sflag:s26], $0x6400  }
0x94: {  	[sflag:s26] =	ssyncset.done $0x0  }
0x95: {  	[sflag:s26] =	ssyncadd.s32 $0xFFFF9C00  }
0x96: {  	[spmem:s3] =	stream.indirect.scatter.add.f32 [tilespmem:s25], [sflag:$0x4], $0x80, s20, s24, $0xb8;
	[tilespmem:$0x1A800] =	vst v63  }
0x97: {  	_ =	swait.ge [sflag:s19], $0x6400  }
0x98: {  	[sflag:s19] =	ssyncset.done $0x0  }
0x99: {  	[sflag:s19] =	ssyncadd.s32 $0xFFFF9C00  }
0x9a: {  	_ =	swait.ge [sflag:s28], $0xC8  }
0x9b: {  	[sflag:s28] =	ssyncset.done $0x0  }
0x9c: {  	[sflag:s28] =	ssyncadd.s32 $0xFFFFFF38  }
0x9d: {  	_ =	swait.ge [sflag:s28], $0xC8  }
0x9e: {  	[sflag:s28] =	ssyncset.done $0x0  }
0x9f: {  	[sflag:s28] =	ssyncadd.s32 $0xFFFFFF38  }
0xa0: {  	[tilespmem:s25], [sflag:$0x3] =	stream.indirect.gather [hbm4b:s5+s24], $0x80, s21, s24, $0xb8;
	[tilespmem:$0x1A800] =	vst v63  }
0xa1: {  	_ =	swait.ge [sflag:s26], $0x6400  }
0xa2: {  	[sflag:s26] =	ssyncset.done $0x0  }
0xa3: {  	[sflag:s26] =	ssyncadd.s32 $0xFFFF9C00  }
0xa4: {  	[spmem:s3] =	stream.indirect.scatter.add.f32 [tilespmem:s25], [sflag:$0x4], $0x80, s22, s24, $0xb8;
	[tilespmem:$0x1A800] =	vst v63  }
0xa5: {  	_ =	swait.ge [sflag:s19], $0x6400  }
0xa6: {  	s29 =	sadd.s32 $0x1, s29;
	[sflag:s19] =	ssyncset.done $0x0  }
0xa7: {  	p0 =	sne.s32 s29, s12;
	[sflag:s19] =	ssyncadd.s32 $0xFFFF9C00  }
.Ltmp1:
0xa8: {  	[bflag:$0x0] =	sbarrier.arrive $0xFFFF;
	(pc) =	sbr.rel @p0 .LBB2_1-.Ltmp1, $4  }
0xa9: {  	[hbm:s11], [sflag:s8] =	dma.local [spmem:s18], $0x2800  }
0xaa: {  	_ =	swait.ge [sflag:s19], $0x2800  }
0xab: {  	[sflag:s19] =	ssyncset.done $0x0  }
0xac: {  	[sflag:s19] =	ssyncadd.s32 $0xFFFFD800  }
0xad: {  	_ =	sfence.sel $0x180000  }
0xae: {  	[bflag:$0x0] =	sbarrier.arrive $0xFFFF  }
0xaf: {  	_ =	strace $0x9000004D  }
0xb0: {  	s0 =	stileid.u32;
	[bflag:$0x2] =	sbarrier.arrive $0xFFFF  }
0xb1: {  	p0 =	sne.s32 s0, $0x0;
	s0 =	rddreg [dreg:$0x3]  }
0xb2: {  	s0 =	sadd.s32 @!p0 $0x100000, s0  }
0xb3: {  	[sflag:s0] =	ssyncadd.tile.s32 @!p0 $0x1;
	_ =	shalt  }
.Lfunc_end2:
_tile_overlayer_lowered:
.L_overlay_start_2:
0xb4: {  	(tag) =	ssettag $0x2  }
0xb5: {  	s0 =	rddreg [dreg:$0x0];
	s2 =	stileid.u32  }
0xb6: {  	s1 =	rddreg [dreg:$0x1];
	p0 =	sne.s32 s2, $0x0  }
0xb7: {  	s3 =	rddreg [dreg:$0x2];
	[bflag:$0x3] =	sbarrier.arrive $0xFFFF;
	s2 =	simm.s32 @!p0 $0x1C04  }
0xb8: {  	[timem:s3], [sflag:s2] =	dma.local @!p0 [hbm:s0], s1  }
0xb9: {  	s0 =	simm.s32 @!p0 $0x4  }
0xba: {  	_ =	swait.ge @!p0 [sflag:s0], s1  }
0xbb: {  	s1 =	ssub.s32 @!p0 $0x0, s1;
	[sflag:s0] =	ssyncset.done @!p0 $0x0  }
0xbc: {  	[sflag:s0] =	ssyncadd.s32 @!p0 s1  }
0xbd: {  	[bflag:$0x3] =	sbarrier.arrive $0xFFFF  }
0xbe: {  	_ =	shalt  }

// kernel: kernel.23.cloned.1.call-start
scs
__scs_entry_jumppad:
0x0: {  	(pc) =	sbr.rel $0x88, $3  }
0x1: {  	(tag) =	ssettag $0x0;
	lr =	simm.s32 $0x1  }
0x2: {  	[smem:$0x3F99] =	sst lr;
	_ =	strace $0xD0000000  }
0x3: {  	_ = 	snop  }
0x4: {  	_ = 	snop  }
0x5: {  	_ = 	snop  }
0x6: {  	_ = 	snop  }
0x7: {  	_ = 	snop  }
__scs_overlays_trampoline_lowered:
0x8: {  	[smem:$0x3FA8] =	sst s0  }
0x9: {  	[smem:$0x3FA9] =	sst s1  }
0xa: {  	[smem:$0x3FAA] =	sst s2  }
0xb: {  	[smem:$0x3FAB] =	sst s3  }
0xc: {  	[smem:$0x3FAC] =	sst s4  }
0xd: {  	[smem:$0x3FAD] =	sst s5  }
0xe: {  	[smem:$0x3FAE] =	sst s6  }
0xf: {  	[smem:$0x3FAF] =	sst s7  }
0x10: {  	[smem:$0x3FB0] =	sst s8  }
0x11: {  	[smem:$0x3FB1] =	sst s9;
	s0 =	simm.s32 @!p0 $0x0  }
0x12: {  	s1 =	sld [smem:$0x3F97];
	s0 =	simm.s32 @p0 $0x1  }
0x13: {  	[smem:$0x3FB2] =	sst s0;
	s0 =	simm.s32 @!p1 $0x0  }
0x14: {  	s2 =	sld [smem:$0x3F96];
	s0 =	simm.s32 @p1 $0x1  }
0x15: {  	[smem:$0x3FB3] =	sst s0;
	s0 =	simm.s32 @!p2 $0x0  }
0x16: {  	s3 =	sld [smem:$0x3FDB];
	s0 =	simm.s32 @p2 $0x1  }
0x17: {  	s4 =	simm.s32 $0x1BF5;
	[smem:$0x3FB5] =	sst s0  }
0x18: {  	s0 =	sld [smem:$0x3F98];
	_ =	swait.ge [sflag:s4], $0x0  }
0x19: {  	s7 =	sld [smem:$0x3F99]  }
0x1a: {  	s8 =	sadd.s32 $0xFFFFE003, lr  }
0x1b: {  	s9 =	sadd.s32 $0xFFFFFEF7, lr;
	s5 =	simm.s32 $0xFFFFFFFF;
	p2 =	slt.u32 s8, $0xFFFFF086  }
0x1c: {  	p1 =	slt.u32 s9, $0xF7A;
	s5 =	simm.s32 @!p2 $0x0  }
0x1d: {  	s5 =	simm.s32 @p1 $0x1;
	p0 =	seq.s32 s7, s2  }
0x1e: {  	s7 =	smul.u32 @!p0 $0xF7A, s2;
	p2 =	seq.s32 @!p0 s5, $0x0  }
0x1f: {  	s9 =	smul.u32 $0xF7A, s1;
	s8 =	simm.s32 @!p0 $0x1BF5;
	p2 =	por !p2, p0  }
0x20: {  	[sflag:s8] =	ssyncset.s32 @!p0 $0xFFFFF086;
	s6 =	sadd.s32 @!p0 s3, s7;
	s7 =	simm.s32 @!p0 $0x108  }
0x21: {  	s3 =	sadd.s32 s3, s9;
	s6 =	sadd.s32 @!p0 $0x88, s6;
	s7 =	simm.s32 @p2 $0x1082  }
0x22: {  	[simem:s7], [sflag:s8] =	dma.local @!p0 [hbm:s6], $0xF7A  }
0x23: {  	s9 =	sor.u32 $0xD0000000, s2;
	s6 =	simm.s32 $0x108;
	_ =	swait.ge @!p0 [sflag:s8], $0x0  }
0x24: {  	s3 =	sadd.s32 $0x88, s3;
	s6 =	simm.s32 @!p1 $0x1082;
	[sflag:s4] =	ssyncset.s32 $0xFFFFF086  }
0x25: {  	[simem:s6], [sflag:s4] =	dma.local [hbm:s3], $0xF7A  }
0x26: {  	[smem:$0x3F99] =	sst s1;
	(tag) =	ssettag s2;
	_ =	strace s9  }
0x27: {  	s1 =	sld [smem:$0x3FA9]  }
0x28: {  	s2 =	sld [smem:$0x3FAA]  }
0x29: {  	s4 =	sld [smem:$0x3FAC]  }
0x2a: {  	p0 =	seq.s32 s5, $0x0;
	s5 =	sld [smem:$0x3FAD]  }
0x2b: {  	s6 =	sld [smem:$0x3FAE]  }
0x2c: {  	s7 =	sld [smem:$0x3FAF]  }
0x2d: {  	s3 =	simm.s32 $0x108;
	s8 =	sld [smem:$0x3FB0]  }
0x2e: {  	s3 =	simm.s32 @!p0 $0x1082;
	s9 =	sld [smem:$0x3FB1]  }
0x2f: {  	lr =	sadd.s32 s0, s3;
	s0 =	sld [smem:$0x3FA8]  }
0x30: {  	s3 =	sld [smem:$0x3FAB]  }
0x31: {  	[smem:$0x3FB4] =	sst s10  }
0x32: {  	s10 =	sld [smem:$0x3FB2];
	_ =	sdelay $0x3  }
0x33: {  	p0 =	seq.s32 s10, $0x1;
	s10 =	sld [smem:$0x3FB4];
	_ =	sdelay $0x3  }
0x34: {  	[smem:$0x3FB4] =	sst s10  }
0x35: {  	s10 =	sld [smem:$0x3FB3];
	_ =	sdelay $0x3  }
0x36: {  	p1 =	seq.s32 s10, $0x1;
	s10 =	sld [smem:$0x3FB4];
	_ =	sdelay $0x3  }
0x37: {  	[smem:$0x3FB4] =	sst s10  }
0x38: {  	s10 =	sld [smem:$0x3FB5]  }
0x39: {  	_ = 	snop;
	(pc) =	sbr.ind lr, $3  }
0x3a: {  	_ = 	snop  }
0x3b: {  	_ = 	snop  }
0x3c: {  	p2 =	seq.s32 s10, $0x1;
	s10 =	sld [smem:$0x3FB4]  }
0x3d: {  	_ =	shalt  }
0x3e: {  	_ =	shalt  }
0x3f: {  	_ =	shalt  }
0x40: {  	_ =	shalt  }
0x41: {  	_ =	shalt  }
0x42: {  	_ =	shalt  }
0x43: {  	_ =	shalt  }
0x44: {  	_ =	shalt  }
0x45: {  	_ =	shalt  }
0x46: {  	_ =	shalt  }
0x47: {  	_ =	shalt  }
0x48: {  	_ =	shalt  }
0x49: {  	_ =	shalt  }
0x4a: {  	_ =	shalt  }
0x4b: {  	_ =	shalt  }
0x4c: {  	_ =	shalt  }
0x4d: {  	_ =	shalt  }
0x4e: {  	_ =	shalt  }
0x4f: {  	_ =	shalt  }
0x50: {  	_ =	shalt  }
0x51: {  	_ =	shalt  }
0x52: {  	_ =	shalt  }
0x53: {  	_ =	shalt  }
0x54: {  	_ =	shalt  }
0x55: {  	_ =	shalt  }
0x56: {  	_ =	shalt  }
0x57: {  	_ =	shalt  }
0x58: {  	_ =	shalt  }
0x59: {  	_ =	shalt  }
0x5a: {  	_ =	shalt  }
0x5b: {  	_ =	shalt  }
0x5c: {  	_ =	shalt  }
0x5d: {  	_ =	shalt  }
0x5e: {  	_ =	shalt  }
0x5f: {  	_ =	shalt  }
0x60: {  	_ =	shalt  }
0x61: {  	_ =	shalt  }
0x62: {  	_ =	shalt  }
0x63: {  	_ =	shalt  }
0x64: {  	_ =	shalt  }
0x65: {  	_ =	shalt  }
0x66: {  	_ =	shalt  }
0x67: {  	_ =	shalt  }
0x68: {  	_ =	shalt  }
0x69: {  	_ =	shalt  }
0x6a: {  	_ =	shalt  }
0x6b: {  	_ =	shalt  }
0x6c: {  	_ =	shalt  }
0x6d: {  	_ =	shalt  }
0x6e: {  	_ =	shalt  }
0x6f: {  	_ =	shalt  }
0x70: {  	_ =	shalt  }
0x71: {  	_ =	shalt  }
0x72: {  	_ =	shalt  }
0x73: {  	_ =	shalt  }
0x74: {  	_ =	shalt  }
0x75: {  	_ =	shalt  }
0x76: {  	_ =	shalt  }
0x77: {  	_ =	shalt  }
0x78: {  	_ =	shalt  }
0x79: {  	_ =	shalt  }
0x7a: {  	_ =	shalt  }
0x7b: {  	_ =	shalt  }
0x7c: {  	_ =	shalt  }
0x7d: {  	_ =	shalt  }
0x7e: {  	_ =	shalt  }
0x7f: {  	_ =	shalt  }
0x80: {  	_ =	shalt  }
0x81: {  	_ =	shalt  }
0x82: {  	_ =	shalt  }
0x83: {  	_ =	shalt  }
0x84: {  	_ =	shalt  }
0x85: {  	_ =	shalt  }
0x86: {  	_ =	shalt  }
0x87: {  	_ =	shalt  }
.Lfunc_end0:
.L_simem_size_0:
called_computation.4_lowered:
.L_overlay_start_0:
0x88: {  	s2 =	sld [smem:$0x3FD9]  }
0x89: {  	s3 =	sld [smem:$0x3FFE];
	_ =	sdelay $0x1  }
0x8a: {  	s1 =	srdreg.scid  }
0x8b: {  	s0 =	sand.u32 $0x1, s1  }
0x8c: {  	s17 =	sshll.u32 s0, $0xA;
	s2 =	sadd.s32 s3, s2  }
0x8d: {  	s2 =	sadd.s32 s2, s17  }
0x8e: {  	[smem:$0x3FC0] =	sst s2  }
0x8f: {  	_ = 	snop  }
0x90: {  	s2 =	sld [smem:$0x3FD0];
	(tm) =	ssettm $0x1  }
0x91: {  	s18 =	sld [smem:$0x3FFB];
	_ =	sdelay $0x3  }
0x92: {  	_ =	strace s18  }
0x93: {  	s3 =	sld [smem:$0x3FFC];
	_ =	sdelay $0x3  }
0x94: {  	_ =	strace s3  }
0x95: {  	s3 =	sld [smem:$0x3FFD];
	_ =	sdelay $0x3  }
0x96: {  	_ =	strace s3  }
0x97: {  	_ =	strace $0x8FFFFFFF  }
0x98: {  	s19 =	sld [smem:$0x3FDB];
	_ =	sdelay $0x1  }
0x99: {  	s4 =	simm.s32 $_scs_section_size  }
0x9a: {  	s5 =	simm.s32 $_size__tile_overlayer_lowered;
	s6 =	simm.s32 $_tile_overlayer_lowered  }
0x9b: {  	s22 =	simm.s32 $0x1BFF;
	s21 =	sshll.u32 s6, $0x1;
	s3 =	sadd.s32 s4, s19  }
0x9c: {  	s7 =	simm.s32 $0x0;
	s20 =	sshll.u32 s5, $0x1;
	s5 =	sadd.s32 s21, s3  }
0x9d: {  	[timem:s7], [sflag:s22] =	dma.local [hbm:s5], s20  }
0x9e: {  	_ =	swait.ge [sflag:s22], s20  }
0x9f: {  	s4 =	ssub.s32 $0x0, s20;
	[sflag:s22] =	ssyncset.done $0x0  }
0xa0: {  	[sflag:s22] =	ssyncadd.s32 s4;
	_ =	sdelay $0x1  }
0xa1: {  	s23 =	simm.s32 $0x1B8B  }
0xa2: {  	_ =	swait.ge [sflag:s23], $0x1  }
0xa3: {  	[sflag:s23] =	ssyncset.done $0x0  }
0xa4: {  	s25 =	simm.s32 $0x1B8E;
	s24 =	sld [smem:$0x3FFE];
	[sflag:s23] =	ssyncadd.s32 $0xFFFFFFFF  }
0xa5: {  	s26 =	simm.s32 $execute0_lowered;
	[smem:$0x3FD2] =	sst s25  }
0xa6: {  	s5 =	sshll.u32 s26, $0x1;
	_ =	strace $0x80000052;
	[dreg:$0x1] =	wrdreg $0xFFFFFFFF  }
0xa7: {  	s28 =	simm.s32 $_size_execute0_lowered;
	s3 =	sadd.s32 s3, s5;
	[dreg:$0x0] =	wrdreg $0x0  }
0xa8: {  	s5 =	sshll.u32 s28, $0x1;
	[dreg:$0x2] =	wrdreg s3  }
0xa9: {  	[dreg:$0x3] =	wrdreg s5  }
0xaa: {  	[dreg:$0x4] =	wrdreg $0xC0  }
0xab: {  	_ =	task [dreg:s7], $0x5FFFF  }
0xac: {  	[dreg:$0x1] =	wrdreg $0xFFFFFFFF  }
0xad: {  	[dreg:$0x0] =	wrdreg $0x60  }
0xae: {  	[dreg:$0x2] =	wrdreg s24  }
0xaf: {  	[dreg:$0x3] =	wrdreg s2  }
0xb0: {  	[dreg:$0x4] =	wrdreg $0x68000  }
0xb1: {  	[dreg:$0x5] =	wrdreg $0x9  }
0xb2: {  	_ =	task.clear_ibuf [dreg:s7], $0x6FFFF;
	_ =	strace $0x90000052  }
0xb3: {  	s29 =	simm.s32 $0x9;
	_ =	strace $0x80000054  }
0xb4: {  	_ =	swait.ge [sflag:s29], $0x1  }
0xb5: {  	[sflag:s29] =	ssyncadd.s32 $0xFFFFFFFF  }
0xb6: {  	_ =	strace $0x90000054  }
0xb7: {  	_ =	sfence  }
0xb8: {  	s30 =	sld [smem:$0x0];
	_ =	sdelay $0x2  }
0xb9: {  	s31 =	sshll.u32 s1, $0xD;
	s1 =	sshrl.u32 s1, $0x2  }
0xba: {  	s3 =	sand.u32 $0x4000, s31;
	s1 =	sadd.s32 s1, s30  }
0xbb: {  	s0 =	sor.u32 s3, s0;
	s1 =	sshll.u32 s1, $0x11  }
0xbc: {  	s0 =	sor.u32 s1, s0  }
0xbd: {  	s0 =	sadd.s32 $0x8F2B, s0  }
0xbe: {  	[sflag:s0] =	ssyncadd.remote.s32 $0x1  }
0xbf: {  	_ =	sfence.sel $0xFFFF  }
0xc0: {  	[dreg:$0x0] =	wrdreg $0xFFFFFFFF;
	(pc) =	sbr.abs _section_cstart, $3  }
0xc1: {  	[dreg:$0x1] =	wrdreg $0xFFFFFFFF  }
0xc2: {  	_ =	task.clear_ibuf [dreg:s7], $0x2FFFF;
	_ =	strace $0x9FFFFFFF  }
0xc3: {  	(tm) =	ssettm $0x7FFFFFFF  }
tec
execute0_lowered:
.L_overlay_start_1:
0x0: {  	(tag) =	ssettag $0x1  }
0x1: {  	s0 =	rddreg [dreg:$0x0]  }
0x2: {  	s2 =	rddreg [dreg:$0x1]  }
0x3: {  	s3 =	rddreg [dreg:$0x2]  }
0x4: {  	s14 =	stileid.u32;
	s1 =	srdreg.scid;
	s4 =	simm.s32 $0x0  }
0x5: {  	s28 =	simm.s32 $0x2;
	s29 =	simm.s32 $0x0;
	s7 =	smul.u32 $0x14000, s14  }
0x6: {  	s1 =	sand.u32 $0x1, s1;
	[smem:$0x7FF] =	sst s4;
	s10 =	smul.u32 $0x50000, s14  }
0x7: {  	s5 =	sadd.s32 $0x36200, s0;
	s6 =	sadd.s32 $0x4400, s0;
	s24 =	smul.u32 $0x2710, s14  }
0x8: {  	s22 =	sshll.u32 s14, $0x6;
	s8 =	smul.u32 $0x140000, s1;
	_ =	strace $0x80000053  }
0x9: {  	s19 =	sshll.u32 s1, $0x4;
	s20 =	ssub.s32 $0x2, s1;
	s1 =	smul.u32 $0x27100, s1  }
0xa: {  	s9 =	sshrl.u32 s7, $0x3;
	s11 =	sshrl.u32 s20, $0x1;
	s21 =	sshrl.u32 s10, $0x2  }
0xb: {  	s9 =	sadd.s32 s9, s0;
	s7 =	sadd.s32 s7, s8;
	s8 =	sor.u32 s14, s19  }
0xc: {  	s13 =	ssub.s32 s20, s11;
	s18 =	sadd.s32 s21, s3;
	s1 =	sadd.s32 s24, s1  }
0xd: {  	s19 =	simm.s32 $0x4;
	s20 =	simm.s32 $0x100;
	s21 =	simm.s32 $0x200  }
0xe: {  	s24 =	simm.s32 $0xC8;
	s7 =	sshrl.u32 s7, $0x3;
	s12 =	smul.u32 $0x2710, s8  }
0xf: {  	s25 =	sadd.s32 $0xE200, s9;
	s8 =	sor.u32 $0x1C04, s22;
	s31 =	sadd.s32 $0xC8, s1  }
0x10: {  	s15 =	sadd.s32 $0x190, s1;
	s18 =	sshrl.u32 s18, $0x3;
	s22 =	simm.s32 $0x300  }
0x11: {  	s0 =	sadd.s32 s7, s0;
	[dreg:$0x4] =	wrdreg s25;
	s17 =	sshrl.u32 s31, $0x3  }
0x12: {  	s25 =	simm.s32 $0x400;
	s23 =	sshrl.u32 s12, $0x3;
	s12 =	sadd.s32 $0x2648, s12  }
0x13: {  	s11 =	sadd.s32 $0x5D400, s0;
	s16 =	sadd.s32 s17, s6;
	s17 =	sadd.s32 s17, s2  }
0x14: {  	s26 =	sadd.s32 s2, s23;
	s10 =	sadd.s32 s6, s23;
	s30 =	sshrl.u32 s12, $0x3  }
0x15: {  	s12 =	smax.u32 s13, $0x1;
	s23 =	simm.s32 $0x1;
	[dreg:$0x5] =	wrdreg s26  }
0x16: {  	s13 =	sadd.s32 s2, s30;
	s14 =	sadd.s32 s6, s30;
	s26 =	simm.s32 $0x3  }
.LBB2_1:
0x17: {  	s0 =	rddreg [dreg:$0x4]  }
0x18: {  	[spmem:s18], [sflag:s8] =	dma.local [hbm:s0], $0x2800  }
0x19: {  	_ =	swait.ge [sflag:s19], $0x2800  }
0x1a: {  	[sflag:s19] =	ssyncset.done $0x0  }
0x1b: {  	[sflag:s19] =	ssyncadd.s32 $0xFFFFD800  }
0x1c: {  	[bflag:$0x0] =	sbarrier.arrive $0xFFFF  }
0x1d: {  	s9 =	rddreg [dreg:$0x5]  }
0x1e: {  	[tilespmem:s4], [sflag:$0x1] =	stream.linear.gather [hbm4b:s9+s4], $0xC8, $0x38;
	[tilespmem:$0x1A800] =	vst v63  }
0x1f: {  	_ = 	snop  }
0x20: {  	[tilespmem:s20], [sflag:$0x1] =	stream.linear.gather [hbm4b:s10+s4], $0xC8, $0x38;
	[tilespmem:$0x1A800] =	vst v63  }
0x21: {  	s1 =	sadd.s32 $0x0, s17  }
0x22: {  	[tilespmem:s21], [sflag:$0x2] =	stream.linear.gather [hbm4b:s1+s4], $0xC8, $0x38;
	[tilespmem:$0x1A800] =	vst v63  }
0x23: {  	s7 =	sadd.s32 $0x0, s16  }
0x24: {  	[tilespmem:s22], [sflag:$0x2] =	stream.linear.gather [hbm4b:s7+s4], $0xC8, $0x38;
	[tilespmem:$0x1A800] =	vst v63  }
0x25: {  	_ =	swait.ge [sflag:s23], $0xC8  }
0x26: {  	[sflag:s23] =	ssyncset.done $0x0  }
0x27: {  	[sflag:s23] =	ssyncadd.s32 $0xFFFFFF38  }
0x28: {  	_ =	swait.ge [sflag:s23], $0xC8  }
0x29: {  	[sflag:s23] =	ssyncset.done $0x0  }
0x2a: {  	[sflag:s23] =	ssyncadd.s32 $0xFFFFFF38  }
0x2b: {  	[tilespmem:s25], [sflag:$0x3] =	stream.indirect.gather [hbm4b:s5+s24], $0x80, s4, s24, $0xb8;
	[tilespmem:$0x1A800] =	vst v63  }
0x2c: {  	_ =	swait.ge [sflag:s26], $0x6400  }
0x2d: {  	[sflag:s26] =	ssyncset.done $0x0  }
0x2e: {  	[sflag:s26] =	ssyncadd.s32 $0xFFFF9C00  }
0x2f: {  	[spmem:s3] =	stream.indirect.scatter.add.f32 [tilespmem:s25], [sflag:$0x4], $0x80, s20, s24, $0xb8;
	[tilespmem:$0x1A800] =	vst v63  }
0x30: {  	_ =	swait.ge [sflag:s19], $0x6400  }
0x31: {  	s9 =	sshrl.u32 s15, $0x3;
	[sflag:s19] =	ssyncset.done $0x0  }
0x32: {  	s1 =	sadd.s32 s2, s9;
	[sflag:s19] =	ssyncadd.s32 $0xFFFF9C00  }
0x33: {  	[tilespmem:s4], [sflag:$0x1] =	stream.linear.gather [hbm4b:s1+s4], $0xC8, $0x38;
	[tilespmem:$0x1A800] =	vst v63  }
0x34: {  	s0 =	sadd.s32 s6, s9  }
0x35: {  	[tilespmem:s20], [sflag:$0x1] =	stream.linear.gather [hbm4b:s0+s4], $0xC8, $0x38;
	[tilespmem:$0x1A800] =	vst v63  }
0x36: {  	_ =	swait.ge [sflag:s28], $0xC8  }
0x37: {  	[sflag:s28] =	ssyncset.done $0x0  }
0x38: {  	[sflag:s28] =	ssyncadd.s32 $0xFFFFFF38  }
0x39: {  	_ =	swait.ge [sflag:s28], $0xC8  }
0x3a: {  	[sflag:s28] =	ssyncset.done $0x0  }
0x3b: {  	[sflag:s28] =	ssyncadd.s32 $0xFFFFFF38  }
0x3c: {  	[tilespmem:s25], [sflag:$0x3] =	stream.indirect.gather [hbm4b:s5+s24], $0x80, s21, s24, $0xb8;
	[tilespmem:$0x1A800] =	vst v63  }
0x3d: {  	_ =	swait.ge [sflag:s26], $0x6400  }
0x3e: {  	[sflag:s26] =	ssyncset.done $0x0  }
0x3f: {  	[sflag:s26] =	ssyncadd.s32 $0xFFFF9C00  }
0x40: {  	[spmem:s3] =	stream.indirect.scatter.add.f32 [tilespmem:s25], [sflag:$0x4], $0x80, s22, s24, $0xb8;
	[tilespmem:$0x1A800] =	vst v63  }
0x41: {  	s31 =	simm.s32 $0x32;
	_ =	swait.ge [sflag:s19], $0x6400  }
0x42: {  	s30 =	sadd.s32 $0x190, s15;
	s0 =	simm.s32 $0x64;
	[sflag:s19] =	ssyncset.done $0x0  }
.LBB2_2:
0x43: {  	s7 =	sadd.s32 s31, s17  }
0x44: {  	[sflag:s19] =	ssyncadd.s32 $0xFFFF9C00;
	s9 =	smov.u32 s0;
	s1 =	sadd.s32 $0x32, s0  }
0x45: {  	[tilespmem:s21], [sflag:$0x2] =	stream.linear.gather [hbm4b:s7+s4], $0xC8, $0x38;
	[tilespmem:$0x1A800] =	vst v63  }
0x46: {  	p0 =	sne.s32 s0, $0x47E;
	s0 =	sadd.s32 s31, s16;
	s31 =	smov.u32 s9  }
0x47: {  	[tilespmem:s22], [sflag:$0x2] =	stream.linear.gather [hbm4b:s0+s4], $0xC8, $0x38;
	[tilespmem:$0x1A800] =	vst v63  }
0x48: {  	_ =	swait.ge [sflag:s23], $0xC8  }
0x49: {  	[sflag:s23] =	ssyncset.done $0x0  }
0x4a: {  	[sflag:s23] =	ssyncadd.s32 $0xFFFFFF38  }
0x4b: {  	_ =	swait.ge [sflag:s23], $0xC8  }
0x4c: {  	[sflag:s23] =	ssyncset.done $0x0  }
0x4d: {  	[sflag:s23] =	ssyncadd.s32 $0xFFFFFF38  }
0x4e: {  	[tilespmem:s25], [sflag:$0x3] =	stream.indirect.gather [hbm4b:s5+s24], $0x80, s4, s24, $0xb8;
	[tilespmem:$0x1A800] =	vst v63  }
0x4f: {  	_ =	swait.ge [sflag:s26], $0x6400  }
0x50: {  	[sflag:s26] =	ssyncset.done $0x0  }
0x51: {  	[sflag:s26] =	ssyncadd.s32 $0xFFFF9C00  }
0x52: {  	[spmem:s3] =	stream.indirect.scatter.add.f32 [tilespmem:s25], [sflag:$0x4], $0x80, s20, s24, $0xb8;
	[tilespmem:$0x1A800] =	vst v63  }
0x53: {  	_ =	swait.ge [sflag:s19], $0x6400  }
0x54: {  	s0 =	sshrl.u32 s30, $0x3;
	[sflag:s19] =	ssyncset.done $0x0  }
0x55: {  	s7 =	sadd.s32 s2, s0;
	[sflag:s19] =	ssyncadd.s32 $0xFFFF9C00  }
0x56: {  	[tilespmem:s4], [sflag:$0x1] =	stream.linear.gather [hbm4b:s7+s4], $0xC8, $0x38;
	[tilespmem:$0x1A800] =	vst v63  }
0x57: {  	s0 =	sadd.s32 s6, s0  }
0x58: {  	[tilespmem:s20], [sflag:$0x1] =	stream.linear.gather [hbm4b:s0+s4], $0xC8, $0x38;
	[tilespmem:$0x1A800] =	vst v63  }
0x59: {  	_ =	swait.ge [sflag:s28], $0xC8  }
0x5a: {  	[sflag:s28] =	ssyncset.done $0x0  }
0x5b: {  	[sflag:s28] =	ssyncadd.s32 $0xFFFFFF38  }
0x5c: {  	_ =	swait.ge [sflag:s28], $0xC8  }
0x5d: {  	[sflag:s28] =	ssyncset.done $0x0  }
0x5e: {  	[sflag:s28] =	ssyncadd.s32 $0xFFFFFF38  }
0x5f: {  	[tilespmem:s25], [sflag:$0x3] =	stream.indirect.gather [hbm4b:s5+s24], $0x80, s21, s24, $0xb8;
	[tilespmem:$0x1A800] =	vst v63  }
0x60: {  	_ =	swait.ge [sflag:s26], $0x6400  }
.Ltmp0:
0x61: {  	[sflag:s26] =	ssyncset.done $0x0;
	(pc) =	sbr.rel @p0 .LBB2_2-.Ltmp0, $4  }
0x62: {  	[sflag:s26] =	ssyncadd.s32 $0xFFFF9C00  }
0x63: {  	[spmem:s3] =	stream.indirect.scatter.add.f32 [tilespmem:s25], [sflag:$0x4], $0x80, s22, s24, $0xb8;
	[tilespmem:$0x1A800] =	vst v63  }
0x64: {  	_ =	swait.ge [sflag:s19], $0x6400  }
0x65: {  	s30 =	sadd.s32 $0x190, s30;
	s0 =	smov.u32 s1;
	[sflag:s19] =	ssyncset.done $0x0  }
0x66: {  	s0 =	sadd.s32 s31, s17;
	[sflag:s19] =	ssyncadd.s32 $0xFFFF9C00  }
0x67: {  	[tilespmem:s21], [sflag:$0x2] =	stream.linear.gather [hbm4b:s0+s4], $0xC8, $0x38;
	[tilespmem:$0x1A800] =	vst v63  }
0x68: {  	s9 =	sadd.s32 s31, s16  }
0x69: {  	[tilespmem:s22], [sflag:$0x2] =	stream.linear.gather [hbm4b:s9+s4], $0xC8, $0x38;
	[tilespmem:$0x1A800] =	vst v63  }
0x6a: {  	_ =	swait.ge [sflag:s23], $0xC8  }
0x6b: {  	[sflag:s23] =	ssyncset.done $0x0  }
0x6c: {  	[sflag:s23] =	ssyncadd.s32 $0xFFFFFF38  }
0x6d: {  	_ =	swait.ge [sflag:s23], $0xC8  }
0x6e: {  	[sflag:s23] =	ssyncset.done $0x0  }
0x6f: {  	[sflag:s23] =	ssyncadd.s32 $0xFFFFFF38  }
0x70: {  	[tilespmem:s25], [sflag:$0x3] =	stream.indirect.gather [hbm4b:s5+s24], $0x80, s4, s24, $0xb8;
	[tilespmem:$0x1A800] =	vst v63  }
0x71: {  	_ =	swait.ge [sflag:s26], $0x6400  }
0x72: {  	[sflag:s26] =	ssyncset.done $0x0  }
0x73: {  	[sflag:s26] =	ssyncadd.s32 $0xFFFF9C00  }
0x74: {  	[spmem:s3] =	stream.indirect.scatter.add.f32 [tilespmem:s25], [sflag:$0x4], $0x80, s20, s24, $0xb8;
	[tilespmem:$0x1A800] =	vst v63  }
0x75: {  	_ =	swait.ge [sflag:s19], $0x6400  }
0x76: {  	s31 =	sshrl.u32 s30, $0x3;
	[sflag:s19] =	ssyncset.done $0x0  }
0x77: {  	s1 =	sadd.s32 s2, s31;
	[sflag:s19] =	ssyncadd.s32 $0xFFFF9C00  }
0x78: {  	[tilespmem:s4], [sflag:$0x1] =	stream.linear.gather [hbm4b:s1+s4], $0xC8, $0x38;
	[tilespmem:$0x1A800] =	vst v63  }
0x79: {  	s0 =	sadd.s32 s6, s31  }
0x7a: {  	[tilespmem:s20], [sflag:$0x1] =	stream.linear.gather [hbm4b:s0+s4], $0xC8, $0x38;
	[tilespmem:$0x1A800] =	vst v63  }
0x7b: {  	_ =	swait.ge [sflag:s28], $0xC8  }
0x7c: {  	[sflag:s28] =	ssyncset.done $0x0  }
0x7d: {  	[sflag:s28] =	ssyncadd.s32 $0xFFFFFF38  }
0x7e: {  	_ =	swait.ge [sflag:s28], $0xC8  }
0x7f: {  	[sflag:s28] =	ssyncset.done $0x0  }
0x80: {  	[sflag:s28] =	ssyncadd.s32 $0xFFFFFF38  }
0x81: {  	[tilespmem:s25], [sflag:$0x3] =	stream.indirect.gather [hbm4b:s5+s24], $0x80, s21, s24, $0xb8;
	[tilespmem:$0x1A800] =	vst v63  }
0x82: {  	_ =	swait.ge [sflag:s26], $0x6400  }
0x83: {  	[sflag:s26] =	ssyncset.done $0x0  }
0x84: {  	[sflag:s26] =	ssyncadd.s32 $0xFFFF9C00  }
0x85: {  	[spmem:s3] =	stream.indirect.scatter.add.f32 [tilespmem:s25], [sflag:$0x4], $0x80, s22, s24, $0xb8;
	[tilespmem:$0x1A800] =	vst v63  }
0x86: {  	_ =	swait.ge [sflag:s19], $0x6400  }
0x87: {  	[sflag:s19] =	ssyncset.done $0x0  }
0x88: {  	[sflag:s19] =	ssyncadd.s32 $0xFFFF9C00  }
0x89: {  	[tilespmem:s21], [sflag:$0x2] =	stream.linear.gather [hbm4b:s13+s4], $0xC8, $0x38;
	[tilespmem:$0x1A800] =	vst v63  }
0x8a: {  	_ = 	snop  }
0x8b: {  	[tilespmem:s22], [sflag:$0x2] =	stream.linear.gather [hbm4b:s14+s4], $0xC8, $0x38;
	[tilespmem:$0x1A800] =	vst v63  }
0x8c: {  	_ =	swait.ge [sflag:s23], $0xC8  }
0x8d: {  	[sflag:s23] =	ssyncset.done $0x0  }
0x8e: {  	[sflag:s23] =	ssyncadd.s32 $0xFFFFFF38  }
0x8f: {  	_ =	swait.ge [sflag:s23], $0xC8  }
0x90: {  	[sflag:s23] =	ssyncset.done $0x0  }
0x91: {  	[sflag:s23] =	ssyncadd.s32 $0xFFFFFF38  }
0x92: {  	[tilespmem:s25], [sflag:$0x3] =	stream.indirect.gather [hbm4b:s5+s24], $0x80, s4, s24, $0xb8;
	[tilespmem:$0x1A800] =	vst v63  }
0x93: {  	_ =	swait.ge [sflag:s26], $0x6400  }
0x94: {  	[sflag:s26] =	ssyncset.done $0x0  }
0x95: {  	[sflag:s26] =	ssyncadd.s32 $0xFFFF9C00  }
0x96: {  	[spmem:s3] =	stream.indirect.scatter.add.f32 [tilespmem:s25], [sflag:$0x4], $0x80, s20, s24, $0xb8;
	[tilespmem:$0x1A800] =	vst v63  }
0x97: {  	_ =	swait.ge [sflag:s19], $0x6400  }
0x98: {  	[sflag:s19] =	ssyncset.done $0x0  }
0x99: {  	[sflag:s19] =	ssyncadd.s32 $0xFFFF9C00  }
0x9a: {  	_ =	swait.ge [sflag:s28], $0xC8  }
0x9b: {  	[sflag:s28] =	ssyncset.done $0x0  }
0x9c: {  	[sflag:s28] =	ssyncadd.s32 $0xFFFFFF38  }
0x9d: {  	_ =	swait.ge [sflag:s28], $0xC8  }
0x9e: {  	[sflag:s28] =	ssyncset.done $0x0  }
0x9f: {  	[sflag:s28] =	ssyncadd.s32 $0xFFFFFF38  }
0xa0: {  	[tilespmem:s25], [sflag:$0x3] =	stream.indirect.gather [hbm4b:s5+s24], $0x80, s21, s24, $0xb8;
	[tilespmem:$0x1A800] =	vst v63  }
0xa1: {  	_ =	swait.ge [sflag:s26], $0x6400  }
0xa2: {  	[sflag:s26] =	ssyncset.done $0x0  }
0xa3: {  	[sflag:s26] =	ssyncadd.s32 $0xFFFF9C00  }
0xa4: {  	[spmem:s3] =	stream.indirect.scatter.add.f32 [tilespmem:s25], [sflag:$0x4], $0x80, s22, s24, $0xb8;
	[tilespmem:$0x1A800] =	vst v63  }
0xa5: {  	_ =	swait.ge [sflag:s19], $0x6400  }
0xa6: {  	s29 =	sadd.s32 $0x1, s29;
	[sflag:s19] =	ssyncset.done $0x0  }
0xa7: {  	p0 =	sne.s32 s29, s12;
	[sflag:s19] =	ssyncadd.s32 $0xFFFF9C00  }
.Ltmp1:
0xa8: {  	[bflag:$0x0] =	sbarrier.arrive $0xFFFF;
	(pc) =	sbr.rel @p0 .LBB2_1-.Ltmp1, $4  }
0xa9: {  	[hbm:s11], [sflag:s8] =	dma.local [spmem:s18], $0x2800  }
0xaa: {  	_ =	swait.ge [sflag:s19], $0x2800  }
0xab: {  	[sflag:s19] =	ssyncset.done $0x0  }
0xac: {  	[sflag:s19] =	ssyncadd.s32 $0xFFFFD800  }
0xad: {  	_ =	sfence.sel $0x180000  }
0xae: {  	[bflag:$0x0] =	sbarrier.arrive $0xFFFF  }
0xaf: {  	_ =	strace $0x90000053  }
0xb0: {  	s0 =	stileid.u32;
	[bflag:$0x2] =	sbarrier.arrive $0xFFFF  }
0xb1: {  	p0 =	sne.s32 s0, $0x0;
	s0 =	rddreg [dreg:$0x3]  }
0xb2: {  	s0 =	sadd.s32 @!p0 $0x100000, s0  }
0xb3: {  	[sflag:s0] =	ssyncadd.tile.s32 @!p0 $0x1;
	_ =	shalt  }
.Lfunc_end2:
_tile_overlayer_lowered:
.L_overlay_start_2:
0xb4: {  	(tag) =	ssettag $0x2  }
0xb5: {  	s0 =	rddreg [dreg:$0x0];
	s2 =	stileid.u32  }
0xb6: {  	s1 =	rddreg [dreg:$0x1];
	p0 =	sne.s32 s2, $0x0  }
0xb7: {  	s3 =	rddreg [dreg:$0x2];
	[bflag:$0x3] =	sbarrier.arrive $0xFFFF;
	s2 =	simm.s32 @!p0 $0x1C04  }
0xb8: {  	[timem:s3], [sflag:s2] =	dma.local @!p0 [hbm:s0], s1  }
0xb9: {  	s0 =	simm.s32 @!p0 $0x4  }
0xba: {  	_ =	swait.ge @!p0 [sflag:s0], s1  }
0xbb: {  	s1 =	ssub.s32 @!p0 $0x0, s1;
	[sflag:s0] =	ssyncset.done @!p0 $0x0  }
0xbc: {  	[sflag:s0] =	ssyncadd.s32 @!p0 s1  }
0xbd: {  	[bflag:$0x3] =	sbarrier.arrive $0xFFFF  }
0xbe: {  	_ =	shalt  }

</sc_bundles>
